<compile_context>
chip_gen: v7x
topology: tpu7x:2x2x1
jax: 0.10.2.dev20260603
libtpu: 0.0.44.dev20260713+nightly
codegen_flags: <defaults>
</compile_context>

<pallas_src>
import functools

import jax
import jax.numpy as jnp
from jax import lax
from jax.scipy.linalg import block_diag
from jax.experimental import pallas as pl
from jax.experimental.pallas import tpu as pltpu
from jax.experimental.pallas import tpu_sc as plsc

_NC = 2
_NS = 16
_NW = _NC * _NS
_L = 16
_CHUNK = 128
_ZB = 64

_HIGH = lax.Precision.HIGHEST


def _round_up(a, b):
    return -(-a // b) * b




_NBUF = 5


def _make_sc_segsum(n, h, n_pad, e_pad, with_cnt):
    pw = e_pad // _NW
    nchunk = pw // _CHUNK
    ngroup = nchunk // _NBUF
    rps = n_pad // _NS
    nzb = rps // _ZB
    mesh = plsc.VectorSubcoreMesh(core_axis_name="c", subcore_axis_name="s")

    out_type = [jax.ShapeDtypeStruct((_NC, n_pad, h), jnp.float32)]
    scratch = [
        pltpu.VMEM_SHARED((n_pad, h), jnp.float32),
        pltpu.VMEM((_ZB, h), jnp.float32),
        pltpu.VMEM((nchunk, _CHUNK), jnp.int32),
        pltpu.VMEM((nchunk, _CHUNK), jnp.int32),
        pltpu.VMEM((_NBUF * _CHUNK, h), jnp.float32),
        pltpu.SemaphoreType.DMA((_NBUF,)),
        pltpu.SemaphoreType.DMA((_NBUF,)),
    ]
    if with_cnt:
        out_type.append(jax.ShapeDtypeStruct((_NC, n_pad, _L), jnp.float32))
        scratch += [
            pltpu.VMEM_SHARED((n_pad, _L), jnp.float32),
            pltpu.VMEM((_ZB, _L), jnp.float32),
            pltpu.VMEM((_CHUNK, _L), jnp.float32),
            pltpu.SemaphoreType.DMA((_NBUF,)),
        ]

    @functools.partial(
        pl.kernel, mesh=mesh, out_type=tuple(out_type),
        scratch_types=scratch,
        compiler_params=pltpu.CompilerParams(use_tc_tiling_on_sc=False))
    def sc_kernel(y_hbm, src_hbm, dst_hbm, *refs):
        if with_cnt:
            (out_hbm, cnt_hbm, acc_sh, zero_v, srcl, dstl, rows, gsem, ssem,
             cnt_sh, zcnt_v, ones_v, csem) = refs
        else:
            (out_hbm, acc_sh, zero_v, srcl, dstl, rows, gsem, ssem) = refs

        c = lax.axis_index("c")
        s = lax.axis_index("s")
        w = c * _NS + s

        zf = jnp.zeros((_L,), jnp.float32)

        @pl.loop(0, _ZB)
        def _(i):
            for j in range(0, h, _L):
                zero_v[i, pl.ds(j, _L)] = zf

        zbase = s * rps

        @pl.loop(0, nzb)
        def _(k):
            pltpu.sync_copy(zero_v, acc_sh.at[pl.ds(zbase + k * _ZB, _ZB)])

        if with_cnt:
            of = jnp.full((_L,), 1.0, jnp.float32)

            @pl.loop(0, _ZB)
            def _(i):
                zcnt_v[i, pl.ds(0, _L)] = zf

            @pl.loop(0, _CHUNK)
            def _(i):
                ones_v[i, pl.ds(0, _L)] = of

            @pl.loop(0, nzb)
            def _(k):
                pltpu.sync_copy(zcnt_v, cnt_sh.at[pl.ds(zbase + k * _ZB, _ZB)])

        pltpu.sync_copy(src_hbm.at[w], srcl)
        pltpu.sync_copy(dst_hbm.at[w], dstl)

        plsc.subcore_barrier()

        def buf(b):
            return rows.at[pl.ds(b * _CHUNK, _CHUNK)]

        def wait_gather(b):
            pltpu.make_async_copy(y_hbm.at[pl.ds(0, _CHUNK)], buf(b),
                                  gsem.at[b]).wait()

        def wait_scatter(b):
            pltpu.make_async_copy(y_hbm.at[pl.ds(0, _CHUNK)], buf(b),
                                  ssem.at[b]).wait()
            if with_cnt:
                pltpu.make_async_copy(cnt_hbm.at[0].at[pl.ds(0, _CHUNK)],
                                      ones_v, csem.at[b]).wait()

        for b in range(_NBUF):
            pltpu.async_copy(y_hbm.at[srcl.at[b]], buf(b), gsem.at[b])

        @pl.loop(0, ngroup)
        def _(g):
            j0 = g * _NBUF
            jn = jnp.minimum(g + 1, ngroup - 1) * _NBUF
            for b in range(_NBUF):
                wait_gather(b)
                pltpu.async_copy(buf(b), acc_sh.at[dstl.at[j0 + b]],
                                 ssem.at[b], add=True)
                if with_cnt:
                    pltpu.async_copy(ones_v, cnt_sh.at[dstl.at[j0 + b]],
                                     csem.at[b], add=True)
            for b in range(_NBUF):
                wait_scatter(b)
                pltpu.async_copy(y_hbm.at[srcl.at[jn + b]], buf(b),
                                 gsem.at[b])

        for b in range(_NBUF):
            wait_gather(b)

        plsc.subcore_barrier()

        obase = s * rps
        pltpu.sync_copy(acc_sh.at[pl.ds(obase, rps)],
                        out_hbm.at[c].at[pl.ds(obase, rps)])
        if with_cnt:
            pltpu.sync_copy(cnt_sh.at[pl.ds(obase, rps)],
                            cnt_hbm.at[c].at[pl.ds(obase, rps)])

    return sc_kernel




_BR = 1280


def _grid(m):
    return (-(-m // _BR),)


def _proj1(x, wa):
    m = x.shape[0]
    d2 = x.shape[1]
    ha = wa.shape[1]

    def body(x_ref, wa_ref, ya_ref):
        ya_ref[...] = lax.dot(x_ref[...], wa_ref[...], precision=_HIGH)

    return pl.pallas_call(
        body,
        grid=_grid(m),
        in_specs=[
            pl.BlockSpec((_BR, d2), lambda i: (i, 0)),
            pl.BlockSpec(wa.shape, lambda i: (0, 0)),
        ],
        out_specs=pl.BlockSpec((_BR, ha), lambda i: (i, 0)),
        out_shape=jax.ShapeDtypeStruct((m, ha), jnp.float32),
    )(x, wa)


def _combine(p_ref, c_ref, r_ref, a_ref, cv_ref, m, qn):
    agg = p_ref[0, :m, :] + p_ref[1, :m, :]
    ct = c_ref[0, :qn, :] + c_ref[1, :qn, :]
    iv = 1.0 / jnp.maximum(ct, 1.0)
    pieces = [
        jnp.concatenate([iv[:, 32 * j:32 * j + 16]] * 4
                        + [iv[:, 32 * j + 16:32 * j + 32]] * 4, axis=1)
        for j in range(4)
    ]
    inv = jnp.stack(pieces, axis=1).reshape(m, 128)
    return jnp.maximum((agg * inv + r_ref[...]) * a_ref[...] + cv_ref[...],
                       0.0)


def _node_specs(extra):
    return [
        pl.BlockSpec((_NC, _BR, 128), lambda i: (0, i, 0)),
        pl.BlockSpec((_NC, _BR // 4, 128), lambda i: (0, i, 0)),
        pl.BlockSpec((_BR, 128), lambda i: (i, 0)),
        pl.BlockSpec((1, 128), lambda i: (0, 0)),
        pl.BlockSpec((1, 128), lambda i: (0, 0)),
    ] + extra


def _mid_layer(p, cnt, r, a, cv, wl):
    m = r.shape[0]

    def body(p_ref, c_ref, r_ref, a_ref, cv_ref, wl_ref, y_ref, h_ref):
        hid = _combine(p_ref, c_ref, r_ref, a_ref, cv_ref, _BR, _BR // 4)
        y_ref[...] = lax.dot(hid, wl_ref[...], precision=_HIGH)
        h_ref[...] = hid

    return pl.pallas_call(
        body,
        grid=_grid(m),
        in_specs=_node_specs([pl.BlockSpec(wl.shape, lambda i: (0, 0))]),
        out_specs=(pl.BlockSpec((_BR, 128), lambda i: (i, 0)),
                   pl.BlockSpec((_BR, 128), lambda i: (i, 0))),
        out_shape=(jax.ShapeDtypeStruct((m, 128), jnp.float32),
                   jax.ShapeDtypeStruct((m, 128), jnp.float32)),
    )(p, cnt, r, a, cv, wl)


def _final_layer(p, cnt, r, a, cv, wo, bo):
    m = r.shape[0]

    def body(p_ref, c_ref, r_ref, a_ref, cv_ref, wo_ref, bo_ref, o_ref):
        hid = _combine(p_ref, c_ref, r_ref, a_ref, cv_ref, _BR, _BR // 4)
        t = hid * wo_ref[...]
        lo = jnp.sum(t[:, :64], axis=1, keepdims=True)
        hi = jnp.sum(t[:, 64:], axis=1, keepdims=True)
        o_ref[...] = jnp.concatenate([lo, hi], axis=1) + bo_ref[...]

    return pl.pallas_call(
        body,
        grid=_grid(m),
        in_specs=_node_specs([pl.BlockSpec((1, 128), lambda i: (0, 0)),
                              pl.BlockSpec((1, 1), lambda i: (0, 0))]),
        out_specs=pl.BlockSpec((_BR, 2), lambda i: (i, 0)),
        out_shape=jax.ShapeDtypeStruct((m, 2), jnp.float32),
    )(p, cnt, r, a, cv, wo, bo)




def kernel(x, edge_index, Wl1, bl1, Wr1, Wl2, bl2, Wr2,
           g1, b1, rm1, rv1, g2, b2, rm2, rv2, Wo, bo):
    n, d = x.shape
    e = edge_index.shape[1]
    h = Wl1.shape[0]

    e_pad = _round_up(e, _NW * _CHUNK * _NBUF)
    n_pad = _round_up(n, _NS * _ZB)
    if e_pad > e and n_pad == n:
        n_pad += _NS * _ZB
    src = edge_index[0]
    dst = edge_index[1]
    if e_pad > e:
        pad = e_pad - e
        ar = jnp.arange(pad, dtype=jnp.int32)
        src = jnp.concatenate([src, ar % n])
        dst = jnp.concatenate([dst, n + ar % (n_pad - n)])
    nchunk = e_pad // (_NW * _CHUNK)
    src = src.reshape(_NW, nchunk, _CHUNK)
    dst = dst.reshape(_NW, nchunk, _CHUNK)

    a1 = g1 / jnp.sqrt(rv1 + 1e-5)
    c1 = b1 + (bl1 - rm1) * a1
    a2 = g2 / jnp.sqrt(rv2 + 1e-5)
    c2 = b2 + (bl2 - rm2) * a2

    sc1 = _make_sc_segsum(n, h, n_pad, e_pad, with_cnt=True)
    sc2 = _make_sc_segsum(n, h, n_pad, e_pad, with_cnt=False)

    bd = block_diag
    two = lambda v: jnp.concatenate([v, v]).reshape(1, 2 * h)
    x_pair = x.reshape(n // 2, 2 * d)

    y1p = _proj1(x_pair, bd(Wl1.T, Wl1.T))
    p1, cnt = sc1(y1p.reshape(n, h), src, dst)
    r1p = _proj1(x_pair, bd(Wr1.T, Wr1.T))
    p1p = p1.reshape(_NC, n_pad // 2, 128)
    cntp = cnt.reshape(_NC, n_pad * _L // 128, 128)
    y2p, hmid = _mid_layer(p1p, cntp, r1p, two(a1), two(c1),
                           bd(Wl2.T, Wl2.T))
    (p2,) = sc2(y2p.reshape(n, h), src, dst)
    r2p = _proj1(hmid, bd(Wr2.T, Wr2.T))
    p2p = p2.reshape(_NC, n_pad // 2, 128)
    out = _final_layer(p2p, cntp, r2p, two(a2), two(c2),
                       two(Wo.reshape(h)), bo.reshape(1, 1))
    return out.reshape(n, 1)

# --- scband reference (transcript-rebuilt; emitter-appended) ---
"""Pipeline reference for scband-spatial-gnn-9680856285586 (READ-ONLY COPY).

The authoritative reference and input builder live on the scoring server;
editing this copy changes nothing except your own understanding.
"""

import jax, jax.numpy as jnp
import numpy as np

N, E, D, H, O = 10000, 320000, 128, 64, 1


def setup_inputs(seed: int = 0) -> dict:
    key = jax.random.key(seed)
    ks = jax.random.split(key, 16)
    inp = {}
    inp["x"] = jax.random.normal(ks[0], (N, D), dtype=jnp.float32)
    inp["edge_index"] = jax.random.randint(ks[1], (2, E), 0, N, dtype=jnp.int32)
    # SAGEConv layer 1: lin_l (neighbor, with bias) and lin_r (root, no bias)
    inp["Wl1"] = jax.random.normal(ks[2], (H, D), dtype=jnp.float32) * 0.05
    inp["bl1"] = jnp.zeros((H,), dtype=jnp.float32)
    inp["Wr1"] = jax.random.normal(ks[3], (H, D), dtype=jnp.float32) * 0.05
    # SAGEConv layer 2
    inp["Wl2"] = jax.random.normal(ks[4], (H, H), dtype=jnp.float32) * 0.05
    inp["bl2"] = jnp.zeros((H,), dtype=jnp.float32)
    inp["Wr2"] = jax.random.normal(ks[5], (H, H), dtype=jnp.float32) * 0.05
    # BatchNorm params + running stats (eval mode)
    inp["g1"] = jnp.ones((H,), dtype=jnp.float32)
    inp["b1"] = jnp.zeros((H,), dtype=jnp.float32)
    inp["rm1"] = jnp.zeros((H,), dtype=jnp.float32)
    inp["rv1"] = jnp.ones((H,), dtype=jnp.float32)
    inp["g2"] = jnp.ones((H,), dtype=jnp.float32)
    inp["b2"] = jnp.zeros((H,), dtype=jnp.float32)
    inp["rm2"] = jnp.zeros((H,), dtype=jnp.float32)
    inp["rv2"] = jnp.ones((H,), dtype=jnp.float32)
    # Output projection
    inp["Wo"] = jax.random.normal(ks[6], (O, H), dtype=jnp.float32) * 0.05
    inp["bo"] = jnp.zeros((O,), dtype=jnp.float32)
    return inp


def reference(x, edge_index, Wl1, bl1, Wr1, Wl2, bl2, Wr2, g1, b1, rm1, rv1, g2, b2, rm2, rv2, Wo, bo):
    src = edge_index[0]
    dst = edge_index[1]

    def sage_conv(h, Wl, bl, Wr):
        # mean aggregation of neighbor (source) features at destination nodes
        msg = jnp.take(h, src, axis=0)
        agg = jax.ops.segment_sum(msg, dst, num_segments=h.shape[0])
        cnt = jax.ops.segment_sum(jnp.ones((src.shape[0],), dtype=h.dtype), dst, num_segments=h.shape[0])
        mean = agg / jnp.maximum(cnt, 1.0)[:, None]
        return mean @ Wl.T + bl + h @ Wr.T

    def batch_norm(h, g, b, rm, rv):
        return (h - rm) / jnp.sqrt(rv + 1e-5) * g + b

    h = sage_conv(x, Wl1, bl1, Wr1)
    h = jax.nn.relu(batch_norm(h, g1, b1, rm1, rv1))
    # dropout identity in eval mode
    h = sage_conv(h, Wl2, bl2, Wr2)
    h = jax.nn.relu(batch_norm(h, g2, b2, rm2, rv2))
    out = h @ Wo.T + bo
    return out

if __name__ == "__main__":
    import jax
    _d = setup_inputs()
    print(jax.jit(kernel)(*tuple(_d.values())))

</pallas_src>

<mosaic_0001>
#map = affine_map<(d0, d1) -> (0, 0)>
#map1 = affine_map<(d0, d1) -> (0, 0, 0)>
module attributes {stable_mosaic.version = 14 : i64} {
  func.func @sc_kernel(%arg0: i32, %arg1: i32, %arg2: memref<10000x64xf32, #tpu.memory_space<hbm>>, %arg3: memref<32x80x128xi32, #tpu.memory_space<hbm>>, %arg4: memref<32x80x128xi32, #tpu.memory_space<hbm>>, %arg5: memref<2x10240x64xf32, #tpu.memory_space<hbm>>, %arg6: memref<2x10240x16xf32, #tpu.memory_space<hbm>>, %arg7: memref<10240x64xf32, #tpu.memory_space<vmem_shared>>, %arg8: memref<64x64xf32, #tpu.memory_space<vmem>>, %arg9: memref<80x128xi32, #tpu.memory_space<vmem>>, %arg10: memref<80x128xi32, #tpu.memory_space<vmem>>, %arg11: memref<640x64xf32, #tpu.memory_space<vmem>>, %arg12: memref<5x!tpu.dma_semaphore, #tpu.memory_space<semaphore_mem>>, %arg13: memref<5x!tpu.dma_semaphore, #tpu.memory_space<semaphore_mem>>, %arg14: memref<10240x16xf32, #tpu.memory_space<vmem_shared>>, %arg15: memref<64x16xf32, #tpu.memory_space<vmem>>, %arg16: memref<128x16xf32, #tpu.memory_space<vmem>>, %arg17: memref<5x!tpu.dma_semaphore, #tpu.memory_space<semaphore_mem>>) attributes {dimension_semantics = [#tpu.dimension_semantics<core_parallel>, #tpu.dimension_semantics<subcore_parallel>], iteration_bounds = array<i64: 2, 16>, scalar_prefetch = 0 : i64, scratch_operands = 11 : i64, tpu.core_type = #tpu.core_type<sc_vector_subcore>, window_params = [{transform_indices = #map}, {transform_indices = #map1}, {transform_indices = #map1}, {transform_indices = #map1}, {transform_indices = #map1}]} {
    %mul3A = arith.constant 16 : i32
    %mul3A_0 = arith.muli %arg0, %mul3A : i32
    %add3A = arith.addi %mul3A_0, %arg1 : i32
    %broadcast_in_dim3A = arith.constant 0.000000e+00 : f32
    %broadcast_in_dim3A_1 = vector.broadcast %broadcast_in_dim3A : f32 to vector<16xf32>
    %scan3A = arith.constant 0 : i32
    %scan3A_2 = arith.constant 64 : i32
    %scan3A_3 = arith.addi %scan3A, %scan3A_2 : i32
    %scan3A_4 = arith.constant 1 : i32
    scf.for %scan3A_176 = %scan3A to %scan3A_3 step %scan3A_4  : i32 {
      %mul3A_177 = arith.constant 1 : i32
      %mul3A_178 = arith.muli %scan3A_176, %mul3A_177 : i32
      %add3A_179 = arith.constant 0 : i32
      %add3A_180 = arith.addi %add3A_179, %mul3A_178 : i32
      %swap3A = arith.index_cast %add3A_180 : i32 to index
      %swap3A_181 = arith.constant 0 : index
      %swap3A_182 = tpu.vector_load %arg8[%swap3A, %swap3A_181] {strides = array<i32>} : memref<64x64xf32, #tpu.memory_space<vmem>>, vector<1x16xf32>,
      %swap3A_183 = vector.shape_cast %swap3A_182 : vector<1x16xf32> to vector<16xf32>
      %swap3A_184 = vector.shape_cast %broadcast_in_dim3A_1 : vector<16xf32> to vector<1x16xf32>
      tpu.vector_store %arg8[%swap3A, %swap3A_181], %swap3A_184 {strides = array<i32>} : memref<64x64xf32, #tpu.memory_space<vmem>>, vector<1x16xf32>,
      %swap3A_185 = arith.index_cast %add3A_180 : i32 to index
      %swap3A_186 = arith.constant 16 : index
      %swap3A_187 = tpu.vector_load %arg8[%swap3A_185, %swap3A_186] {strides = array<i32>} : memref<64x64xf32, #tpu.memory_space<vmem>>, vector<1x16xf32>,
      %swap3A_188 = vector.shape_cast %swap3A_187 : vector<1x16xf32> to vector<16xf32>
      %swap3A_189 = vector.shape_cast %broadcast_in_dim3A_1 : vector<16xf32> to vector<1x16xf32>
      tpu.vector_store %arg8[%swap3A_185, %swap3A_186], %swap3A_189 {strides = array<i32>} : memref<64x64xf32, #tpu.memory_space<vmem>>, vector<1x16xf32>,
      %swap3A_190 = arith.index_cast %add3A_180 : i32 to index
      %swap3A_191 = arith.constant 32 : index
      %swap3A_192 = tpu.vector_load %arg8[%swap3A_190, %swap3A_191] {strides = array<i32>} : memref<64x64xf32, #tpu.memory_space<vmem>>, vector<1x16xf32>,
      %swap3A_193 = vector.shape_cast %swap3A_192 : vector<1x16xf32> to vector<16xf32>
      %swap3A_194 = vector.shape_cast %broadcast_in_dim3A_1 : vector<16xf32> to vector<1x16xf32>
      tpu.vector_store %arg8[%swap3A_190, %swap3A_191], %swap3A_194 {strides = array<i32>} : memref<64x64xf32, #tpu.memory_space<vmem>>, vector<1x16xf32>,
      %swap3A_195 = arith.index_cast %add3A_180 : i32 to index
      %swap3A_196 = arith.constant 48 : index
      %swap3A_197 = tpu.vector_load %arg8[%swap3A_195, %swap3A_196] {strides = array<i32>} : memref<64x64xf32, #tpu.memory_space<vmem>>, vector<1x16xf32>,
      %swap3A_198 = vector.shape_cast %swap3A_197 : vector<1x16xf32> to vector<16xf32>
      %swap3A_199 = vector.shape_cast %broadcast_in_dim3A_1 : vector<16xf32> to vector<1x16xf32>
      tpu.vector_store %arg8[%swap3A_195, %swap3A_196], %swap3A_199 {strides = array<i32>} : memref<64x64xf32, #tpu.memory_space<vmem>>, vector<1x16xf32>,
    }
    %scan3A_5 = arith.constant 64 : i32
    %mul3A_6 = arith.constant 640 : i32
    %mul3A_7 = arith.muli %arg1, %mul3A_6 : i32
    %scan3A_8 = arith.constant 0 : i32
    %scan3A_9 = arith.constant 10 : i32
    %scan3A_10 = arith.addi %scan3A_8, %scan3A_9 : i32
    %scan3A_11 = arith.constant 1 : i32
    scf.for %scan3A_176 = %scan3A_8 to %scan3A_10 step %scan3A_11  : i32 {
      %mul3A_177 = arith.constant 1 : i32
      %mul3A_178 = arith.muli %scan3A_176, %mul3A_177 : i32
      %add3A_179 = arith.constant 0 : i32
      %add3A_180 = arith.addi %add3A_179, %mul3A_178 : i32
      %mul3A_181 = arith.constant 64 : i32
      %mul3A_182 = arith.muli %add3A_180, %mul3A_181 : i32
      %add3A_183 = arith.addi %mul3A_7, %mul3A_182 : i32
      "tpu.region"() ({
        %run_scoped3A = tpu.sem_alloc : memref<!tpu.dma_semaphore, #tpu.memory_space<semaphore_mem>>
        %dma_start3A_184 = arith.constant 0 : i32
        %dma_start3A_185 = tpu.memref_slice %arg7[%add3A_183, %dma_start3A_184] : memref<10240x64xf32, #tpu.memory_space<vmem_shared>> -> memref<64x64xf32, #tpu.memory_space<vmem_shared>>
        %dma_start3A_186 = arith.constant 0 : i32
        %dma_start3A_187 = tpu.memref_slice %arg7[%add3A_183, %dma_start3A_186] : memref<10240x64xf32, #tpu.memory_space<vmem_shared>> -> memref<64x64xf32, #tpu.memory_space<vmem_shared>>
        tpu.enqueue_dma source(%arg8 : memref<64x64xf32, #tpu.memory_space<vmem>>) target(%dma_start3A_187 : memref<64x64xf32, #tpu.memory_space<vmem_shared>>) target_semaphore(%run_scoped3A : memref<!tpu.dma_semaphore, #tpu.memory_space<semaphore_mem>>)
        %dma_wait3A_188 = arith.constant 0 : i32
        %dma_wait3A_189 = tpu.memref_slice %arg7[%add3A_183, %dma_wait3A_188] : memref<10240x64xf32, #tpu.memory_space<vmem_shared>> -> memref<64x64xf32, #tpu.memory_space<vmem_shared>>
        %dma_wait3A_190 = arith.constant 0 : i32
        %dma_wait3A_191 = tpu.memref_slice %arg7[%add3A_183, %dma_wait3A_190] : memref<10240x64xf32, #tpu.memory_space<vmem_shared>> -> memref<64x64xf32, #tpu.memory_space<vmem_shared>>
        tpu.wait_dma2 semaphore(%run_scoped3A : memref<!tpu.dma_semaphore, #tpu.memory_space<semaphore_mem>>) src(%arg8 : memref<64x64xf32, #tpu.memory_space<vmem>>) dst(%dma_wait3A_191 : memref<64x64xf32, #tpu.memory_space<vmem_shared>>)
        tpu.yield
      }) : () -> ()
    }
    %scan3A_12 = arith.constant 10 : i32
    %broadcast_in_dim3A_13 = arith.constant 1.000000e+00 : f32
    %broadcast_in_dim3A_14 = vector.broadcast %broadcast_in_dim3A_13 : f32 to vector<16xf32>
    %scan3A_15 = arith.constant 0 : i32
    %scan3A_16 = arith.constant 64 : i32
    %scan3A_17 = arith.addi %scan3A_15, %scan3A_16 : i32
    %scan3A_18 = arith.constant 1 : i32
    scf.for %scan3A_176 = %scan3A_15 to %scan3A_17 step %scan3A_18  : i32 {
      %mul3A_177 = arith.constant 1 : i32
      %mul3A_178 = arith.muli %scan3A_176, %mul3A_177 : i32
      %add3A_179 = arith.constant 0 : i32
      %add3A_180 = arith.addi %add3A_179, %mul3A_178 : i32
      %swap3A = arith.index_cast %add3A_180 : i32 to index
      %swap3A_181 = arith.constant 0 : index
      %swap3A_182 = tpu.vector_load %arg15[%swap3A, %swap3A_181] {strides = array<i32>} : memref<64x16xf32, #tpu.memory_space<vmem>>, vector<1x16xf32>,
      %swap3A_183 = vector.shape_cast %swap3A_182 : vector<1x16xf32> to vector<16xf32>
      %swap3A_184 = vector.shape_cast %broadcast_in_dim3A_1 : vector<16xf32> to vector<1x16xf32>
      tpu.vector_store %arg15[%swap3A, %swap3A_181], %swap3A_184 {strides = array<i32>} : memref<64x16xf32, #tpu.memory_space<vmem>>, vector<1x16xf32>,
    }
    %scan3A_19 = arith.constant 64 : i32
    %scan3A_20 = arith.constant 0 : i32
    %scan3A_21 = arith.constant 128 : i32
    %scan3A_22 = arith.addi %scan3A_20, %scan3A_21 : i32
    %scan3A_23 = arith.constant 1 : i32
    scf.for %scan3A_176 = %scan3A_20 to %scan3A_22 step %scan3A_23  : i32 {
      %mul3A_177 = arith.constant 1 : i32
      %mul3A_178 = arith.muli %scan3A_176, %mul3A_177 : i32
      %add3A_179 = arith.constant 0 : i32
      %add3A_180 = arith.addi %add3A_179, %mul3A_178 : i32
      %swap3A = arith.index_cast %add3A_180 : i32 to index
      %swap3A_181 = arith.constant 0 : index
      %swap3A_182 = tpu.vector_load %arg16[%swap3A, %swap3A_181] {strides = array<i32>} : memref<128x16xf32, #tpu.memory_space<vmem>>, vector<1x16xf32>,
      %swap3A_183 = vector.shape_cast %swap3A_182 : vector<1x16xf32> to vector<16xf32>
      %swap3A_184 = vector.shape_cast %broadcast_in_dim3A_14 : vector<16xf32> to vector<1x16xf32>
      tpu.vector_store %arg16[%swap3A, %swap3A_181], %swap3A_184 {strides = array<i32>} : memref<128x16xf32, #tpu.memory_space<vmem>>, vector<1x16xf32>,
    }
    %scan3A_24 = arith.constant 128 : i32
    %scan3A_25 = arith.constant 0 : i32
    %scan3A_26 = arith.constant 10 : i32
    %scan3A_27 = arith.addi %scan3A_25, %scan3A_26 : i32
    %scan3A_28 = arith.constant 1 : i32
    scf.for %scan3A_176 = %scan3A_25 to %scan3A_27 step %scan3A_28  : i32 {
      %mul3A_177 = arith.constant 1 : i32
      %mul3A_178 = arith.muli %scan3A_176, %mul3A_177 : i32
      %add3A_179 = arith.constant 0 : i32
      %add3A_180 = arith.addi %add3A_179, %mul3A_178 : i32
      %mul3A_181 = arith.constant 64 : i32
      %mul3A_182 = arith.muli %add3A_180, %mul3A_181 : i32
      %add3A_183 = arith.addi %mul3A_7, %mul3A_182 : i32
      "tpu.region"() ({
        %run_scoped3A = tpu.sem_alloc : memref<!tpu.dma_semaphore, #tpu.memory_space<semaphore_mem>>
        %dma_start3A_184 = arith.constant 0 : i32
        %dma_start3A_185 = tpu.memref_slice %arg14[%add3A_183, %dma_start3A_184] : memref<10240x16xf32, #tpu.memory_space<vmem_shared>> -> memref<64x16xf32, #tpu.memory_space<vmem_shared>>
        %dma_start3A_186 = arith.constant 0 : i32
        %dma_start3A_187 = tpu.memref_slice %arg14[%add3A_183, %dma_start3A_186] : memref<10240x16xf32, #tpu.memory_space<vmem_shared>> -> memref<64x16xf32, #tpu.memory_space<vmem_shared>>
        tpu.enqueue_dma source(%arg15 : memref<64x16xf32, #tpu.memory_space<vmem>>) target(%dma_start3A_187 : memref<64x16xf32, #tpu.memory_space<vmem_shared>>) target_semaphore(%run_scoped3A : memref<!tpu.dma_semaphore, #tpu.memory_space<semaphore_mem>>)
        %dma_wait3A_188 = arith.constant 0 : i32
        %dma_wait3A_189 = tpu.memref_slice %arg14[%add3A_183, %dma_wait3A_188] : memref<10240x16xf32, #tpu.memory_space<vmem_shared>> -> memref<64x16xf32, #tpu.memory_space<vmem_shared>>
        %dma_wait3A_190 = arith.constant 0 : i32
        %dma_wait3A_191 = tpu.memref_slice %arg14[%add3A_183, %dma_wait3A_190] : memref<10240x16xf32, #tpu.memory_space<vmem_shared>> -> memref<64x16xf32, #tpu.memory_space<vmem_shared>>
        tpu.wait_dma2 semaphore(%run_scoped3A : memref<!tpu.dma_semaphore, #tpu.memory_space<semaphore_mem>>) src(%arg15 : memref<64x16xf32, #tpu.memory_space<vmem>>) dst(%dma_wait3A_191 : memref<64x16xf32, #tpu.memory_space<vmem_shared>>)
        tpu.yield
      }) : () -> ()
    }
    %scan3A_29 = arith.constant 10 : i32
    "tpu.region"() ({
      %run_scoped3A = tpu.sem_alloc : memref<!tpu.dma_semaphore, #tpu.memory_space<semaphore_mem>>
      %dma_start3A_176 = arith.constant 0 : i32
      %dma_start3A_177 = arith.constant 0 : i32
      %dma_start3A_178 = tpu.memref_slice %arg3[%add3A, %dma_start3A_176, %dma_start3A_177] : memref<32x80x128xi32, #tpu.memory_space<hbm>> -> memref<1x80x128xi32, #tpu.memory_space<hbm>>
      %dma_start3A_179 = tpu.memref_squeeze %dma_start3A_178 : memref<1x80x128xi32, #tpu.memory_space<hbm>> -> memref<80x128xi32, #tpu.memory_space<hbm>>
      %dma_start3A_180 = arith.constant 0 : i32
      %dma_start3A_181 = arith.constant 0 : i32
      %dma_start3A_182 = tpu.memref_slice %arg3[%add3A, %dma_start3A_180, %dma_start3A_181] : memref<32x80x128xi32, #tpu.memory_space<hbm>> -> memref<1x80x128xi32, #tpu.memory_space<hbm>>
      %dma_start3A_183 = tpu.memref_squeeze %dma_start3A_182 : memref<1x80x128xi32, #tpu.memory_space<hbm>> -> memref<80x128xi32, #tpu.memory_space<hbm>>
      tpu.enqueue_dma source(%dma_start3A_183 : memref<80x128xi32, #tpu.memory_space<hbm>>) target(%arg9 : memref<80x128xi32, #tpu.memory_space<vmem>>) target_semaphore(%run_scoped3A : memref<!tpu.dma_semaphore, #tpu.memory_space<semaphore_mem>>)
      %dma_wait3A_184 = arith.constant 0 : i32
      %dma_wait3A_185 = arith.constant 0 : i32
      %dma_wait3A_186 = tpu.memref_slice %arg3[%add3A, %dma_wait3A_184, %dma_wait3A_185] : memref<32x80x128xi32, #tpu.memory_space<hbm>> -> memref<1x80x128xi32, #tpu.memory_space<hbm>>
      %dma_wait3A_187 = tpu.memref_squeeze %dma_wait3A_186 : memref<1x80x128xi32, #tpu.memory_space<hbm>> -> memref<80x128xi32, #tpu.memory_space<hbm>>
      %dma_wait3A_188 = arith.constant 0 : i32
      %dma_wait3A_189 = arith.constant 0 : i32
      %dma_wait3A_190 = tpu.memref_slice %arg3[%add3A, %dma_wait3A_188, %dma_wait3A_189] : memref<32x80x128xi32, #tpu.memory_space<hbm>> -> memref<1x80x128xi32, #tpu.memory_space<hbm>>
      %dma_wait3A_191 = tpu.memref_squeeze %dma_wait3A_190 : memref<1x80x128xi32, #tpu.memory_space<hbm>> -> memref<80x128xi32, #tpu.memory_space<hbm>>
      tpu.wait_dma2 semaphore(%run_scoped3A : memref<!tpu.dma_semaphore, #tpu.memory_space<semaphore_mem>>) src(%dma_wait3A_191 : memref<80x128xi32, #tpu.memory_space<hbm>>) dst(%arg9 : memref<80x128xi32, #tpu.memory_space<vmem>>)
      tpu.yield
    }) : () -> ()
    "tpu.region"() ({
      %run_scoped3A = tpu.sem_alloc : memref<!tpu.dma_semaphore, #tpu.memory_space<semaphore_mem>>
      %dma_start3A_176 = arith.constant 0 : i32
      %dma_start3A_177 = arith.constant 0 : i32
      %dma_start3A_178 = tpu.memref_slice %arg4[%add3A, %dma_start3A_176, %dma_start3A_177] : memref<32x80x128xi32, #tpu.memory_space<hbm>> -> memref<1x80x128xi32, #tpu.memory_space<hbm>>
      %dma_start3A_179 = tpu.memref_squeeze %dma_start3A_178 : memref<1x80x128xi32, #tpu.memory_space<hbm>> -> memref<80x128xi32, #tpu.memory_space<hbm>>
      %dma_start3A_180 = arith.constant 0 : i32
      %dma_start3A_181 = arith.constant 0 : i32
      %dma_start3A_182 = tpu.memref_slice %arg4[%add3A, %dma_start3A_180, %dma_start3A_181] : memref<32x80x128xi32, #tpu.memory_space<hbm>> -> memref<1x80x128xi32, #tpu.memory_space<hbm>>
      %dma_start3A_183 = tpu.memref_squeeze %dma_start3A_182 : memref<1x80x128xi32, #tpu.memory_space<hbm>> -> memref<80x128xi32, #tpu.memory_space<hbm>>
      tpu.enqueue_dma source(%dma_start3A_183 : memref<80x128xi32, #tpu.memory_space<hbm>>) target(%arg10 : memref<80x128xi32, #tpu.memory_space<vmem>>) target_semaphore(%run_scoped3A : memref<!tpu.dma_semaphore, #tpu.memory_space<semaphore_mem>>)
      %dma_wait3A_184 = arith.constant 0 : i32
      %dma_wait3A_185 = arith.constant 0 : i32
      %dma_wait3A_186 = tpu.memref_slice %arg4[%add3A, %dma_wait3A_184, %dma_wait3A_185] : memref<32x80x128xi32, #tpu.memory_space<hbm>> -> memref<1x80x128xi32, #tpu.memory_space<hbm>>
      %dma_wait3A_187 = tpu.memref_squeeze %dma_wait3A_186 : memref<1x80x128xi32, #tpu.memory_space<hbm>> -> memref<80x128xi32, #tpu.memory_space<hbm>>
      %dma_wait3A_188 = arith.constant 0 : i32
      %dma_wait3A_189 = arith.constant 0 : i32
      %dma_wait3A_190 = tpu.memref_slice %arg4[%add3A, %dma_wait3A_188, %dma_wait3A_189] : memref<32x80x128xi32, #tpu.memory_space<hbm>> -> memref<1x80x128xi32, #tpu.memory_space<hbm>>
      %dma_wait3A_191 = tpu.memref_squeeze %dma_wait3A_190 : memref<1x80x128xi32, #tpu.memory_space<hbm>> -> memref<80x128xi32, #tpu.memory_space<hbm>>
      tpu.wait_dma2 semaphore(%run_scoped3A : memref<!tpu.dma_semaphore, #tpu.memory_space<semaphore_mem>>) src(%dma_wait3A_191 : memref<80x128xi32, #tpu.memory_space<hbm>>) dst(%arg10 : memref<80x128xi32, #tpu.memory_space<vmem>>)
      tpu.yield
    }) : () -> ()
    %barrier3A = arith.constant 0 : index
    tpu.barrier barrier_id(%barrier3A)
    %dma_start3A = arith.constant 0 : i32
    %dma_start3A_30 = arith.constant 0 : i32
    %dma_start3A_31 = arith.constant 0 : i32
    %dma_start3A_32 = arith.constant 0 : i32
    %dma_start3A_33 = tpu.memref_slice %arg11[%dma_start3A_31, %dma_start3A_32] : memref<640x64xf32, #tpu.memory_space<vmem>> -> memref<128x64xf32, #tpu.memory_space<vmem>>
    %dma_start3A_34 = arith.constant 0 : i32
    %dma_start3A_35 = tpu.memref_slice %arg9[%dma_start3A, %dma_start3A_34] : memref<80x128xi32, #tpu.memory_space<vmem>> -> memref<1x128xi32, #tpu.memory_space<vmem>>
    %dma_start3A_36 = tpu.memref_squeeze %dma_start3A_35 : memref<1x128xi32, #tpu.memory_space<vmem>> -> memref<128xi32, #tpu.memory_space<vmem>>
    %dma_start3A_37 = arith.constant 0 : i32
    %dma_start3A_38 = arith.constant 0 : i32
    %dma_start3A_39 = tpu.memref_slice %arg2[%dma_start3A_37, %dma_start3A_38] : memref<10000x64xf32, #tpu.memory_space<hbm>> -> memref<10000x64xf32, #tpu.memory_space<hbm>>
    %dma_start3A_40 = tpu.memref_slice %arg12[%dma_start3A_30] : memref<5x!tpu.dma_semaphore, #tpu.memory_space<semaphore_mem>> -> memref<1x!tpu.dma_semaphore, #tpu.memory_space<semaphore_mem>>
    %dma_start3A_41 = tpu.memref_squeeze %dma_start3A_40 : memref<1x!tpu.dma_semaphore, #tpu.memory_space<semaphore_mem>> -> memref<!tpu.dma_semaphore, #tpu.memory_space<semaphore_mem>>
    tpu.enqueue_indirect_dma source(%dma_start3A_39 : memref<10000x64xf32, #tpu.memory_space<hbm>>) target(%dma_start3A_33 : memref<128x64xf32, #tpu.memory_space<vmem>>) offsets(%dma_start3A_36 : memref<128xi32, #tpu.memory_space<vmem>>) semaphore(%dma_start3A_41 : memref<!tpu.dma_semaphore, #tpu.memory_space<semaphore_mem>>)
    %dma_start3A_42 = arith.constant 1 : i32
    %dma_start3A_43 = arith.constant 1 : i32
    %dma_start3A_44 = arith.constant 128 : i32
    %dma_start3A_45 = arith.constant 0 : i32
    %dma_start3A_46 = tpu.memref_slice %arg11[%dma_start3A_44, %dma_start3A_45] : memref<640x64xf32, #tpu.memory_space<vmem>> -> memref<128x64xf32, #tpu.memory_space<vmem>>
    %dma_start3A_47 = arith.constant 0 : i32
    %dma_start3A_48 = tpu.memref_slice %arg9[%dma_start3A_42, %dma_start3A_47] : memref<80x128xi32, #tpu.memory_space<vmem>> -> memref<1x128xi32, #tpu.memory_space<vmem>>
    %dma_start3A_49 = tpu.memref_squeeze %dma_start3A_48 : memref<1x128xi32, #tpu.memory_space<vmem>> -> memref<128xi32, #tpu.memory_space<vmem>>
    %dma_start3A_50 = arith.constant 0 : i32
    %dma_start3A_51 = arith.constant 0 : i32
    %dma_start3A_52 = tpu.memref_slice %arg2[%dma_start3A_50, %dma_start3A_51] : memref<10000x64xf32, #tpu.memory_space<hbm>> -> memref<10000x64xf32, #tpu.memory_space<hbm>>
    %dma_start3A_53 = tpu.memref_slice %arg12[%dma_start3A_43] : memref<5x!tpu.dma_semaphore, #tpu.memory_space<semaphore_mem>> -> memref<1x!tpu.dma_semaphore, #tpu.memory_space<semaphore_mem>>
    %dma_start3A_54 = tpu.memref_squeeze %dma_start3A_53 : memref<1x!tpu.dma_semaphore, #tpu.memory_space<semaphore_mem>> -> memref<!tpu.dma_semaphore, #tpu.memory_space<semaphore_mem>>
    tpu.enqueue_indirect_dma source(%dma_start3A_52 : memref<10000x64xf32, #tpu.memory_space<hbm>>) target(%dma_start3A_46 : memref<128x64xf32, #tpu.memory_space<vmem>>) offsets(%dma_start3A_49 : memref<128xi32, #tpu.memory_space<vmem>>) semaphore(%dma_start3A_54 : memref<!tpu.dma_semaphore, #tpu.memory_space<semaphore_mem>>)
    %dma_start3A_55 = arith.constant 2 : i32
    %dma_start3A_56 = arith.constant 2 : i32
    %dma_start3A_57 = arith.constant 256 : i32
    %dma_start3A_58 = arith.constant 0 : i32
    %dma_start3A_59 = tpu.memref_slice %arg11[%dma_start3A_57, %dma_start3A_58] : memref<640x64xf32, #tpu.memory_space<vmem>> -> memref<128x64xf32, #tpu.memory_space<vmem>>
    %dma_start3A_60 = arith.constant 0 : i32
    %dma_start3A_61 = tpu.memref_slice %arg9[%dma_start3A_55, %dma_start3A_60] : memref<80x128xi32, #tpu.memory_space<vmem>> -> memref<1x128xi32, #tpu.memory_space<vmem>>
    %dma_start3A_62 = tpu.memref_squeeze %dma_start3A_61 : memref<1x128xi32, #tpu.memory_space<vmem>> -> memref<128xi32, #tpu.memory_space<vmem>>
    %dma_start3A_63 = arith.constant 0 : i32
    %dma_start3A_64 = arith.constant 0 : i32
    %dma_start3A_65 = tpu.memref_slice %arg2[%dma_start3A_63, %dma_start3A_64] : memref<10000x64xf32, #tpu.memory_space<hbm>> -> memref<10000x64xf32, #tpu.memory_space<hbm>>
    %dma_start3A_66 = tpu.memref_slice %arg12[%dma_start3A_56] : memref<5x!tpu.dma_semaphore, #tpu.memory_space<semaphore_mem>> -> memref<1x!tpu.dma_semaphore, #tpu.memory_space<semaphore_mem>>
    %dma_start3A_67 = tpu.memref_squeeze %dma_start3A_66 : memref<1x!tpu.dma_semaphore, #tpu.memory_space<semaphore_mem>> -> memref<!tpu.dma_semaphore, #tpu.memory_space<semaphore_mem>>
    tpu.enqueue_indirect_dma source(%dma_start3A_65 : memref<10000x64xf32, #tpu.memory_space<hbm>>) target(%dma_start3A_59 : memref<128x64xf32, #tpu.memory_space<vmem>>) offsets(%dma_start3A_62 : memref<128xi32, #tpu.memory_space<vmem>>) semaphore(%dma_start3A_67 : memref<!tpu.dma_semaphore, #tpu.memory_space<semaphore_mem>>)
    %dma_start3A_68 = arith.constant 3 : i32
    %dma_start3A_69 = arith.constant 3 : i32
    %dma_start3A_70 = arith.constant 384 : i32
    %dma_start3A_71 = arith.constant 0 : i32
    %dma_start3A_72 = tpu.memref_slice %arg11[%dma_start3A_70, %dma_start3A_71] : memref<640x64xf32, #tpu.memory_space<vmem>> -> memref<128x64xf32, #tpu.memory_space<vmem>>
    %dma_start3A_73 = arith.constant 0 : i32
    %dma_start3A_74 = tpu.memref_slice %arg9[%dma_start3A_68, %dma_start3A_73] : memref<80x128xi32, #tpu.memory_space<vmem>> -> memref<1x128xi32, #tpu.memory_space<vmem>>
    %dma_start3A_75 = tpu.memref_squeeze %dma_start3A_74 : memref<1x128xi32, #tpu.memory_space<vmem>> -> memref<128xi32, #tpu.memory_space<vmem>>
    %dma_start3A_76 = arith.constant 0 : i32
    %dma_start3A_77 = arith.constant 0 : i32
    %dma_start3A_78 = tpu.memref_slice %arg2[%dma_start3A_76, %dma_start3A_77] : memref<10000x64xf32, #tpu.memory_space<hbm>> -> memref<10000x64xf32, #tpu.memory_space<hbm>>
    %dma_start3A_79 = tpu.memref_slice %arg12[%dma_start3A_69] : memref<5x!tpu.dma_semaphore, #tpu.memory_space<semaphore_mem>> -> memref<1x!tpu.dma_semaphore, #tpu.memory_space<semaphore_mem>>
    %dma_start3A_80 = tpu.memref_squeeze %dma_start3A_79 : memref<1x!tpu.dma_semaphore, #tpu.memory_space<semaphore_mem>> -> memref<!tpu.dma_semaphore, #tpu.memory_space<semaphore_mem>>
    tpu.enqueue_indirect_dma source(%dma_start3A_78 : memref<10000x64xf32, #tpu.memory_space<hbm>>) target(%dma_start3A_72 : memref<128x64xf32, #tpu.memory_space<vmem>>) offsets(%dma_start3A_75 : memref<128xi32, #tpu.memory_space<vmem>>) semaphore(%dma_start3A_80 : memref<!tpu.dma_semaphore, #tpu.memory_space<semaphore_mem>>)
    %dma_start3A_81 = arith.constant 4 : i32
    %dma_start3A_82 = arith.constant 4 : i32
    %dma_start3A_83 = arith.constant 512 : i32
    %dma_start3A_84 = arith.constant 0 : i32
    %dma_start3A_85 = tpu.memref_slice %arg11[%dma_start3A_83, %dma_start3A_84] : memref<640x64xf32, #tpu.memory_space<vmem>> -> memref<128x64xf32, #tpu.memory_space<vmem>>
    %dma_start3A_86 = arith.constant 0 : i32
    %dma_start3A_87 = tpu.memref_slice %arg9[%dma_start3A_81, %dma_start3A_86] : memref<80x128xi32, #tpu.memory_space<vmem>> -> memref<1x128xi32, #tpu.memory_space<vmem>>
    %dma_start3A_88 = tpu.memref_squeeze %dma_start3A_87 : memref<1x128xi32, #tpu.memory_space<vmem>> -> memref<128xi32, #tpu.memory_space<vmem>>
    %dma_start3A_89 = arith.constant 0 : i32
    %dma_start3A_90 = arith.constant 0 : i32
    %dma_start3A_91 = tpu.memref_slice %arg2[%dma_start3A_89, %dma_start3A_90] : memref<10000x64xf32, #tpu.memory_space<hbm>> -> memref<10000x64xf32, #tpu.memory_space<hbm>>
    %dma_start3A_92 = tpu.memref_slice %arg12[%dma_start3A_82] : memref<5x!tpu.dma_semaphore, #tpu.memory_space<semaphore_mem>> -> memref<1x!tpu.dma_semaphore, #tpu.memory_space<semaphore_mem>>
    %dma_start3A_93 = tpu.memref_squeeze %dma_start3A_92 : memref<1x!tpu.dma_semaphore, #tpu.memory_space<semaphore_mem>> -> memref<!tpu.dma_semaphore, #tpu.memory_space<semaphore_mem>>
    tpu.enqueue_indirect_dma source(%dma_start3A_91 : memref<10000x64xf32, #tpu.memory_space<hbm>>) target(%dma_start3A_85 : memref<128x64xf32, #tpu.memory_space<vmem>>) offsets(%dma_start3A_88 : memref<128xi32, #tpu.memory_space<vmem>>) semaphore(%dma_start3A_93 : memref<!tpu.dma_semaphore, #tpu.memory_space<semaphore_mem>>)
    %scan3A_94 = arith.constant 0 : i32
    %scan3A_95 = arith.constant 16 : i32
    %scan3A_96 = arith.addi %scan3A_94, %scan3A_95 : i32
    %scan3A_97 = arith.constant 1 : i32
    scf.for %scan3A_176 = %scan3A_94 to %scan3A_96 step %scan3A_97  : i32 {
      %mul3A_177 = arith.constant 1 : i32
      %mul3A_178 = arith.muli %scan3A_176, %mul3A_177 : i32
      %add3A_179 = arith.constant 0 : i32
      %add3A_180 = arith.addi %add3A_179, %mul3A_178 : i32
      %mul3A_181 = arith.constant 5 : i32
      %mul3A_182 = arith.muli %add3A_180, %mul3A_181 : i32
      %add3A_183 = arith.constant 1 : i32
      %add3A_184 = arith.addi %add3A_180, %add3A_183 : i32
      %min3A = arith.constant 15 : i32
      %min3A_185 = arith.minsi %add3A_184, %min3A : i32
      %mul3A_186 = arith.constant 5 : i32
      %mul3A_187 = arith.muli %min3A_185, %mul3A_186 : i32
      %dma_wait3A_188 = arith.constant 0 : i32
      %dma_wait3A_189 = arith.constant 0 : i32
      %dma_wait3A_190 = arith.constant 0 : i32
      %dma_wait3A_191 = tpu.memref_slice %arg11[%dma_wait3A_189, %dma_wait3A_190] : memref<640x64xf32, #tpu.memory_space<vmem>> -> memref<128x64xf32, #tpu.memory_space<vmem>>
      %dma_wait3A_192 = arith.constant 0 : i32
      %dma_wait3A_193 = arith.constant 0 : i32
      %dma_wait3A_194 = tpu.memref_slice %arg2[%dma_wait3A_192, %dma_wait3A_193] : memref<10000x64xf32, #tpu.memory_space<hbm>> -> memref<128x64xf32, #tpu.memory_space<hbm>>
      %dma_wait3A_195 = tpu.memref_slice %arg12[%dma_wait3A_188] : memref<5x!tpu.dma_semaphore, #tpu.memory_space<semaphore_mem>> -> memref<1x!tpu.dma_semaphore, #tpu.memory_space<semaphore_mem>>
      %dma_wait3A_196 = tpu.memref_squeeze %dma_wait3A_195 : memref<1x!tpu.dma_semaphore, #tpu.memory_space<semaphore_mem>> -> memref<!tpu.dma_semaphore, #tpu.memory_space<semaphore_mem>>
      %dma_wait3A_197 = arith.constant 0 : i32
      %dma_wait3A_198 = arith.constant 0 : i32
      %dma_wait3A_199 = tpu.memref_slice %arg11[%dma_wait3A_197, %dma_wait3A_198] : memref<640x64xf32, #tpu.memory_space<vmem>> -> memref<128x64xf32, #tpu.memory_space<vmem>>
      %dma_wait3A_200 = arith.constant 0 : i32
      %dma_wait3A_201 = arith.constant 0 : i32
      %dma_wait3A_202 = tpu.memref_slice %arg2[%dma_wait3A_200, %dma_wait3A_201] : memref<10000x64xf32, #tpu.memory_space<hbm>> -> memref<128x64xf32, #tpu.memory_space<hbm>>
      tpu.wait_dma2 semaphore(%dma_wait3A_196 : memref<!tpu.dma_semaphore, #tpu.memory_space<semaphore_mem>>) src(%dma_wait3A_202 : memref<128x64xf32, #tpu.memory_space<hbm>>) dst(%dma_wait3A_199 : memref<128x64xf32, #tpu.memory_space<vmem>>)
      %add3A_203 = arith.constant 0 : i32
      %add3A_204 = arith.addi %mul3A_182, %add3A_203 : i32
      %dma_start3A_205 = arith.constant 0 : i32
      %dma_start3A_206 = arith.constant 0 : i32
      %dma_start3A_207 = arith.constant 0 : i32
      %dma_start3A_208 = tpu.memref_slice %arg11[%dma_start3A_206, %dma_start3A_207] : memref<640x64xf32, #tpu.memory_space<vmem>> -> memref<128x64xf32, #tpu.memory_space<vmem>>
      %dma_start3A_209 = arith.constant 0 : i32
      %dma_start3A_210 = tpu.memref_slice %arg10[%add3A_204, %dma_start3A_209] : memref<80x128xi32, #tpu.memory_space<vmem>> -> memref<1x128xi32, #tpu.memory_space<vmem>>
      %dma_start3A_211 = tpu.memref_squeeze %dma_start3A_210 : memref<1x128xi32, #tpu.memory_space<vmem>> -> memref<128xi32, #tpu.memory_space<vmem>>
      %dma_start3A_212 = arith.constant 0 : i32
      %dma_start3A_213 = arith.constant 0 : i32
      %dma_start3A_214 = tpu.memref_slice %arg7[%dma_start3A_212, %dma_start3A_213] : memref<10240x64xf32, #tpu.memory_space<vmem_shared>> -> memref<10240x64xf32, #tpu.memory_space<vmem_shared>>
      %dma_start3A_215 = tpu.memref_slice %arg13[%dma_start3A_205] : memref<5x!tpu.dma_semaphore, #tpu.memory_space<semaphore_mem>> -> memref<1x!tpu.dma_semaphore, #tpu.memory_space<semaphore_mem>>
      %dma_start3A_216 = tpu.memref_squeeze %dma_start3A_215 : memref<1x!tpu.dma_semaphore, #tpu.memory_space<semaphore_mem>> -> memref<!tpu.dma_semaphore, #tpu.memory_space<semaphore_mem>>
      tpu.enqueue_indirect_dma source(%dma_start3A_208 : memref<128x64xf32, #tpu.memory_space<vmem>>) target(%dma_start3A_214 : memref<10240x64xf32, #tpu.memory_space<vmem_shared>>) offsets(%dma_start3A_211 : memref<128xi32, #tpu.memory_space<vmem>>) semaphore(%dma_start3A_216 : memref<!tpu.dma_semaphore, #tpu.memory_space<semaphore_mem>>) {add = true}
      %add3A_217 = arith.constant 0 : i32
      %add3A_218 = arith.addi %mul3A_182, %add3A_217 : i32
      %dma_start3A_219 = arith.constant 0 : i32
      %dma_start3A_220 = arith.constant 0 : i32
      %dma_start3A_221 = tpu.memref_slice %arg10[%add3A_218, %dma_start3A_220] : memref<80x128xi32, #tpu.memory_space<vmem>> -> memref<1x128xi32, #tpu.memory_space<vmem>>
      %dma_start3A_222 = tpu.memref_squeeze %dma_start3A_221 : memref<1x128xi32, #tpu.memory_space<vmem>> -> memref<128xi32, #tpu.memory_space<vmem>>
      %dma_start3A_223 = arith.constant 0 : i32
      %dma_start3A_224 = arith.constant 0 : i32
      %dma_start3A_225 = tpu.memref_slice %arg14[%dma_start3A_223, %dma_start3A_224] : memref<10240x16xf32, #tpu.memory_space<vmem_shared>> -> memref<10240x16xf32, #tpu.memory_space<vmem_shared>>
      %dma_start3A_226 = tpu.memref_slice %arg17[%dma_start3A_219] : memref<5x!tpu.dma_semaphore, #tpu.memory_space<semaphore_mem>> -> memref<1x!tpu.dma_semaphore, #tpu.memory_space<semaphore_mem>>
      %dma_start3A_227 = tpu.memref_squeeze %dma_start3A_226 : memref<1x!tpu.dma_semaphore, #tpu.memory_space<semaphore_mem>> -> memref<!tpu.dma_semaphore, #tpu.memory_space<semaphore_mem>>
      tpu.enqueue_indirect_dma source(%arg16 : memref<128x16xf32, #tpu.memory_space<vmem>>) target(%dma_start3A_225 : memref<10240x16xf32, #tpu.memory_space<vmem_shared>>) offsets(%dma_start3A_222 : memref<128xi32, #tpu.memory_space<vmem>>) semaphore(%dma_start3A_227 : memref<!tpu.dma_semaphore, #tpu.memory_space<semaphore_mem>>) {add = true}
      %dma_wait3A_228 = arith.constant 1 : i32
      %dma_wait3A_229 = arith.constant 128 : i32
      %dma_wait3A_230 = arith.constant 0 : i32
      %dma_wait3A_231 = tpu.memref_slice %arg11[%dma_wait3A_229, %dma_wait3A_230] : memref<640x64xf32, #tpu.memory_space<vmem>> -> memref<128x64xf32, #tpu.memory_space<vmem>>
      %dma_wait3A_232 = arith.constant 0 : i32
      %dma_wait3A_233 = arith.constant 0 : i32
      %dma_wait3A_234 = tpu.memref_slice %arg2[%dma_wait3A_232, %dma_wait3A_233] : memref<10000x64xf32, #tpu.memory_space<hbm>> -> memref<128x64xf32, #tpu.memory_space<hbm>>
      %dma_wait3A_235 = tpu.memref_slice %arg12[%dma_wait3A_228] : memref<5x!tpu.dma_semaphore, #tpu.memory_space<semaphore_mem>> -> memref<1x!tpu.dma_semaphore, #tpu.memory_space<semaphore_mem>>
      %dma_wait3A_236 = tpu.memref_squeeze %dma_wait3A_235 : memref<1x!tpu.dma_semaphore, #tpu.memory_space<semaphore_mem>> -> memref<!tpu.dma_semaphore, #tpu.memory_space<semaphore_mem>>
      %dma_wait3A_237 = arith.constant 128 : i32
      %dma_wait3A_238 = arith.constant 0 : i32
      %dma_wait3A_239 = tpu.memref_slice %arg11[%dma_wait3A_237, %dma_wait3A_238] : memref<640x64xf32, #tpu.memory_space<vmem>> -> memref<128x64xf32, #tpu.memory_space<vmem>>
      %dma_wait3A_240 = arith.constant 0 : i32
      %dma_wait3A_241 = arith.constant 0 : i32
      %dma_wait3A_242 = tpu.memref_slice %arg2[%dma_wait3A_240, %dma_wait3A_241] : memref<10000x64xf32, #tpu.memory_space<hbm>> -> memref<128x64xf32, #tpu.memory_space<hbm>>
      tpu.wait_dma2 semaphore(%dma_wait3A_236 : memref<!tpu.dma_semaphore, #tpu.memory_space<semaphore_mem>>) src(%dma_wait3A_242 : memref<128x64xf32, #tpu.memory_space<hbm>>) dst(%dma_wait3A_239 : memref<128x64xf32, #tpu.memory_space<vmem>>)
      %add3A_243 = arith.constant 1 : i32
      %add3A_244 = arith.addi %mul3A_182, %add3A_243 : i32
      %dma_start3A_245 = arith.constant 1 : i32
      %dma_start3A_246 = arith.constant 128 : i32
      %dma_start3A_247 = arith.constant 0 : i32
      %dma_start3A_248 = tpu.memref_slice %arg11[%dma_start3A_246, %dma_start3A_247] : memref<640x64xf32, #tpu.memory_space<vmem>> -> memref<128x64xf32, #tpu.memory_space<vmem>>
      %dma_start3A_249 = arith.constant 0 : i32
      %dma_start3A_250 = tpu.memref_slice %arg10[%add3A_244, %dma_start3A_249] : memref<80x128xi32, #tpu.memory_space<vmem>> -> memref<1x128xi32, #tpu.memory_space<vmem>>
      %dma_start3A_251 = tpu.memref_squeeze %dma_start3A_250 : memref<1x128xi32, #tpu.memory_space<vmem>> -> memref<128xi32, #tpu.memory_space<vmem>>
      %dma_start3A_252 = arith.constant 0 : i32
      %dma_start3A_253 = arith.constant 0 : i32
      %dma_start3A_254 = tpu.memref_slice %arg7[%dma_start3A_252, %dma_start3A_253] : memref<10240x64xf32, #tpu.memory_space<vmem_shared>> -> memref<10240x64xf32, #tpu.memory_space<vmem_shared>>
      %dma_start3A_255 = tpu.memref_slice %arg13[%dma_start3A_245] : memref<5x!tpu.dma_semaphore, #tpu.memory_space<semaphore_mem>> -> memref<1x!tpu.dma_semaphore, #tpu.memory_space<semaphore_mem>>
      %dma_start3A_256 = tpu.memref_squeeze %dma_start3A_255 : memref<1x!tpu.dma_semaphore, #tpu.memory_space<semaphore_mem>> -> memref<!tpu.dma_semaphore, #tpu.memory_space<semaphore_mem>>
      tpu.enqueue_indirect_dma source(%dma_start3A_248 : memref<128x64xf32, #tpu.memory_space<vmem>>) target(%dma_start3A_254 : memref<10240x64xf32, #tpu.memory_space<vmem_shared>>) offsets(%dma_start3A_251 : memref<128xi32, #tpu.memory_space<vmem>>) semaphore(%dma_start3A_256 : memref<!tpu.dma_semaphore, #tpu.memory_space<semaphore_mem>>) {add = true}
      %add3A_257 = arith.constant 1 : i32
      %add3A_258 = arith.addi %mul3A_182, %add3A_257 : i32
      %dma_start3A_259 = arith.constant 1 : i32
      %dma_start3A_260 = arith.constant 0 : i32
      %dma_start3A_261 = tpu.memref_slice %arg10[%add3A_258, %dma_start3A_260] : memref<80x128xi32, #tpu.memory_space<vmem>> -> memref<1x128xi32, #tpu.memory_space<vmem>>
      %dma_start3A_262 = tpu.memref_squeeze %dma_start3A_261 : memref<1x128xi32, #tpu.memory_space<vmem>> -> memref<128xi32, #tpu.memory_space<vmem>>
      %dma_start3A_263 = arith.constant 0 : i32
      %dma_start3A_264 = arith.constant 0 : i32
      %dma_start3A_265 = tpu.memref_slice %arg14[%dma_start3A_263, %dma_start3A_264] : memref<10240x16xf32, #tpu.memory_space<vmem_shared>> -> memref<10240x16xf32, #tpu.memory_space<vmem_shared>>
      %dma_start3A_266 = tpu.memref_slice %arg17[%dma_start3A_259] : memref<5x!tpu.dma_semaphore, #tpu.memory_space<semaphore_mem>> -> memref<1x!tpu.dma_semaphore, #tpu.memory_space<semaphore_mem>>
      %dma_start3A_267 = tpu.memref_squeeze %dma_start3A_266 : memref<1x!tpu.dma_semaphore, #tpu.memory_space<semaphore_mem>> -> memref<!tpu.dma_semaphore, #tpu.memory_space<semaphore_mem>>
      tpu.enqueue_indirect_dma source(%arg16 : memref<128x16xf32, #tpu.memory_space<vmem>>) target(%dma_start3A_265 : memref<10240x16xf32, #tpu.memory_space<vmem_shared>>) offsets(%dma_start3A_262 : memref<128xi32, #tpu.memory_space<vmem>>) semaphore(%dma_start3A_267 : memref<!tpu.dma_semaphore, #tpu.memory_space<semaphore_mem>>) {add = true}
      %dma_wait3A_268 = arith.constant 2 : i32
      %dma_wait3A_269 = arith.constant 256 : i32
      %dma_wait3A_270 = arith.constant 0 : i32
      %dma_wait3A_271 = tpu.memref_slice %arg11[%dma_wait3A_269, %dma_wait3A_270] : memref<640x64xf32, #tpu.memory_space<vmem>> -> memref<128x64xf32, #tpu.memory_space<vmem>>
      %dma_wait3A_272 = arith.constant 0 : i32
      %dma_wait3A_273 = arith.constant 0 : i32
      %dma_wait3A_274 = tpu.memref_slice %arg2[%dma_wait3A_272, %dma_wait3A_273] : memref<10000x64xf32, #tpu.memory_space<hbm>> -> memref<128x64xf32, #tpu.memory_space<hbm>>
      %dma_wait3A_275 = tpu.memref_slice %arg12[%dma_wait3A_268] : memref<5x!tpu.dma_semaphore, #tpu.memory_space<semaphore_mem>> -> memref<1x!tpu.dma_semaphore, #tpu.memory_space<semaphore_mem>>
      %dma_wait3A_276 = tpu.memref_squeeze %dma_wait3A_275 : memref<1x!tpu.dma_semaphore, #tpu.memory_space<semaphore_mem>> -> memref<!tpu.dma_semaphore, #tpu.memory_space<semaphore_mem>>
      %dma_wait3A_277 = arith.constant 256 : i32
      %dma_wait3A_278 = arith.constant 0 : i32
      %dma_wait3A_279 = tpu.memref_slice %arg11[%dma_wait3A_277, %dma_wait3A_278] : memref<640x64xf32, #tpu.memory_space<vmem>> -> memref<128x64xf32, #tpu.memory_space<vmem>>
      %dma_wait3A_280 = arith.constant 0 : i32
      %dma_wait3A_281 = arith.constant 0 : i32
      %dma_wait3A_282 = tpu.memref_slice %arg2[%dma_wait3A_280, %dma_wait3A_281] : memref<10000x64xf32, #tpu.memory_space<hbm>> -> memref<128x64xf32, #tpu.memory_space<hbm>>
      tpu.wait_dma2 semaphore(%dma_wait3A_276 : memref<!tpu.dma_semaphore, #tpu.memory_space<semaphore_mem>>) src(%dma_wait3A_282 : memref<128x64xf32, #tpu.memory_space<hbm>>) dst(%dma_wait3A_279 : memref<128x64xf32, #tpu.memory_space<vmem>>)
      %add3A_283 = arith.constant 2 : i32
      %add3A_284 = arith.addi %mul3A_182, %add3A_283 : i32
      %dma_start3A_285 = arith.constant 2 : i32
      %dma_start3A_286 = arith.constant 256 : i32
      %dma_start3A_287 = arith.constant 0 : i32
      %dma_start3A_288 = tpu.memref_slice %arg11[%dma_start3A_286, %dma_start3A_287] : memref<640x64xf32, #tpu.memory_space<vmem>> -> memref<128x64xf32, #tpu.memory_space<vmem>>
      %dma_start3A_289 = arith.constant 0 : i32
      %dma_start3A_290 = tpu.memref_slice %arg10[%add3A_284, %dma_start3A_289] : memref<80x128xi32, #tpu.memory_space<vmem>> -> memref<1x128xi32, #tpu.memory_space<vmem>>
      %dma_start3A_291 = tpu.memref_squeeze %dma_start3A_290 : memref<1x128xi32, #tpu.memory_space<vmem>> -> memref<128xi32, #tpu.memory_space<vmem>>
      %dma_start3A_292 = arith.constant 0 : i32
      %dma_start3A_293 = arith.constant 0 : i32
      %dma_start3A_294 = tpu.memref_slice %arg7[%dma_start3A_292, %dma_start3A_293] : memref<10240x64xf32, #tpu.memory_space<vmem_shared>> -> memref<10240x64xf32, #tpu.memory_space<vmem_shared>>
      %dma_start3A_295 = tpu.memref_slice %arg13[%dma_start3A_285] : memref<5x!tpu.dma_semaphore, #tpu.memory_space<semaphore_mem>> -> memref<1x!tpu.dma_semaphore, #tpu.memory_space<semaphore_mem>>
      %dma_start3A_296 = tpu.memref_squeeze %dma_start3A_295 : memref<1x!tpu.dma_semaphore, #tpu.memory_space<semaphore_mem>> -> memref<!tpu.dma_semaphore, #tpu.memory_space<semaphore_mem>>
      tpu.enqueue_indirect_dma source(%dma_start3A_288 : memref<128x64xf32, #tpu.memory_space<vmem>>) target(%dma_start3A_294 : memref<10240x64xf32, #tpu.memory_space<vmem_shared>>) offsets(%dma_start3A_291 : memref<128xi32, #tpu.memory_space<vmem>>) semaphore(%dma_start3A_296 : memref<!tpu.dma_semaphore, #tpu.memory_space<semaphore_mem>>) {add = true}
      %add3A_297 = arith.constant 2 : i32
      %add3A_298 = arith.addi %mul3A_182, %add3A_297 : i32
      %dma_start3A_299 = arith.constant 2 : i32
      %dma_start3A_300 = arith.constant 0 : i32
      %dma_start3A_301 = tpu.memref_slice %arg10[%add3A_298, %dma_start3A_300] : memref<80x128xi32, #tpu.memory_space<vmem>> -> memref<1x128xi32, #tpu.memory_space<vmem>>
      %dma_start3A_302 = tpu.memref_squeeze %dma_start3A_301 : memref<1x128xi32, #tpu.memory_space<vmem>> -> memref<128xi32, #tpu.memory_space<vmem>>
      %dma_start3A_303 = arith.constant 0 : i32
      %dma_start3A_304 = arith.constant 0 : i32
      %dma_start3A_305 = tpu.memref_slice %arg14[%dma_start3A_303, %dma_start3A_304] : memref<10240x16xf32, #tpu.memory_space<vmem_shared>> -> memref<10240x16xf32, #tpu.memory_space<vmem_shared>>
      %dma_start3A_306 = tpu.memref_slice %arg17[%dma_start3A_299] : memref<5x!tpu.dma_semaphore, #tpu.memory_space<semaphore_mem>> -> memref<1x!tpu.dma_semaphore, #tpu.memory_space<semaphore_mem>>
      %dma_start3A_307 = tpu.memref_squeeze %dma_start3A_306 : memref<1x!tpu.dma_semaphore, #tpu.memory_space<semaphore_mem>> -> memref<!tpu.dma_semaphore, #tpu.memory_space<semaphore_mem>>
      tpu.enqueue_indirect_dma source(%arg16 : memref<128x16xf32, #tpu.memory_space<vmem>>) target(%dma_start3A_305 : memref<10240x16xf32, #tpu.memory_space<vmem_shared>>) offsets(%dma_start3A_302 : memref<128xi32, #tpu.memory_space<vmem>>) semaphore(%dma_start3A_307 : memref<!tpu.dma_semaphore, #tpu.memory_space<semaphore_mem>>) {add = true}
      %dma_wait3A_308 = arith.constant 3 : i32
      %dma_wait3A_309 = arith.constant 384 : i32
      %dma_wait3A_310 = arith.constant 0 : i32
      %dma_wait3A_311 = tpu.memref_slice %arg11[%dma_wait3A_309, %dma_wait3A_310] : memref<640x64xf32, #tpu.memory_space<vmem>> -> memref<128x64xf32, #tpu.memory_space<vmem>>
      %dma_wait3A_312 = arith.constant 0 : i32
      %dma_wait3A_313 = arith.constant 0 : i32
      %dma_wait3A_314 = tpu.memref_slice %arg2[%dma_wait3A_312, %dma_wait3A_313] : memref<10000x64xf32, #tpu.memory_space<hbm>> -> memref<128x64xf32, #tpu.memory_space<hbm>>
      %dma_wait3A_315 = tpu.memref_slice %arg12[%dma_wait3A_308] : memref<5x!tpu.dma_semaphore, #tpu.memory_space<semaphore_mem>> -> memref<1x!tpu.dma_semaphore, #tpu.memory_space<semaphore_mem>>
      %dma_wait3A_316 = tpu.memref_squeeze %dma_wait3A_315 : memref<1x!tpu.dma_semaphore, #tpu.memory_space<semaphore_mem>> -> memref<!tpu.dma_semaphore, #tpu.memory_space<semaphore_mem>>
      %dma_wait3A_317 = arith.constant 384 : i32
      %dma_wait3A_318 = arith.constant 0 : i32
      %dma_wait3A_319 = tpu.memref_slice %arg11[%dma_wait3A_317, %dma_wait3A_318] : memref<640x64xf32, #tpu.memory_space<vmem>> -> memref<128x64xf32, #tpu.memory_space<vmem>>
      %dma_wait3A_320 = arith.constant 0 : i32
      %dma_wait3A_321 = arith.constant 0 : i32
      %dma_wait3A_322 = tpu.memref_slice %arg2[%dma_wait3A_320, %dma_wait3A_321] : memref<10000x64xf32, #tpu.memory_space<hbm>> -> memref<128x64xf32, #tpu.memory_space<hbm>>
      tpu.wait_dma2 semaphore(%dma_wait3A_316 : memref<!tpu.dma_semaphore, #tpu.memory_space<semaphore_mem>>) src(%dma_wait3A_322 : memref<128x64xf32, #tpu.memory_space<hbm>>) dst(%dma_wait3A_319 : memref<128x64xf32, #tpu.memory_space<vmem>>)
      %add3A_323 = arith.constant 3 : i32
      %add3A_324 = arith.addi %mul3A_182, %add3A_323 : i32
      %dma_start3A_325 = arith.constant 3 : i32
      %dma_start3A_326 = arith.constant 384 : i32
      %dma_start3A_327 = arith.constant 0 : i32
      %dma_start3A_328 = tpu.memref_slice %arg11[%dma_start3A_326, %dma_start3A_327] : memref<640x64xf32, #tpu.memory_space<vmem>> -> memref<128x64xf32, #tpu.memory_space<vmem>>
      %dma_start3A_329 = arith.constant 0 : i32
      %dma_start3A_330 = tpu.memref_slice %arg10[%add3A_324, %dma_start3A_329] : memref<80x128xi32, #tpu.memory_space<vmem>> -> memref<1x128xi32, #tpu.memory_space<vmem>>
      %dma_start3A_331 = tpu.memref_squeeze %dma_start3A_330 : memref<1x128xi32, #tpu.memory_space<vmem>> -> memref<128xi32, #tpu.memory_space<vmem>>
      %dma_start3A_332 = arith.constant 0 : i32
      %dma_start3A_333 = arith.constant 0 : i32
      %dma_start3A_334 = tpu.memref_slice %arg7[%dma_start3A_332, %dma_start3A_333] : memref<10240x64xf32, #tpu.memory_space<vmem_shared>> -> memref<10240x64xf32, #tpu.memory_space<vmem_shared>>
      %dma_start3A_335 = tpu.memref_slice %arg13[%dma_start3A_325] : memref<5x!tpu.dma_semaphore, #tpu.memory_space<semaphore_mem>> -> memref<1x!tpu.dma_semaphore, #tpu.memory_space<semaphore_mem>>
      %dma_start3A_336 = tpu.memref_squeeze %dma_start3A_335 : memref<1x!tpu.dma_semaphore, #tpu.memory_space<semaphore_mem>> -> memref<!tpu.dma_semaphore, #tpu.memory_space<semaphore_mem>>
      tpu.enqueue_indirect_dma source(%dma_start3A_328 : memref<128x64xf32, #tpu.memory_space<vmem>>) target(%dma_start3A_334 : memref<10240x64xf32, #tpu.memory_space<vmem_shared>>) offsets(%dma_start3A_331 : memref<128xi32, #tpu.memory_space<vmem>>) semaphore(%dma_start3A_336 : memref<!tpu.dma_semaphore, #tpu.memory_space<semaphore_mem>>) {add = true}
      %add3A_337 = arith.constant 3 : i32
      %add3A_338 = arith.addi %mul3A_182, %add3A_337 : i32
      %dma_start3A_339 = arith.constant 3 : i32
      %dma_start3A_340 = arith.constant 0 : i32
      %dma_start3A_341 = tpu.memref_slice %arg10[%add3A_338, %dma_start3A_340] : memref<80x128xi32, #tpu.memory_space<vmem>> -> memref<1x128xi32, #tpu.memory_space<vmem>>
      %dma_start3A_342 = tpu.memref_squeeze %dma_start3A_341 : memref<1x128xi32, #tpu.memory_space<vmem>> -> memref<128xi32, #tpu.memory_space<vmem>>
      %dma_start3A_343 = arith.constant 0 : i32
      %dma_start3A_344 = arith.constant 0 : i32
      %dma_start3A_345 = tpu.memref_slice %arg14[%dma_start3A_343, %dma_start3A_344] : memref<10240x16xf32, #tpu.memory_space<vmem_shared>> -> memref<10240x16xf32, #tpu.memory_space<vmem_shared>>
      %dma_start3A_346 = tpu.memref_slice %arg17[%dma_start3A_339] : memref<5x!tpu.dma_semaphore, #tpu.memory_space<semaphore_mem>> -> memref<1x!tpu.dma_semaphore, #tpu.memory_space<semaphore_mem>>
      %dma_start3A_347 = tpu.memref_squeeze %dma_start3A_346 : memref<1x!tpu.dma_semaphore, #tpu.memory_space<semaphore_mem>> -> memref<!tpu.dma_semaphore, #tpu.memory_space<semaphore_mem>>
      tpu.enqueue_indirect_dma source(%arg16 : memref<128x16xf32, #tpu.memory_space<vmem>>) target(%dma_start3A_345 : memref<10240x16xf32, #tpu.memory_space<vmem_shared>>) offsets(%dma_start3A_342 : memref<128xi32, #tpu.memory_space<vmem>>) semaphore(%dma_start3A_347 : memref<!tpu.dma_semaphore, #tpu.memory_space<semaphore_mem>>) {add = true}
      %dma_wait3A_348 = arith.constant 4 : i32
      %dma_wait3A_349 = arith.constant 512 : i32
      %dma_wait3A_350 = arith.constant 0 : i32
      %dma_wait3A_351 = tpu.memref_slice %arg11[%dma_wait3A_349, %dma_wait3A_350] : memref<640x64xf32, #tpu.memory_space<vmem>> -> memref<128x64xf32, #tpu.memory_space<vmem>>
      %dma_wait3A_352 = arith.constant 0 : i32
      %dma_wait3A_353 = arith.constant 0 : i32
      %dma_wait3A_354 = tpu.memref_slice %arg2[%dma_wait3A_352, %dma_wait3A_353] : memref<10000x64xf32, #tpu.memory_space<hbm>> -> memref<128x64xf32, #tpu.memory_space<hbm>>
      %dma_wait3A_355 = tpu.memref_slice %arg12[%dma_wait3A_348] : memref<5x!tpu.dma_semaphore, #tpu.memory_space<semaphore_mem>> -> memref<1x!tpu.dma_semaphore, #tpu.memory_space<semaphore_mem>>
      %dma_wait3A_356 = tpu.memref_squeeze %dma_wait3A_355 : memref<1x!tpu.dma_semaphore, #tpu.memory_space<semaphore_mem>> -> memref<!tpu.dma_semaphore, #tpu.memory_space<semaphore_mem>>
      %dma_wait3A_357 = arith.constant 512 : i32
      %dma_wait3A_358 = arith.constant 0 : i32
      %dma_wait3A_359 = tpu.memref_slice %arg11[%dma_wait3A_357, %dma_wait3A_358] : memref<640x64xf32, #tpu.memory_space<vmem>> -> memref<128x64xf32, #tpu.memory_space<vmem>>
      %dma_wait3A_360 = arith.constant 0 : i32
      %dma_wait3A_361 = arith.constant 0 : i32
      %dma_wait3A_362 = tpu.memref_slice %arg2[%dma_wait3A_360, %dma_wait3A_361] : memref<10000x64xf32, #tpu.memory_space<hbm>> -> memref<128x64xf32, #tpu.memory_space<hbm>>
      tpu.wait_dma2 semaphore(%dma_wait3A_356 : memref<!tpu.dma_semaphore, #tpu.memory_space<semaphore_mem>>) src(%dma_wait3A_362 : memref<128x64xf32, #tpu.memory_space<hbm>>) dst(%dma_wait3A_359 : memref<128x64xf32, #tpu.memory_space<vmem>>)
      %add3A_363 = arith.constant 4 : i32
      %add3A_364 = arith.addi %mul3A_182, %add3A_363 : i32
      %dma_start3A_365 = arith.constant 4 : i32
      %dma_start3A_366 = arith.constant 512 : i32
      %dma_start3A_367 = arith.constant 0 : i32
      %dma_start3A_368 = tpu.memref_slice %arg11[%dma_start3A_366, %dma_start3A_367] : memref<640x64xf32, #tpu.memory_space<vmem>> -> memref<128x64xf32, #tpu.memory_space<vmem>>
      %dma_start3A_369 = arith.constant 0 : i32
      %dma_start3A_370 = tpu.memref_slice %arg10[%add3A_364, %dma_start3A_369] : memref<80x128xi32, #tpu.memory_space<vmem>> -> memref<1x128xi32, #tpu.memory_space<vmem>>
      %dma_start3A_371 = tpu.memref_squeeze %dma_start3A_370 : memref<1x128xi32, #tpu.memory_space<vmem>> -> memref<128xi32, #tpu.memory_space<vmem>>
      %dma_start3A_372 = arith.constant 0 : i32
      %dma_start3A_373 = arith.constant 0 : i32
      %dma_start3A_374 = tpu.memref_slice %arg7[%dma_start3A_372, %dma_start3A_373] : memref<10240x64xf32, #tpu.memory_space<vmem_shared>> -> memref<10240x64xf32, #tpu.memory_space<vmem_shared>>
      %dma_start3A_375 = tpu.memref_slice %arg13[%dma_start3A_365] : memref<5x!tpu.dma_semaphore, #tpu.memory_space<semaphore_mem>> -> memref<1x!tpu.dma_semaphore, #tpu.memory_space<semaphore_mem>>
      %dma_start3A_376 = tpu.memref_squeeze %dma_start3A_375 : memref<1x!tpu.dma_semaphore, #tpu.memory_space<semaphore_mem>> -> memref<!tpu.dma_semaphore, #tpu.memory_space<semaphore_mem>>
      tpu.enqueue_indirect_dma source(%dma_start3A_368 : memref<128x64xf32, #tpu.memory_space<vmem>>) target(%dma_start3A_374 : memref<10240x64xf32, #tpu.memory_space<vmem_shared>>) offsets(%dma_start3A_371 : memref<128xi32, #tpu.memory_space<vmem>>) semaphore(%dma_start3A_376 : memref<!tpu.dma_semaphore, #tpu.memory_space<semaphore_mem>>) {add = true}
      %add3A_377 = arith.constant 4 : i32
      %add3A_378 = arith.addi %mul3A_182, %add3A_377 : i32
      %dma_start3A_379 = arith.constant 4 : i32
      %dma_start3A_380 = arith.constant 0 : i32
      %dma_start3A_381 = tpu.memref_slice %arg10[%add3A_378, %dma_start3A_380] : memref<80x128xi32, #tpu.memory_space<vmem>> -> memref<1x128xi32, #tpu.memory_space<vmem>>
      %dma_start3A_382 = tpu.memref_squeeze %dma_start3A_381 : memref<1x128xi32, #tpu.memory_space<vmem>> -> memref<128xi32, #tpu.memory_space<vmem>>
      %dma_start3A_383 = arith.constant 0 : i32
      %dma_start3A_384 = arith.constant 0 : i32
      %dma_start3A_385 = tpu.memref_slice %arg14[%dma_start3A_383, %dma_start3A_384] : memref<10240x16xf32, #tpu.memory_space<vmem_shared>> -> memref<10240x16xf32, #tpu.memory_space<vmem_shared>>
      %dma_start3A_386 = tpu.memref_slice %arg17[%dma_start3A_379] : memref<5x!tpu.dma_semaphore, #tpu.memory_space<semaphore_mem>> -> memref<1x!tpu.dma_semaphore, #tpu.memory_space<semaphore_mem>>
      %dma_start3A_387 = tpu.memref_squeeze %dma_start3A_386 : memref<1x!tpu.dma_semaphore, #tpu.memory_space<semaphore_mem>> -> memref<!tpu.dma_semaphore, #tpu.memory_space<semaphore_mem>>
      tpu.enqueue_indirect_dma source(%arg16 : memref<128x16xf32, #tpu.memory_space<vmem>>) target(%dma_start3A_385 : memref<10240x16xf32, #tpu.memory_space<vmem_shared>>) offsets(%dma_start3A_382 : memref<128xi32, #tpu.memory_space<vmem>>) semaphore(%dma_start3A_387 : memref<!tpu.dma_semaphore, #tpu.memory_space<semaphore_mem>>) {add = true}
      %dma_wait3A_388 = arith.constant 0 : i32
      %dma_wait3A_389 = arith.constant 0 : i32
      %dma_wait3A_390 = arith.constant 0 : i32
      %dma_wait3A_391 = tpu.memref_slice %arg11[%dma_wait3A_389, %dma_wait3A_390] : memref<640x64xf32, #tpu.memory_space<vmem>> -> memref<128x64xf32, #tpu.memory_space<vmem>>
      %dma_wait3A_392 = arith.constant 0 : i32
      %dma_wait3A_393 = arith.constant 0 : i32
      %dma_wait3A_394 = tpu.memref_slice %arg2[%dma_wait3A_392, %dma_wait3A_393] : memref<10000x64xf32, #tpu.memory_space<hbm>> -> memref<128x64xf32, #tpu.memory_space<hbm>>
      %dma_wait3A_395 = tpu.memref_slice %arg13[%dma_wait3A_388] : memref<5x!tpu.dma_semaphore, #tpu.memory_space<semaphore_mem>> -> memref<1x!tpu.dma_semaphore, #tpu.memory_space<semaphore_mem>>
      %dma_wait3A_396 = tpu.memref_squeeze %dma_wait3A_395 : memref<1x!tpu.dma_semaphore, #tpu.memory_space<semaphore_mem>> -> memref<!tpu.dma_semaphore, #tpu.memory_space<semaphore_mem>>
      %dma_wait3A_397 = arith.constant 0 : i32
      %dma_wait3A_398 = arith.constant 0 : i32
      %dma_wait3A_399 = tpu.memref_slice %arg11[%dma_wait3A_397, %dma_wait3A_398] : memref<640x64xf32, #tpu.memory_space<vmem>> -> memref<128x64xf32, #tpu.memory_space<vmem>>
      %dma_wait3A_400 = arith.constant 0 : i32
      %dma_wait3A_401 = arith.constant 0 : i32
      %dma_wait3A_402 = tpu.memref_slice %arg2[%dma_wait3A_400, %dma_wait3A_401] : memref<10000x64xf32, #tpu.memory_space<hbm>> -> memref<128x64xf32, #tpu.memory_space<hbm>>
      tpu.wait_dma2 semaphore(%dma_wait3A_396 : memref<!tpu.dma_semaphore, #tpu.memory_space<semaphore_mem>>) src(%dma_wait3A_402 : memref<128x64xf32, #tpu.memory_space<hbm>>) dst(%dma_wait3A_399 : memref<128x64xf32, #tpu.memory_space<vmem>>)
      %dma_wait3A_403 = arith.constant 0 : i32
      %dma_wait3A_404 = arith.constant 0 : i32
      %dma_wait3A_405 = arith.constant 0 : i32
      %dma_wait3A_406 = arith.constant 0 : i32
      %dma_wait3A_407 = tpu.memref_slice %arg6[%dma_wait3A_403, %dma_wait3A_405, %dma_wait3A_406] : memref<2x10240x16xf32, #tpu.memory_space<hbm>> -> memref<1x10240x16xf32, #tpu.memory_space<hbm>>
      %dma_wait3A_408 = tpu.memref_squeeze %dma_wait3A_407 : memref<1x10240x16xf32, #tpu.memory_space<hbm>> -> memref<10240x16xf32, #tpu.memory_space<hbm>>
      %dma_wait3A_409 = arith.constant 0 : i32
      %dma_wait3A_410 = arith.constant 0 : i32
      %dma_wait3A_411 = tpu.memref_slice %dma_wait3A_408[%dma_wait3A_409, %dma_wait3A_410] : memref<10240x16xf32, #tpu.memory_space<hbm>> -> memref<128x16xf32, #tpu.memory_space<hbm>>
      %dma_wait3A_412 = tpu.memref_slice %arg17[%dma_wait3A_404] : memref<5x!tpu.dma_semaphore, #tpu.memory_space<semaphore_mem>> -> memref<1x!tpu.dma_semaphore, #tpu.memory_space<semaphore_mem>>
      %dma_wait3A_413 = tpu.memref_squeeze %dma_wait3A_412 : memref<1x!tpu.dma_semaphore, #tpu.memory_space<semaphore_mem>> -> memref<!tpu.dma_semaphore, #tpu.memory_space<semaphore_mem>>
      %dma_wait3A_414 = arith.constant 0 : i32
      %dma_wait3A_415 = arith.constant 0 : i32
      %dma_wait3A_416 = tpu.memref_slice %arg6[%dma_wait3A_403, %dma_wait3A_414, %dma_wait3A_415] : memref<2x10240x16xf32, #tpu.memory_space<hbm>> -> memref<1x10240x16xf32, #tpu.memory_space<hbm>>
      %dma_wait3A_417 = tpu.memref_squeeze %dma_wait3A_416 : memref<1x10240x16xf32, #tpu.memory_space<hbm>> -> memref<10240x16xf32, #tpu.memory_space<hbm>>
      %dma_wait3A_418 = arith.constant 0 : i32
      %dma_wait3A_419 = arith.constant 0 : i32
      %dma_wait3A_420 = tpu.memref_slice %dma_wait3A_417[%dma_wait3A_418, %dma_wait3A_419] : memref<10240x16xf32, #tpu.memory_space<hbm>> -> memref<128x16xf32, #tpu.memory_space<hbm>>
      tpu.wait_dma2 semaphore(%dma_wait3A_413 : memref<!tpu.dma_semaphore, #tpu.memory_space<semaphore_mem>>) src(%dma_wait3A_420 : memref<128x16xf32, #tpu.memory_space<hbm>>) dst(%arg16 : memref<128x16xf32, #tpu.memory_space<vmem>>)
      %add3A_421 = arith.constant 0 : i32
      %add3A_422 = arith.addi %mul3A_187, %add3A_421 : i32
      %dma_start3A_423 = arith.constant 0 : i32
      %dma_start3A_424 = arith.constant 0 : i32
      %dma_start3A_425 = arith.constant 0 : i32
      %dma_start3A_426 = tpu.memref_slice %arg11[%dma_start3A_424, %dma_start3A_425] : memref<640x64xf32, #tpu.memory_space<vmem>> -> memref<128x64xf32, #tpu.memory_space<vmem>>
      %dma_start3A_427 = arith.constant 0 : i32
      %dma_start3A_428 = tpu.memref_slice %arg9[%add3A_422, %dma_start3A_427] : memref<80x128xi32, #tpu.memory_space<vmem>> -> memref<1x128xi32, #tpu.memory_space<vmem>>
      %dma_start3A_429 = tpu.memref_squeeze %dma_start3A_428 : memref<1x128xi32, #tpu.memory_space<vmem>> -> memref<128xi32, #tpu.memory_space<vmem>>
      %dma_start3A_430 = arith.constant 0 : i32
      %dma_start3A_431 = arith.constant 0 : i32
      %dma_start3A_432 = tpu.memref_slice %arg2[%dma_start3A_430, %dma_start3A_431] : memref<10000x64xf32, #tpu.memory_space<hbm>> -> memref<10000x64xf32, #tpu.memory_space<hbm>>
      %dma_start3A_433 = tpu.memref_slice %arg12[%dma_start3A_423] : memref<5x!tpu.dma_semaphore, #tpu.memory_space<semaphore_mem>> -> memref<1x!tpu.dma_semaphore, #tpu.memory_space<semaphore_mem>>
      %dma_start3A_434 = tpu.memref_squeeze %dma_start3A_433 : memref<1x!tpu.dma_semaphore, #tpu.memory_space<semaphore_mem>> -> memref<!tpu.dma_semaphore, #tpu.memory_space<semaphore_mem>>
      tpu.enqueue_indirect_dma source(%dma_start3A_432 : memref<10000x64xf32, #tpu.memory_space<hbm>>) target(%dma_start3A_426 : memref<128x64xf32, #tpu.memory_space<vmem>>) offsets(%dma_start3A_429 : memref<128xi32, #tpu.memory_space<vmem>>) semaphore(%dma_start3A_434 : memref<!tpu.dma_semaphore, #tpu.memory_space<semaphore_mem>>)
      %dma_wait3A_435 = arith.constant 1 : i32
      %dma_wait3A_436 = arith.constant 128 : i32
      %dma_wait3A_437 = arith.constant 0 : i32
      %dma_wait3A_438 = tpu.memref_slice %arg11[%dma_wait3A_436, %dma_wait3A_437] : memref<640x64xf32, #tpu.memory_space<vmem>> -> memref<128x64xf32, #tpu.memory_space<vmem>>
      %dma_wait3A_439 = arith.constant 0 : i32
      %dma_wait3A_440 = arith.constant 0 : i32
      %dma_wait3A_441 = tpu.memref_slice %arg2[%dma_wait3A_439, %dma_wait3A_440] : memref<10000x64xf32, #tpu.memory_space<hbm>> -> memref<128x64xf32, #tpu.memory_space<hbm>>
      %dma_wait3A_442 = tpu.memref_slice %arg13[%dma_wait3A_435] : memref<5x!tpu.dma_semaphore, #tpu.memory_space<semaphore_mem>> -> memref<1x!tpu.dma_semaphore, #tpu.memory_space<semaphore_mem>>
      %dma_wait3A_443 = tpu.memref_squeeze %dma_wait3A_442 : memref<1x!tpu.dma_semaphore, #tpu.memory_space<semaphore_mem>> -> memref<!tpu.dma_semaphore, #tpu.memory_space<semaphore_mem>>
      %dma_wait3A_444 = arith.constant 128 : i32
      %dma_wait3A_445 = arith.constant 0 : i32
      %dma_wait3A_446 = tpu.memref_slice %arg11[%dma_wait3A_444, %dma_wait3A_445] : memref<640x64xf32, #tpu.memory_space<vmem>> -> memref<128x64xf32, #tpu.memory_space<vmem>>
      %dma_wait3A_447 = arith.constant 0 : i32
      %dma_wait3A_448 = arith.constant 0 : i32
      %dma_wait3A_449 = tpu.memref_slice %arg2[%dma_wait3A_447, %dma_wait3A_448] : memref<10000x64xf32, #tpu.memory_space<hbm>> -> memref<128x64xf32, #tpu.memory_space<hbm>>
      tpu.wait_dma2 semaphore(%dma_wait3A_443 : memref<!tpu.dma_semaphore, #tpu.memory_space<semaphore_mem>>) src(%dma_wait3A_449 : memref<128x64xf32, #tpu.memory_space<hbm>>) dst(%dma_wait3A_446 : memref<128x64xf32, #tpu.memory_space<vmem>>)
      %dma_wait3A_450 = arith.constant 0 : i32
      %dma_wait3A_451 = arith.constant 1 : i32
      %dma_wait3A_452 = arith.constant 0 : i32
      %dma_wait3A_453 = arith.constant 0 : i32
      %dma_wait3A_454 = tpu.memref_slice %arg6[%dma_wait3A_450, %dma_wait3A_452, %dma_wait3A_453] : memref<2x10240x16xf32, #tpu.memory_space<hbm>> -> memref<1x10240x16xf32, #tpu.memory_space<hbm>>
      %dma_wait3A_455 = tpu.memref_squeeze %dma_wait3A_454 : memref<1x10240x16xf32, #tpu.memory_space<hbm>> -> memref<10240x16xf32, #tpu.memory_space<hbm>>
      %dma_wait3A_456 = arith.constant 0 : i32
      %dma_wait3A_457 = arith.constant 0 : i32
      %dma_wait3A_458 = tpu.memref_slice %dma_wait3A_455[%dma_wait3A_456, %dma_wait3A_457] : memref<10240x16xf32, #tpu.memory_space<hbm>> -> memref<128x16xf32, #tpu.memory_space<hbm>>
      %dma_wait3A_459 = tpu.memref_slice %arg17[%dma_wait3A_451] : memref<5x!tpu.dma_semaphore, #tpu.memory_space<semaphore_mem>> -> memref<1x!tpu.dma_semaphore, #tpu.memory_space<semaphore_mem>>
      %dma_wait3A_460 = tpu.memref_squeeze %dma_wait3A_459 : memref<1x!tpu.dma_semaphore, #tpu.memory_space<semaphore_mem>> -> memref<!tpu.dma_semaphore, #tpu.memory_space<semaphore_mem>>
      %dma_wait3A_461 = arith.constant 0 : i32
      %dma_wait3A_462 = arith.constant 0 : i32
      %dma_wait3A_463 = tpu.memref_slice %arg6[%dma_wait3A_450, %dma_wait3A_461, %dma_wait3A_462] : memref<2x10240x16xf32, #tpu.memory_space<hbm>> -> memref<1x10240x16xf32, #tpu.memory_space<hbm>>
      %dma_wait3A_464 = tpu.memref_squeeze %dma_wait3A_463 : memref<1x10240x16xf32, #tpu.memory_space<hbm>> -> memref<10240x16xf32, #tpu.memory_space<hbm>>
      %dma_wait3A_465 = arith.constant 0 : i32
      %dma_wait3A_466 = arith.constant 0 : i32
      %dma_wait3A_467 = tpu.memref_slice %dma_wait3A_464[%dma_wait3A_465, %dma_wait3A_466] : memref<10240x16xf32, #tpu.memory_space<hbm>> -> memref<128x16xf32, #tpu.memory_space<hbm>>
      tpu.wait_dma2 semaphore(%dma_wait3A_460 : memref<!tpu.dma_semaphore, #tpu.memory_space<semaphore_mem>>) src(%dma_wait3A_467 : memref<128x16xf32, #tpu.memory_space<hbm>>) dst(%arg16 : memref<128x16xf32, #tpu.memory_space<vmem>>)
      %add3A_468 = arith.constant 1 : i32
      %add3A_469 = arith.addi %mul3A_187, %add3A_468 : i32
      %dma_start3A_470 = arith.constant 1 : i32
      %dma_start3A_471 = arith.constant 128 : i32
      %dma_start3A_472 = arith.constant 0 : i32
      %dma_start3A_473 = tpu.memref_slice %arg11[%dma_start3A_471, %dma_start3A_472] : memref<640x64xf32, #tpu.memory_space<vmem>> -> memref<128x64xf32, #tpu.memory_space<vmem>>
      %dma_start3A_474 = arith.constant 0 : i32
      %dma_start3A_475 = tpu.memref_slice %arg9[%add3A_469, %dma_start3A_474] : memref<80x128xi32, #tpu.memory_space<vmem>> -> memref<1x128xi32, #tpu.memory_space<vmem>>
      %dma_start3A_476 = tpu.memref_squeeze %dma_start3A_475 : memref<1x128xi32, #tpu.memory_space<vmem>> -> memref<128xi32, #tpu.memory_space<vmem>>
      %dma_start3A_477 = arith.constant 0 : i32
      %dma_start3A_478 = arith.constant 0 : i32
      %dma_start3A_479 = tpu.memref_slice %arg2[%dma_start3A_477, %dma_start3A_478] : memref<10000x64xf32, #tpu.memory_space<hbm>> -> memref<10000x64xf32, #tpu.memory_space<hbm>>
      %dma_start3A_480 = tpu.memref_slice %arg12[%dma_start3A_470] : memref<5x!tpu.dma_semaphore, #tpu.memory_space<semaphore_mem>> -> memref<1x!tpu.dma_semaphore, #tpu.memory_space<semaphore_mem>>
      %dma_start3A_481 = tpu.memref_squeeze %dma_start3A_480 : memref<1x!tpu.dma_semaphore, #tpu.memory_space<semaphore_mem>> -> memref<!tpu.dma_semaphore, #tpu.memory_space<semaphore_mem>>
      tpu.enqueue_indirect_dma source(%dma_start3A_479 : memref<10000x64xf32, #tpu.memory_space<hbm>>) target(%dma_start3A_473 : memref<128x64xf32, #tpu.memory_space<vmem>>) offsets(%dma_start3A_476 : memref<128xi32, #tpu.memory_space<vmem>>) semaphore(%dma_start3A_481 : memref<!tpu.dma_semaphore, #tpu.memory_space<semaphore_mem>>)
      %dma_wait3A_482 = arith.constant 2 : i32
      %dma_wait3A_483 = arith.constant 256 : i32
      %dma_wait3A_484 = arith.constant 0 : i32
      %dma_wait3A_485 = tpu.memref_slice %arg11[%dma_wait3A_483, %dma_wait3A_484] : memref<640x64xf32, #tpu.memory_space<vmem>> -> memref<128x64xf32, #tpu.memory_space<vmem>>
      %dma_wait3A_486 = arith.constant 0 : i32
      %dma_wait3A_487 = arith.constant 0 : i32
      %dma_wait3A_488 = tpu.memref_slice %arg2[%dma_wait3A_486, %dma_wait3A_487] : memref<10000x64xf32, #tpu.memory_space<hbm>> -> memref<128x64xf32, #tpu.memory_space<hbm>>
      %dma_wait3A_489 = tpu.memref_slice %arg13[%dma_wait3A_482] : memref<5x!tpu.dma_semaphore, #tpu.memory_space<semaphore_mem>> -> memref<1x!tpu.dma_semaphore, #tpu.memory_space<semaphore_mem>>
      %dma_wait3A_490 = tpu.memref_squeeze %dma_wait3A_489 : memref<1x!tpu.dma_semaphore, #tpu.memory_space<semaphore_mem>> -> memref<!tpu.dma_semaphore, #tpu.memory_space<semaphore_mem>>
      %dma_wait3A_491 = arith.constant 256 : i32
      %dma_wait3A_492 = arith.constant 0 : i32
      %dma_wait3A_493 = tpu.memref_slice %arg11[%dma_wait3A_491, %dma_wait3A_492] : memref<640x64xf32, #tpu.memory_space<vmem>> -> memref<128x64xf32, #tpu.memory_space<vmem>>
      %dma_wait3A_494 = arith.constant 0 : i32
      %dma_wait3A_495 = arith.constant 0 : i32
      %dma_wait3A_496 = tpu.memref_slice %arg2[%dma_wait3A_494, %dma_wait3A_495] : memref<10000x64xf32, #tpu.memory_space<hbm>> -> memref<128x64xf32, #tpu.memory_space<hbm>>
      tpu.wait_dma2 semaphore(%dma_wait3A_490 : memref<!tpu.dma_semaphore, #tpu.memory_space<semaphore_mem>>) src(%dma_wait3A_496 : memref<128x64xf32, #tpu.memory_space<hbm>>) dst(%dma_wait3A_493 : memref<128x64xf32, #tpu.memory_space<vmem>>)
      %dma_wait3A_497 = arith.constant 0 : i32
      %dma_wait3A_498 = arith.constant 2 : i32
      %dma_wait3A_499 = arith.constant 0 : i32
      %dma_wait3A_500 = arith.constant 0 : i32
      %dma_wait3A_501 = tpu.memref_slice %arg6[%dma_wait3A_497, %dma_wait3A_499, %dma_wait3A_500] : memref<2x10240x16xf32, #tpu.memory_space<hbm>> -> memref<1x10240x16xf32, #tpu.memory_space<hbm>>
      %dma_wait3A_502 = tpu.memref_squeeze %dma_wait3A_501 : memref<1x10240x16xf32, #tpu.memory_space<hbm>> -> memref<10240x16xf32, #tpu.memory_space<hbm>>
      %dma_wait3A_503 = arith.constant 0 : i32
      %dma_wait3A_504 = arith.constant 0 : i32
      %dma_wait3A_505 = tpu.memref_slice %dma_wait3A_502[%dma_wait3A_503, %dma_wait3A_504] : memref<10240x16xf32, #tpu.memory_space<hbm>> -> memref<128x16xf32, #tpu.memory_space<hbm>>
      %dma_wait3A_506 = tpu.memref_slice %arg17[%dma_wait3A_498] : memref<5x!tpu.dma_semaphore, #tpu.memory_space<semaphore_mem>> -> memref<1x!tpu.dma_semaphore, #tpu.memory_space<semaphore_mem>>
      %dma_wait3A_507 = tpu.memref_squeeze %dma_wait3A_506 : memref<1x!tpu.dma_semaphore, #tpu.memory_space<semaphore_mem>> -> memref<!tpu.dma_semaphore, #tpu.memory_space<semaphore_mem>>
      %dma_wait3A_508 = arith.constant 0 : i32
      %dma_wait3A_509 = arith.constant 0 : i32
      %dma_wait3A_510 = tpu.memref_slice %arg6[%dma_wait3A_497, %dma_wait3A_508, %dma_wait3A_509] : memref<2x10240x16xf32, #tpu.memory_space<hbm>> -> memref<1x10240x16xf32, #tpu.memory_space<hbm>>
      %dma_wait3A_511 = tpu.memref_squeeze %dma_wait3A_510 : memref<1x10240x16xf32, #tpu.memory_space<hbm>> -> memref<10240x16xf32, #tpu.memory_space<hbm>>
      %dma_wait3A_512 = arith.constant 0 : i32
      %dma_wait3A_513 = arith.constant 0 : i32
      %dma_wait3A_514 = tpu.memref_slice %dma_wait3A_511[%dma_wait3A_512, %dma_wait3A_513] : memref<10240x16xf32, #tpu.memory_space<hbm>> -> memref<128x16xf32, #tpu.memory_space<hbm>>
      tpu.wait_dma2 semaphore(%dma_wait3A_507 : memref<!tpu.dma_semaphore, #tpu.memory_space<semaphore_mem>>) src(%dma_wait3A_514 : memref<128x16xf32, #tpu.memory_space<hbm>>) dst(%arg16 : memref<128x16xf32, #tpu.memory_space<vmem>>)
      %add3A_515 = arith.constant 2 : i32
      %add3A_516 = arith.addi %mul3A_187, %add3A_515 : i32
      %dma_start3A_517 = arith.constant 2 : i32
      %dma_start3A_518 = arith.constant 256 : i32
      %dma_start3A_519 = arith.constant 0 : i32
      %dma_start3A_520 = tpu.memref_slice %arg11[%dma_start3A_518, %dma_start3A_519] : memref<640x64xf32, #tpu.memory_space<vmem>> -> memref<128x64xf32, #tpu.memory_space<vmem>>
      %dma_start3A_521 = arith.constant 0 : i32
      %dma_start3A_522 = tpu.memref_slice %arg9[%add3A_516, %dma_start3A_521] : memref<80x128xi32, #tpu.memory_space<vmem>> -> memref<1x128xi32, #tpu.memory_space<vmem>>
      %dma_start3A_523 = tpu.memref_squeeze %dma_start3A_522 : memref<1x128xi32, #tpu.memory_space<vmem>> -> memref<128xi32, #tpu.memory_space<vmem>>
      %dma_start3A_524 = arith.constant 0 : i32
      %dma_start3A_525 = arith.constant 0 : i32
      %dma_start3A_526 = tpu.memref_slice %arg2[%dma_start3A_524, %dma_start3A_525] : memref<10000x64xf32, #tpu.memory_space<hbm>> -> memref<10000x64xf32, #tpu.memory_space<hbm>>
      %dma_start3A_527 = tpu.memref_slice %arg12[%dma_start3A_517] : memref<5x!tpu.dma_semaphore, #tpu.memory_space<semaphore_mem>> -> memref<1x!tpu.dma_semaphore, #tpu.memory_space<semaphore_mem>>
      %dma_start3A_528 = tpu.memref_squeeze %dma_start3A_527 : memref<1x!tpu.dma_semaphore, #tpu.memory_space<semaphore_mem>> -> memref<!tpu.dma_semaphore, #tpu.memory_space<semaphore_mem>>
      tpu.enqueue_indirect_dma source(%dma_start3A_526 : memref<10000x64xf32, #tpu.memory_space<hbm>>) target(%dma_start3A_520 : memref<128x64xf32, #tpu.memory_space<vmem>>) offsets(%dma_start3A_523 : memref<128xi32, #tpu.memory_space<vmem>>) semaphore(%dma_start3A_528 : memref<!tpu.dma_semaphore, #tpu.memory_space<semaphore_mem>>)
      %dma_wait3A_529 = arith.constant 3 : i32
      %dma_wait3A_530 = arith.constant 384 : i32
      %dma_wait3A_531 = arith.constant 0 : i32
      %dma_wait3A_532 = tpu.memref_slice %arg11[%dma_wait3A_530, %dma_wait3A_531] : memref<640x64xf32, #tpu.memory_space<vmem>> -> memref<128x64xf32, #tpu.memory_space<vmem>>
      %dma_wait3A_533 = arith.constant 0 : i32
      %dma_wait3A_534 = arith.constant 0 : i32
      %dma_wait3A_535 = tpu.memref_slice %arg2[%dma_wait3A_533, %dma_wait3A_534] : memref<10000x64xf32, #tpu.memory_space<hbm>> -> memref<128x64xf32, #tpu.memory_space<hbm>>
      %dma_wait3A_536 = tpu.memref_slice %arg13[%dma_wait3A_529] : memref<5x!tpu.dma_semaphore, #tpu.memory_space<semaphore_mem>> -> memref<1x!tpu.dma_semaphore, #tpu.memory_space<semaphore_mem>>
      %dma_wait3A_537 = tpu.memref_squeeze %dma_wait3A_536 : memref<1x!tpu.dma_semaphore, #tpu.memory_space<semaphore_mem>> -> memref<!tpu.dma_semaphore, #tpu.memory_space<semaphore_mem>>
      %dma_wait3A_538 = arith.constant 384 : i32
      %dma_wait3A_539 = arith.constant 0 : i32
      %dma_wait3A_540 = tpu.memref_slice %arg11[%dma_wait3A_538, %dma_wait3A_539] : memref<640x64xf32, #tpu.memory_space<vmem>> -> memref<128x64xf32, #tpu.memory_space<vmem>>
      %dma_wait3A_541 = arith.constant 0 : i32
      %dma_wait3A_542 = arith.constant 0 : i32
      %dma_wait3A_543 = tpu.memref_slice %arg2[%dma_wait3A_541, %dma_wait3A_542] : memref<10000x64xf32, #tpu.memory_space<hbm>> -> memref<128x64xf32, #tpu.memory_space<hbm>>
      tpu.wait_dma2 semaphore(%dma_wait3A_537 : memref<!tpu.dma_semaphore, #tpu.memory_space<semaphore_mem>>) src(%dma_wait3A_543 : memref<128x64xf32, #tpu.memory_space<hbm>>) dst(%dma_wait3A_540 : memref<128x64xf32, #tpu.memory_space<vmem>>)
      %dma_wait3A_544 = arith.constant 0 : i32
      %dma_wait3A_545 = arith.constant 3 : i32
      %dma_wait3A_546 = arith.constant 0 : i32
      %dma_wait3A_547 = arith.constant 0 : i32
      %dma_wait3A_548 = tpu.memref_slice %arg6[%dma_wait3A_544, %dma_wait3A_546, %dma_wait3A_547] : memref<2x10240x16xf32, #tpu.memory_space<hbm>> -> memref<1x10240x16xf32, #tpu.memory_space<hbm>>
      %dma_wait3A_549 = tpu.memref_squeeze %dma_wait3A_548 : memref<1x10240x16xf32, #tpu.memory_space<hbm>> -> memref<10240x16xf32, #tpu.memory_space<hbm>>
      %dma_wait3A_550 = arith.constant 0 : i32
      %dma_wait3A_551 = arith.constant 0 : i32
      %dma_wait3A_552 = tpu.memref_slice %dma_wait3A_549[%dma_wait3A_550, %dma_wait3A_551] : memref<10240x16xf32, #tpu.memory_space<hbm>> -> memref<128x16xf32, #tpu.memory_space<hbm>>
      %dma_wait3A_553 = tpu.memref_slice %arg17[%dma_wait3A_545] : memref<5x!tpu.dma_semaphore, #tpu.memory_space<semaphore_mem>> -> memref<1x!tpu.dma_semaphore, #tpu.memory_space<semaphore_mem>>
      %dma_wait3A_554 = tpu.memref_squeeze %dma_wait3A_553 : memref<1x!tpu.dma_semaphore, #tpu.memory_space<semaphore_mem>> -> memref<!tpu.dma_semaphore, #tpu.memory_space<semaphore_mem>>
      %dma_wait3A_555 = arith.constant 0 : i32
      %dma_wait3A_556 = arith.constant 0 : i32
      %dma_wait3A_557 = tpu.memref_slice %arg6[%dma_wait3A_544, %dma_wait3A_555, %dma_wait3A_556] : memref<2x10240x16xf32, #tpu.memory_space<hbm>> -> memref<1x10240x16xf32, #tpu.memory_space<hbm>>
      %dma_wait3A_558 = tpu.memref_squeeze %dma_wait3A_557 : memref<1x10240x16xf32, #tpu.memory_space<hbm>> -> memref<10240x16xf32, #tpu.memory_space<hbm>>
      %dma_wait3A_559 = arith.constant 0 : i32
      %dma_wait3A_560 = arith.constant 0 : i32
      %dma_wait3A_561 = tpu.memref_slice %dma_wait3A_558[%dma_wait3A_559, %dma_wait3A_560] : memref<10240x16xf32, #tpu.memory_space<hbm>> -> memref<128x16xf32, #tpu.memory_space<hbm>>
      tpu.wait_dma2 semaphore(%dma_wait3A_554 : memref<!tpu.dma_semaphore, #tpu.memory_space<semaphore_mem>>) src(%dma_wait3A_561 : memref<128x16xf32, #tpu.memory_space<hbm>>) dst(%arg16 : memref<128x16xf32, #tpu.memory_space<vmem>>)
      %add3A_562 = arith.constant 3 : i32
      %add3A_563 = arith.addi %mul3A_187, %add3A_562 : i32
      %dma_start3A_564 = arith.constant 3 : i32
      %dma_start3A_565 = arith.constant 384 : i32
      %dma_start3A_566 = arith.constant 0 : i32
      %dma_start3A_567 = tpu.memref_slice %arg11[%dma_start3A_565, %dma_start3A_566] : memref<640x64xf32, #tpu.memory_space<vmem>> -> memref<128x64xf32, #tpu.memory_space<vmem>>
      %dma_start3A_568 = arith.constant 0 : i32
      %dma_start3A_569 = tpu.memref_slice %arg9[%add3A_563, %dma_start3A_568] : memref<80x128xi32, #tpu.memory_space<vmem>> -> memref<1x128xi32, #tpu.memory_space<vmem>>
      %dma_start3A_570 = tpu.memref_squeeze %dma_start3A_569 : memref<1x128xi32, #tpu.memory_space<vmem>> -> memref<128xi32, #tpu.memory_space<vmem>>
      %dma_start3A_571 = arith.constant 0 : i32
      %dma_start3A_572 = arith.constant 0 : i32
      %dma_start3A_573 = tpu.memref_slice %arg2[%dma_start3A_571, %dma_start3A_572] : memref<10000x64xf32, #tpu.memory_space<hbm>> -> memref<10000x64xf32, #tpu.memory_space<hbm>>
      %dma_start3A_574 = tpu.memref_slice %arg12[%dma_start3A_564] : memref<5x!tpu.dma_semaphore, #tpu.memory_space<semaphore_mem>> -> memref<1x!tpu.dma_semaphore, #tpu.memory_space<semaphore_mem>>
      %dma_start3A_575 = tpu.memref_squeeze %dma_start3A_574 : memref<1x!tpu.dma_semaphore, #tpu.memory_space<semaphore_mem>> -> memref<!tpu.dma_semaphore, #tpu.memory_space<semaphore_mem>>
      tpu.enqueue_indirect_dma source(%dma_start3A_573 : memref<10000x64xf32, #tpu.memory_space<hbm>>) target(%dma_start3A_567 : memref<128x64xf32, #tpu.memory_space<vmem>>) offsets(%dma_start3A_570 : memref<128xi32, #tpu.memory_space<vmem>>) semaphore(%dma_start3A_575 : memref<!tpu.dma_semaphore, #tpu.memory_space<semaphore_mem>>)
      %dma_wait3A_576 = arith.constant 4 : i32
      %dma_wait3A_577 = arith.constant 512 : i32
      %dma_wait3A_578 = arith.constant 0 : i32
      %dma_wait3A_579 = tpu.memref_slice %arg11[%dma_wait3A_577, %dma_wait3A_578] : memref<640x64xf32, #tpu.memory_space<vmem>> -> memref<128x64xf32, #tpu.memory_space<vmem>>
      %dma_wait3A_580 = arith.constant 0 : i32
      %dma_wait3A_581 = arith.constant 0 : i32
      %dma_wait3A_582 = tpu.memref_slice %arg2[%dma_wait3A_580, %dma_wait3A_581] : memref<10000x64xf32, #tpu.memory_space<hbm>> -> memref<128x64xf32, #tpu.memory_space<hbm>>
      %dma_wait3A_583 = tpu.memref_slice %arg13[%dma_wait3A_576] : memref<5x!tpu.dma_semaphore, #tpu.memory_space<semaphore_mem>> -> memref<1x!tpu.dma_semaphore, #tpu.memory_space<semaphore_mem>>
      %dma_wait3A_584 = tpu.memref_squeeze %dma_wait3A_583 : memref<1x!tpu.dma_semaphore, #tpu.memory_space<semaphore_mem>> -> memref<!tpu.dma_semaphore, #tpu.memory_space<semaphore_mem>>
      %dma_wait3A_585 = arith.constant 512 : i32
      %dma_wait3A_586 = arith.constant 0 : i32
      %dma_wait3A_587 = tpu.memref_slice %arg11[%dma_wait3A_585, %dma_wait3A_586] : memref<640x64xf32, #tpu.memory_space<vmem>> -> memref<128x64xf32, #tpu.memory_space<vmem>>
      %dma_wait3A_588 = arith.constant 0 : i32
      %dma_wait3A_589 = arith.constant 0 : i32
      %dma_wait3A_590 = tpu.memref_slice %arg2[%dma_wait3A_588, %dma_wait3A_589] : memref<10000x64xf32, #tpu.memory_space<hbm>> -> memref<128x64xf32, #tpu.memory_space<hbm>>
      tpu.wait_dma2 semaphore(%dma_wait3A_584 : memref<!tpu.dma_semaphore, #tpu.memory_space<semaphore_mem>>) src(%dma_wait3A_590 : memref<128x64xf32, #tpu.memory_space<hbm>>) dst(%dma_wait3A_587 : memref<128x64xf32, #tpu.memory_space<vmem>>)
      %dma_wait3A_591 = arith.constant 0 : i32
      %dma_wait3A_592 = arith.constant 4 : i32
      %dma_wait3A_593 = arith.constant 0 : i32
      %dma_wait3A_594 = arith.constant 0 : i32
      %dma_wait3A_595 = tpu.memref_slice %arg6[%dma_wait3A_591, %dma_wait3A_593, %dma_wait3A_594] : memref<2x10240x16xf32, #tpu.memory_space<hbm>> -> memref<1x10240x16xf32, #tpu.memory_space<hbm>>
      %dma_wait3A_596 = tpu.memref_squeeze %dma_wait3A_595 : memref<1x10240x16xf32, #tpu.memory_space<hbm>> -> memref<10240x16xf32, #tpu.memory_space<hbm>>
      %dma_wait3A_597 = arith.constant 0 : i32
      %dma_wait3A_598 = arith.constant 0 : i32
      %dma_wait3A_599 = tpu.memref_slice %dma_wait3A_596[%dma_wait3A_597, %dma_wait3A_598] : memref<10240x16xf32, #tpu.memory_space<hbm>> -> memref<128x16xf32, #tpu.memory_space<hbm>>
      %dma_wait3A_600 = tpu.memref_slice %arg17[%dma_wait3A_592] : memref<5x!tpu.dma_semaphore, #tpu.memory_space<semaphore_mem>> -> memref<1x!tpu.dma_semaphore, #tpu.memory_space<semaphore_mem>>
      %dma_wait3A_601 = tpu.memref_squeeze %dma_wait3A_600 : memref<1x!tpu.dma_semaphore, #tpu.memory_space<semaphore_mem>> -> memref<!tpu.dma_semaphore, #tpu.memory_space<semaphore_mem>>
      %dma_wait3A_602 = arith.constant 0 : i32
      %dma_wait3A_603 = arith.constant 0 : i32
      %dma_wait3A_604 = tpu.memref_slice %arg6[%dma_wait3A_591, %dma_wait3A_602, %dma_wait3A_603] : memref<2x10240x16xf32, #tpu.memory_space<hbm>> -> memref<1x10240x16xf32, #tpu.memory_space<hbm>>
      %dma_wait3A_605 = tpu.memref_squeeze %dma_wait3A_604 : memref<1x10240x16xf32, #tpu.memory_space<hbm>> -> memref<10240x16xf32, #tpu.memory_space<hbm>>
      %dma_wait3A_606 = arith.constant 0 : i32
      %dma_wait3A_607 = arith.constant 0 : i32
      %dma_wait3A_608 = tpu.memref_slice %dma_wait3A_605[%dma_wait3A_606, %dma_wait3A_607] : memref<10240x16xf32, #tpu.memory_space<hbm>> -> memref<128x16xf32, #tpu.memory_space<hbm>>
      tpu.wait_dma2 semaphore(%dma_wait3A_601 : memref<!tpu.dma_semaphore, #tpu.memory_space<semaphore_mem>>) src(%dma_wait3A_608 : memref<128x16xf32, #tpu.memory_space<hbm>>) dst(%arg16 : memref<128x16xf32, #tpu.memory_space<vmem>>)
      %add3A_609 = arith.constant 4 : i32
      %add3A_610 = arith.addi %mul3A_187, %add3A_609 : i32
      %dma_start3A_611 = arith.constant 4 : i32
      %dma_start3A_612 = arith.constant 512 : i32
      %dma_start3A_613 = arith.constant 0 : i32
      %dma_start3A_614 = tpu.memref_slice %arg11[%dma_start3A_612, %dma_start3A_613] : memref<640x64xf32, #tpu.memory_space<vmem>> -> memref<128x64xf32, #tpu.memory_space<vmem>>
      %dma_start3A_615 = arith.constant 0 : i32
      %dma_start3A_616 = tpu.memref_slice %arg9[%add3A_610, %dma_start3A_615] : memref<80x128xi32, #tpu.memory_space<vmem>> -> memref<1x128xi32, #tpu.memory_space<vmem>>
      %dma_start3A_617 = tpu.memref_squeeze %dma_start3A_616 : memref<1x128xi32, #tpu.memory_space<vmem>> -> memref<128xi32, #tpu.memory_space<vmem>>
      %dma_start3A_618 = arith.constant 0 : i32
      %dma_start3A_619 = arith.constant 0 : i32
      %dma_start3A_620 = tpu.memref_slice %arg2[%dma_start3A_618, %dma_start3A_619] : memref<10000x64xf32, #tpu.memory_space<hbm>> -> memref<10000x64xf32, #tpu.memory_space<hbm>>
      %dma_start3A_621 = tpu.memref_slice %arg12[%dma_start3A_611] : memref<5x!tpu.dma_semaphore, #tpu.memory_space<semaphore_mem>> -> memref<1x!tpu.dma_semaphore, #tpu.memory_space<semaphore_mem>>
      %dma_start3A_622 = tpu.memref_squeeze %dma_start3A_621 : memref<1x!tpu.dma_semaphore, #tpu.memory_space<semaphore_mem>> -> memref<!tpu.dma_semaphore, #tpu.memory_space<semaphore_mem>>
      tpu.enqueue_indirect_dma source(%dma_start3A_620 : memref<10000x64xf32, #tpu.memory_space<hbm>>) target(%dma_start3A_614 : memref<128x64xf32, #tpu.memory_space<vmem>>) offsets(%dma_start3A_617 : memref<128xi32, #tpu.memory_space<vmem>>) semaphore(%dma_start3A_622 : memref<!tpu.dma_semaphore, #tpu.memory_space<semaphore_mem>>)
    }
    %scan3A_98 = arith.constant 16 : i32
    %dma_wait3A = arith.constant 0 : i32
    %dma_wait3A_99 = arith.constant 0 : i32
    %dma_wait3A_100 = arith.constant 0 : i32
    %dma_wait3A_101 = tpu.memref_slice %arg11[%dma_wait3A_99, %dma_wait3A_100] : memref<640x64xf32, #tpu.memory_space<vmem>> -> memref<128x64xf32, #tpu.memory_space<vmem>>
    %dma_wait3A_102 = arith.constant 0 : i32
    %dma_wait3A_103 = arith.constant 0 : i32
    %dma_wait3A_104 = tpu.memref_slice %arg2[%dma_wait3A_102, %dma_wait3A_103] : memref<10000x64xf32, #tpu.memory_space<hbm>> -> memref<128x64xf32, #tpu.memory_space<hbm>>
    %dma_wait3A_105 = tpu.memref_slice %arg12[%dma_wait3A] : memref<5x!tpu.dma_semaphore, #tpu.memory_space<semaphore_mem>> -> memref<1x!tpu.dma_semaphore, #tpu.memory_space<semaphore_mem>>
    %dma_wait3A_106 = tpu.memref_squeeze %dma_wait3A_105 : memref<1x!tpu.dma_semaphore, #tpu.memory_space<semaphore_mem>> -> memref<!tpu.dma_semaphore, #tpu.memory_space<semaphore_mem>>
    %dma_wait3A_107 = arith.constant 0 : i32
    %dma_wait3A_108 = arith.constant 0 : i32
    %dma_wait3A_109 = tpu.memref_slice %arg11[%dma_wait3A_107, %dma_wait3A_108] : memref<640x64xf32, #tpu.memory_space<vmem>> -> memref<128x64xf32, #tpu.memory_space<vmem>>
    %dma_wait3A_110 = arith.constant 0 : i32
    %dma_wait3A_111 = arith.constant 0 : i32
    %dma_wait3A_112 = tpu.memref_slice %arg2[%dma_wait3A_110, %dma_wait3A_111] : memref<10000x64xf32, #tpu.memory_space<hbm>> -> memref<128x64xf32, #tpu.memory_space<hbm>>
    tpu.wait_dma2 semaphore(%dma_wait3A_106 : memref<!tpu.dma_semaphore, #tpu.memory_space<semaphore_mem>>) src(%dma_wait3A_112 : memref<128x64xf32, #tpu.memory_space<hbm>>) dst(%dma_wait3A_109 : memref<128x64xf32, #tpu.memory_space<vmem>>)
    %dma_wait3A_113 = arith.constant 1 : i32
    %dma_wait3A_114 = arith.constant 128 : i32
    %dma_wait3A_115 = arith.constant 0 : i32
    %dma_wait3A_116 = tpu.memref_slice %arg11[%dma_wait3A_114, %dma_wait3A_115] : memref<640x64xf32, #tpu.memory_space<vmem>> -> memref<128x64xf32, #tpu.memory_space<vmem>>
    %dma_wait3A_117 = arith.constant 0 : i32
    %dma_wait3A_118 = arith.constant 0 : i32
    %dma_wait3A_119 = tpu.memref_slice %arg2[%dma_wait3A_117, %dma_wait3A_118] : memref<10000x64xf32, #tpu.memory_space<hbm>> -> memref<128x64xf32, #tpu.memory_space<hbm>>
    %dma_wait3A_120 = tpu.memref_slice %arg12[%dma_wait3A_113] : memref<5x!tpu.dma_semaphore, #tpu.memory_space<semaphore_mem>> -> memref<1x!tpu.dma_semaphore, #tpu.memory_space<semaphore_mem>>
    %dma_wait3A_121 = tpu.memref_squeeze %dma_wait3A_120 : memref<1x!tpu.dma_semaphore, #tpu.memory_space<semaphore_mem>> -> memref<!tpu.dma_semaphore, #tpu.memory_space<semaphore_mem>>
    %dma_wait3A_122 = arith.constant 128 : i32
    %dma_wait3A_123 = arith.constant 0 : i32
    %dma_wait3A_124 = tpu.memref_slice %arg11[%dma_wait3A_122, %dma_wait3A_123] : memref<640x64xf32, #tpu.memory_space<vmem>> -> memref<128x64xf32, #tpu.memory_space<vmem>>
    %dma_wait3A_125 = arith.constant 0 : i32
    %dma_wait3A_126 = arith.constant 0 : i32
    %dma_wait3A_127 = tpu.memref_slice %arg2[%dma_wait3A_125, %dma_wait3A_126] : memref<10000x64xf32, #tpu.memory_space<hbm>> -> memref<128x64xf32, #tpu.memory_space<hbm>>
    tpu.wait_dma2 semaphore(%dma_wait3A_121 : memref<!tpu.dma_semaphore, #tpu.memory_space<semaphore_mem>>) src(%dma_wait3A_127 : memref<128x64xf32, #tpu.memory_space<hbm>>) dst(%dma_wait3A_124 : memref<128x64xf32, #tpu.memory_space<vmem>>)
    %dma_wait3A_128 = arith.constant 2 : i32
    %dma_wait3A_129 = arith.constant 256 : i32
    %dma_wait3A_130 = arith.constant 0 : i32
    %dma_wait3A_131 = tpu.memref_slice %arg11[%dma_wait3A_129, %dma_wait3A_130] : memref<640x64xf32, #tpu.memory_space<vmem>> -> memref<128x64xf32, #tpu.memory_space<vmem>>
    %dma_wait3A_132 = arith.constant 0 : i32
    %dma_wait3A_133 = arith.constant 0 : i32
    %dma_wait3A_134 = tpu.memref_slice %arg2[%dma_wait3A_132, %dma_wait3A_133] : memref<10000x64xf32, #tpu.memory_space<hbm>> -> memref<128x64xf32, #tpu.memory_space<hbm>>
    %dma_wait3A_135 = tpu.memref_slice %arg12[%dma_wait3A_128] : memref<5x!tpu.dma_semaphore, #tpu.memory_space<semaphore_mem>> -> memref<1x!tpu.dma_semaphore, #tpu.memory_space<semaphore_mem>>
    %dma_wait3A_136 = tpu.memref_squeeze %dma_wait3A_135 : memref<1x!tpu.dma_semaphore, #tpu.memory_space<semaphore_mem>> -> memref<!tpu.dma_semaphore, #tpu.memory_space<semaphore_mem>>
    %dma_wait3A_137 = arith.constant 256 : i32
    %dma_wait3A_138 = arith.constant 0 : i32
    %dma_wait3A_139 = tpu.memref_slice %arg11[%dma_wait3A_137, %dma_wait3A_138] : memref<640x64xf32, #tpu.memory_space<vmem>> -> memref<128x64xf32, #tpu.memory_space<vmem>>
    %dma_wait3A_140 = arith.constant 0 : i32
    %dma_wait3A_141 = arith.constant 0 : i32
    %dma_wait3A_142 = tpu.memref_slice %arg2[%dma_wait3A_140, %dma_wait3A_141] : memref<10000x64xf32, #tpu.memory_space<hbm>> -> memref<128x64xf32, #tpu.memory_space<hbm>>
    tpu.wait_dma2 semaphore(%dma_wait3A_136 : memref<!tpu.dma_semaphore, #tpu.memory_space<semaphore_mem>>) src(%dma_wait3A_142 : memref<128x64xf32, #tpu.memory_space<hbm>>) dst(%dma_wait3A_139 : memref<128x64xf32, #tpu.memory_space<vmem>>)
    %dma_wait3A_143 = arith.constant 3 : i32
    %dma_wait3A_144 = arith.constant 384 : i32
    %dma_wait3A_145 = arith.constant 0 : i32
    %dma_wait3A_146 = tpu.memref_slice %arg11[%dma_wait3A_144, %dma_wait3A_145] : memref<640x64xf32, #tpu.memory_space<vmem>> -> memref<128x64xf32, #tpu.memory_space<vmem>>
    %dma_wait3A_147 = arith.constant 0 : i32
    %dma_wait3A_148 = arith.constant 0 : i32
    %dma_wait3A_149 = tpu.memref_slice %arg2[%dma_wait3A_147, %dma_wait3A_148] : memref<10000x64xf32, #tpu.memory_space<hbm>> -> memref<128x64xf32, #tpu.memory_space<hbm>>
    %dma_wait3A_150 = tpu.memref_slice %arg12[%dma_wait3A_143] : memref<5x!tpu.dma_semaphore, #tpu.memory_space<semaphore_mem>> -> memref<1x!tpu.dma_semaphore, #tpu.memory_space<semaphore_mem>>
    %dma_wait3A_151 = tpu.memref_squeeze %dma_wait3A_150 : memref<1x!tpu.dma_semaphore, #tpu.memory_space<semaphore_mem>> -> memref<!tpu.dma_semaphore, #tpu.memory_space<semaphore_mem>>
    %dma_wait3A_152 = arith.constant 384 : i32
    %dma_wait3A_153 = arith.constant 0 : i32
    %dma_wait3A_154 = tpu.memref_slice %arg11[%dma_wait3A_152, %dma_wait3A_153] : memref<640x64xf32, #tpu.memory_space<vmem>> -> memref<128x64xf32, #tpu.memory_space<vmem>>
    %dma_wait3A_155 = arith.constant 0 : i32
    %dma_wait3A_156 = arith.constant 0 : i32
    %dma_wait3A_157 = tpu.memref_slice %arg2[%dma_wait3A_155, %dma_wait3A_156] : memref<10000x64xf32, #tpu.memory_space<hbm>> -> memref<128x64xf32, #tpu.memory_space<hbm>>
    tpu.wait_dma2 semaphore(%dma_wait3A_151 : memref<!tpu.dma_semaphore, #tpu.memory_space<semaphore_mem>>) src(%dma_wait3A_157 : memref<128x64xf32, #tpu.memory_space<hbm>>) dst(%dma_wait3A_154 : memref<128x64xf32, #tpu.memory_space<vmem>>)
    %dma_wait3A_158 = arith.constant 4 : i32
    %dma_wait3A_159 = arith.constant 512 : i32
    %dma_wait3A_160 = arith.constant 0 : i32
    %dma_wait3A_161 = tpu.memref_slice %arg11[%dma_wait3A_159, %dma_wait3A_160] : memref<640x64xf32, #tpu.memory_space<vmem>> -> memref<128x64xf32, #tpu.memory_space<vmem>>
    %dma_wait3A_162 = arith.constant 0 : i32
    %dma_wait3A_163 = arith.constant 0 : i32
    %dma_wait3A_164 = tpu.memref_slice %arg2[%dma_wait3A_162, %dma_wait3A_163] : memref<10000x64xf32, #tpu.memory_space<hbm>> -> memref<128x64xf32, #tpu.memory_space<hbm>>
    %dma_wait3A_165 = tpu.memref_slice %arg12[%dma_wait3A_158] : memref<5x!tpu.dma_semaphore, #tpu.memory_space<semaphore_mem>> -> memref<1x!tpu.dma_semaphore, #tpu.memory_space<semaphore_mem>>
    %dma_wait3A_166 = tpu.memref_squeeze %dma_wait3A_165 : memref<1x!tpu.dma_semaphore, #tpu.memory_space<semaphore_mem>> -> memref<!tpu.dma_semaphore, #tpu.memory_space<semaphore_mem>>
    %dma_wait3A_167 = arith.constant 512 : i32
    %dma_wait3A_168 = arith.constant 0 : i32
    %dma_wait3A_169 = tpu.memref_slice %arg11[%dma_wait3A_167, %dma_wait3A_168] : memref<640x64xf32, #tpu.memory_space<vmem>> -> memref<128x64xf32, #tpu.memory_space<vmem>>
    %dma_wait3A_170 = arith.constant 0 : i32
    %dma_wait3A_171 = arith.constant 0 : i32
    %dma_wait3A_172 = tpu.memref_slice %arg2[%dma_wait3A_170, %dma_wait3A_171] : memref<10000x64xf32, #tpu.memory_space<hbm>> -> memref<128x64xf32, #tpu.memory_space<hbm>>
    tpu.wait_dma2 semaphore(%dma_wait3A_166 : memref<!tpu.dma_semaphore, #tpu.memory_space<semaphore_mem>>) src(%dma_wait3A_172 : memref<128x64xf32, #tpu.memory_space<hbm>>) dst(%dma_wait3A_169 : memref<128x64xf32, #tpu.memory_space<vmem>>)
    %barrier3A_173 = arith.constant 0 : index
    tpu.barrier barrier_id(%barrier3A_173)
    %mul3A_174 = arith.constant 640 : i32
    %mul3A_175 = arith.muli %arg1, %mul3A_174 : i32
    "tpu.region"() ({
      %run_scoped3A = tpu.sem_alloc : memref<!tpu.dma_semaphore, #tpu.memory_space<semaphore_mem>>
      %dma_start3A_176 = arith.constant 0 : i32
      %dma_start3A_177 = arith.constant 0 : i32
      %dma_start3A_178 = tpu.memref_slice %arg5[%arg0, %dma_start3A_176, %dma_start3A_177] : memref<2x10240x64xf32, #tpu.memory_space<hbm>> -> memref<1x10240x64xf32, #tpu.memory_space<hbm>>
      %dma_start3A_179 = tpu.memref_squeeze %dma_start3A_178 : memref<1x10240x64xf32, #tpu.memory_space<hbm>> -> memref<10240x64xf32, #tpu.memory_space<hbm>>
      %dma_start3A_180 = arith.constant 0 : i32
      %dma_start3A_181 = tpu.memref_slice %dma_start3A_179[%mul3A_175, %dma_start3A_180] : memref<10240x64xf32, #tpu.memory_space<hbm>> -> memref<640x64xf32, #tpu.memory_space<hbm>>
      %dma_start3A_182 = arith.constant 0 : i32
      %dma_start3A_183 = tpu.memref_slice %arg7[%mul3A_175, %dma_start3A_182] : memref<10240x64xf32, #tpu.memory_space<vmem_shared>> -> memref<640x64xf32, #tpu.memory_space<vmem_shared>>
      tpu.enqueue_dma source(%dma_start3A_183 : memref<640x64xf32, #tpu.memory_space<vmem_shared>>) target(%dma_start3A_181 : memref<640x64xf32, #tpu.memory_space<hbm>>) target_semaphore(%run_scoped3A : memref<!tpu.dma_semaphore, #tpu.memory_space<semaphore_mem>>)
      %dma_wait3A_184 = arith.constant 0 : i32
      %dma_wait3A_185 = arith.constant 0 : i32
      %dma_wait3A_186 = tpu.memref_slice %arg5[%arg0, %dma_wait3A_184, %dma_wait3A_185] : memref<2x10240x64xf32, #tpu.memory_space<hbm>> -> memref<1x10240x64xf32, #tpu.memory_space<hbm>>
      %dma_wait3A_187 = tpu.memref_squeeze %dma_wait3A_186 : memref<1x10240x64xf32, #tpu.memory_space<hbm>> -> memref<10240x64xf32, #tpu.memory_space<hbm>>
      %dma_wait3A_188 = arith.constant 0 : i32
      %dma_wait3A_189 = tpu.memref_slice %dma_wait3A_187[%mul3A_175, %dma_wait3A_188] : memref<10240x64xf32, #tpu.memory_space<hbm>> -> memref<640x64xf32, #tpu.memory_space<hbm>>
      %dma_wait3A_190 = arith.constant 0 : i32
      %dma_wait3A_191 = tpu.memref_slice %arg7[%mul3A_175, %dma_wait3A_190] : memref<10240x64xf32, #tpu.memory_space<vmem_shared>> -> memref<640x64xf32, #tpu.memory_space<vmem_shared>>
      tpu.wait_dma2 semaphore(%run_scoped3A : memref<!tpu.dma_semaphore, #tpu.memory_space<semaphore_mem>>) src(%dma_wait3A_191 : memref<640x64xf32, #tpu.memory_space<vmem_shared>>) dst(%dma_wait3A_189 : memref<640x64xf32, #tpu.memory_space<hbm>>)
      tpu.yield
    }) : () -> ()
    "tpu.region"() ({
      %run_scoped3A = tpu.sem_alloc : memref<!tpu.dma_semaphore, #tpu.memory_space<semaphore_mem>>
      %dma_start3A_176 = arith.constant 0 : i32
      %dma_start3A_177 = arith.constant 0 : i32
      %dma_start3A_178 = tpu.memref_slice %arg6[%arg0, %dma_start3A_176, %dma_start3A_177] : memref<2x10240x16xf32, #tpu.memory_space<hbm>> -> memref<1x10240x16xf32, #tpu.memory_space<hbm>>
      %dma_start3A_179 = tpu.memref_squeeze %dma_start3A_178 : memref<1x10240x16xf32, #tpu.memory_space<hbm>> -> memref<10240x16xf32, #tpu.memory_space<hbm>>
      %dma_start3A_180 = arith.constant 0 : i32
      %dma_start3A_181 = tpu.memref_slice %dma_start3A_179[%mul3A_175, %dma_start3A_180] : memref<10240x16xf32, #tpu.memory_space<hbm>> -> memref<640x16xf32, #tpu.memory_space<hbm>>
      %dma_start3A_182 = arith.constant 0 : i32
      %dma_start3A_183 = tpu.memref_slice %arg14[%mul3A_175, %dma_start3A_182] : memref<10240x16xf32, #tpu.memory_space<vmem_shared>> -> memref<640x16xf32, #tpu.memory_space<vmem_shared>>
      tpu.enqueue_dma source(%dma_start3A_183 : memref<640x16xf32, #tpu.memory_space<vmem_shared>>) target(%dma_start3A_181 : memref<640x16xf32, #tpu.memory_space<hbm>>) target_semaphore(%run_scoped3A : memref<!tpu.dma_semaphore, #tpu.memory_space<semaphore_mem>>)
      %dma_wait3A_184 = arith.constant 0 : i32
      %dma_wait3A_185 = arith.constant 0 : i32
      %dma_wait3A_186 = tpu.memref_slice %arg6[%arg0, %dma_wait3A_184, %dma_wait3A_185] : memref<2x10240x16xf32, #tpu.memory_space<hbm>> -> memref<1x10240x16xf32, #tpu.memory_space<hbm>>
      %dma_wait3A_187 = tpu.memref_squeeze %dma_wait3A_186 : memref<1x10240x16xf32, #tpu.memory_space<hbm>> -> memref<10240x16xf32, #tpu.memory_space<hbm>>
      %dma_wait3A_188 = arith.constant 0 : i32
      %dma_wait3A_189 = tpu.memref_slice %dma_wait3A_187[%mul3A_175, %dma_wait3A_188] : memref<10240x16xf32, #tpu.memory_space<hbm>> -> memref<640x16xf32, #tpu.memory_space<hbm>>
      %dma_wait3A_190 = arith.constant 0 : i32
      %dma_wait3A_191 = tpu.memref_slice %arg14[%mul3A_175, %dma_wait3A_190] : memref<10240x16xf32, #tpu.memory_space<vmem_shared>> -> memref<640x16xf32, #tpu.memory_space<vmem_shared>>
      tpu.wait_dma2 semaphore(%run_scoped3A : memref<!tpu.dma_semaphore, #tpu.memory_space<semaphore_mem>>) src(%dma_wait3A_191 : memref<640x16xf32, #tpu.memory_space<vmem_shared>>) dst(%dma_wait3A_189 : memref<640x16xf32, #tpu.memory_space<hbm>>)
      tpu.yield
    }) : () -> ()
    return
  }
}

#map = affine_map<(d0, d1) -> (0, 0)>
#map1 = affine_map<(d0, d1) -> (0, 0, 0)>
module attributes {stable_mosaic.version = 14 : i64} {
  func.func @sc_kernel(%arg0: i32, %arg1: i32, %arg2: memref<10000x64xf32, #tpu.memory_space<hbm>>, %arg3: memref<32x80x128xi32, #tpu.memory_space<hbm>>, %arg4: memref<32x80x128xi32, #tpu.memory_space<hbm>>, %arg5: memref<2x10240x64xf32, #tpu.memory_space<hbm>>, %arg6: memref<10240x64xf32, #tpu.memory_space<vmem_shared>>, %arg7: memref<64x64xf32, #tpu.memory_space<vmem>>, %arg8: memref<80x128xi32, #tpu.memory_space<vmem>>, %arg9: memref<80x128xi32, #tpu.memory_space<vmem>>, %arg10: memref<640x64xf32, #tpu.memory_space<vmem>>, %arg11: memref<5x!tpu.dma_semaphore, #tpu.memory_space<semaphore_mem>>, %arg12: memref<5x!tpu.dma_semaphore, #tpu.memory_space<semaphore_mem>>) attributes {dimension_semantics = [#tpu.dimension_semantics<core_parallel>, #tpu.dimension_semantics<subcore_parallel>], iteration_bounds = array<i64: 2, 16>, scalar_prefetch = 0 : i64, scratch_operands = 7 : i64, tpu.core_type = #tpu.core_type<sc_vector_subcore>, window_params = [{transform_indices = #map}, {transform_indices = #map1}, {transform_indices = #map1}, {transform_indices = #map1}]} {
    %mul3A = arith.constant 16 : i32
    %mul3A_0 = arith.muli %arg0, %mul3A : i32
    %add3A = arith.addi %mul3A_0, %arg1 : i32
    %broadcast_in_dim3A = arith.constant 0.000000e+00 : f32
    %broadcast_in_dim3A_1 = vector.broadcast %broadcast_in_dim3A : f32 to vector<16xf32>
    %scan3A = arith.constant 0 : i32
    %scan3A_2 = arith.constant 64 : i32
    %scan3A_3 = arith.addi %scan3A, %scan3A_2 : i32
    %scan3A_4 = arith.constant 1 : i32
    scf.for %scan3A_159 = %scan3A to %scan3A_3 step %scan3A_4  : i32 {
      %mul3A_160 = arith.constant 1 : i32
      %mul3A_161 = arith.muli %scan3A_159, %mul3A_160 : i32
      %add3A_162 = arith.constant 0 : i32
      %add3A_163 = arith.addi %add3A_162, %mul3A_161 : i32
      %swap3A = arith.index_cast %add3A_163 : i32 to index
      %swap3A_164 = arith.constant 0 : index
      %swap3A_165 = tpu.vector_load %arg7[%swap3A, %swap3A_164] {strides = array<i32>} : memref<64x64xf32, #tpu.memory_space<vmem>>, vector<1x16xf32>,
      %swap3A_166 = vector.shape_cast %swap3A_165 : vector<1x16xf32> to vector<16xf32>
      %swap3A_167 = vector.shape_cast %broadcast_in_dim3A_1 : vector<16xf32> to vector<1x16xf32>
      tpu.vector_store %arg7[%swap3A, %swap3A_164], %swap3A_167 {strides = array<i32>} : memref<64x64xf32, #tpu.memory_space<vmem>>, vector<1x16xf32>,
      %swap3A_168 = arith.index_cast %add3A_163 : i32 to index
      %swap3A_169 = arith.constant 16 : index
      %swap3A_170 = tpu.vector_load %arg7[%swap3A_168, %swap3A_169] {strides = array<i32>} : memref<64x64xf32, #tpu.memory_space<vmem>>, vector<1x16xf32>,
      %swap3A_171 = vector.shape_cast %swap3A_170 : vector<1x16xf32> to vector<16xf32>
      %swap3A_172 = vector.shape_cast %broadcast_in_dim3A_1 : vector<16xf32> to vector<1x16xf32>
      tpu.vector_store %arg7[%swap3A_168, %swap3A_169], %swap3A_172 {strides = array<i32>} : memref<64x64xf32, #tpu.memory_space<vmem>>, vector<1x16xf32>,
      %swap3A_173 = arith.index_cast %add3A_163 : i32 to index
      %swap3A_174 = arith.constant 32 : index
      %swap3A_175 = tpu.vector_load %arg7[%swap3A_173, %swap3A_174] {strides = array<i32>} : memref<64x64xf32, #tpu.memory_space<vmem>>, vector<1x16xf32>,
      %swap3A_176 = vector.shape_cast %swap3A_175 : vector<1x16xf32> to vector<16xf32>
      %swap3A_177 = vector.shape_cast %broadcast_in_dim3A_1 : vector<16xf32> to vector<1x16xf32>
      tpu.vector_store %arg7[%swap3A_173, %swap3A_174], %swap3A_177 {strides = array<i32>} : memref<64x64xf32, #tpu.memory_space<vmem>>, vector<1x16xf32>,
      %swap3A_178 = arith.index_cast %add3A_163 : i32 to index
      %swap3A_179 = arith.constant 48 : index
      %swap3A_180 = tpu.vector_load %arg7[%swap3A_178, %swap3A_179] {strides = array<i32>} : memref<64x64xf32, #tpu.memory_space<vmem>>, vector<1x16xf32>,
      %swap3A_181 = vector.shape_cast %swap3A_180 : vector<1x16xf32> to vector<16xf32>
      %swap3A_182 = vector.shape_cast %broadcast_in_dim3A_1 : vector<16xf32> to vector<1x16xf32>
      tpu.vector_store %arg7[%swap3A_178, %swap3A_179], %swap3A_182 {strides = array<i32>} : memref<64x64xf32, #tpu.memory_space<vmem>>, vector<1x16xf32>,
    }
    %scan3A_5 = arith.constant 64 : i32
    %mul3A_6 = arith.constant 640 : i32
    %mul3A_7 = arith.muli %arg1, %mul3A_6 : i32
    %scan3A_8 = arith.constant 0 : i32
    %scan3A_9 = arith.constant 10 : i32
    %scan3A_10 = arith.addi %scan3A_8, %scan3A_9 : i32
    %scan3A_11 = arith.constant 1 : i32
    scf.for %scan3A_159 = %scan3A_8 to %scan3A_10 step %scan3A_11  : i32 {
      %mul3A_160 = arith.constant 1 : i32
      %mul3A_161 = arith.muli %scan3A_159, %mul3A_160 : i32
      %add3A_162 = arith.constant 0 : i32
      %add3A_163 = arith.addi %add3A_162, %mul3A_161 : i32
      %mul3A_164 = arith.constant 64 : i32
      %mul3A_165 = arith.muli %add3A_163, %mul3A_164 : i32
      %add3A_166 = arith.addi %mul3A_7, %mul3A_165 : i32
      "tpu.region"() ({
        %run_scoped3A = tpu.sem_alloc : memref<!tpu.dma_semaphore, #tpu.memory_space<semaphore_mem>>
        %dma_start3A_167 = arith.constant 0 : i32
        %dma_start3A_168 = tpu.memref_slice %arg6[%add3A_166, %dma_start3A_167] : memref<10240x64xf32, #tpu.memory_space<vmem_shared>> -> memref<64x64xf32, #tpu.memory_space<vmem_shared>>
        %dma_start3A_169 = arith.constant 0 : i32
        %dma_start3A_170 = tpu.memref_slice %arg6[%add3A_166, %dma_start3A_169] : memref<10240x64xf32, #tpu.memory_space<vmem_shared>> -> memref<64x64xf32, #tpu.memory_space<vmem_shared>>
        tpu.enqueue_dma source(%arg7 : memref<64x64xf32, #tpu.memory_space<vmem>>) target(%dma_start3A_170 : memref<64x64xf32, #tpu.memory_space<vmem_shared>>) target_semaphore(%run_scoped3A : memref<!tpu.dma_semaphore, #tpu.memory_space<semaphore_mem>>)
        %dma_wait3A_171 = arith.constant 0 : i32
        %dma_wait3A_172 = tpu.memref_slice %arg6[%add3A_166, %dma_wait3A_171] : memref<10240x64xf32, #tpu.memory_space<vmem_shared>> -> memref<64x64xf32, #tpu.memory_space<vmem_shared>>
        %dma_wait3A_173 = arith.constant 0 : i32
        %dma_wait3A_174 = tpu.memref_slice %arg6[%add3A_166, %dma_wait3A_173] : memref<10240x64xf32, #tpu.memory_space<vmem_shared>> -> memref<64x64xf32, #tpu.memory_space<vmem_shared>>
        tpu.wait_dma2 semaphore(%run_scoped3A : memref<!tpu.dma_semaphore, #tpu.memory_space<semaphore_mem>>) src(%arg7 : memref<64x64xf32, #tpu.memory_space<vmem>>) dst(%dma_wait3A_174 : memref<64x64xf32, #tpu.memory_space<vmem_shared>>)
        tpu.yield
      }) : () -> ()
    }
    %scan3A_12 = arith.constant 10 : i32
    "tpu.region"() ({
      %run_scoped3A = tpu.sem_alloc : memref<!tpu.dma_semaphore, #tpu.memory_space<semaphore_mem>>
      %dma_start3A_159 = arith.constant 0 : i32
      %dma_start3A_160 = arith.constant 0 : i32
      %dma_start3A_161 = tpu.memref_slice %arg3[%add3A, %dma_start3A_159, %dma_start3A_160] : memref<32x80x128xi32, #tpu.memory_space<hbm>> -> memref<1x80x128xi32, #tpu.memory_space<hbm>>
      %dma_start3A_162 = tpu.memref_squeeze %dma_start3A_161 : memref<1x80x128xi32, #tpu.memory_space<hbm>> -> memref<80x128xi32, #tpu.memory_space<hbm>>
      %dma_start3A_163 = arith.constant 0 : i32
      %dma_start3A_164 = arith.constant 0 : i32
      %dma_start3A_165 = tpu.memref_slice %arg3[%add3A, %dma_start3A_163, %dma_start3A_164] : memref<32x80x128xi32, #tpu.memory_space<hbm>> -> memref<1x80x128xi32, #tpu.memory_space<hbm>>
      %dma_start3A_166 = tpu.memref_squeeze %dma_start3A_165 : memref<1x80x128xi32, #tpu.memory_space<hbm>> -> memref<80x128xi32, #tpu.memory_space<hbm>>
      tpu.enqueue_dma source(%dma_start3A_166 : memref<80x128xi32, #tpu.memory_space<hbm>>) target(%arg8 : memref<80x128xi32, #tpu.memory_space<vmem>>) target_semaphore(%run_scoped3A : memref<!tpu.dma_semaphore, #tpu.memory_space<semaphore_mem>>)
      %dma_wait3A_167 = arith.constant 0 : i32
      %dma_wait3A_168 = arith.constant 0 : i32
      %dma_wait3A_169 = tpu.memref_slice %arg3[%add3A, %dma_wait3A_167, %dma_wait3A_168] : memref<32x80x128xi32, #tpu.memory_space<hbm>> -> memref<1x80x128xi32, #tpu.memory_space<hbm>>
      %dma_wait3A_170 = tpu.memref_squeeze %dma_wait3A_169 : memref<1x80x128xi32, #tpu.memory_space<hbm>> -> memref<80x128xi32, #tpu.memory_space<hbm>>
      %dma_wait3A_171 = arith.constant 0 : i32
      %dma_wait3A_172 = arith.constant 0 : i32
      %dma_wait3A_173 = tpu.memref_slice %arg3[%add3A, %dma_wait3A_171, %dma_wait3A_172] : memref<32x80x128xi32, #tpu.memory_space<hbm>> -> memref<1x80x128xi32, #tpu.memory_space<hbm>>
      %dma_wait3A_174 = tpu.memref_squeeze %dma_wait3A_173 : memref<1x80x128xi32, #tpu.memory_space<hbm>> -> memref<80x128xi32, #tpu.memory_space<hbm>>
      tpu.wait_dma2 semaphore(%run_scoped3A : memref<!tpu.dma_semaphore, #tpu.memory_space<semaphore_mem>>) src(%dma_wait3A_174 : memref<80x128xi32, #tpu.memory_space<hbm>>) dst(%arg8 : memref<80x128xi32, #tpu.memory_space<vmem>>)
      tpu.yield
    }) : () -> ()
    "tpu.region"() ({
      %run_scoped3A = tpu.sem_alloc : memref<!tpu.dma_semaphore, #tpu.memory_space<semaphore_mem>>
      %dma_start3A_159 = arith.constant 0 : i32
      %dma_start3A_160 = arith.constant 0 : i32
      %dma_start3A_161 = tpu.memref_slice %arg4[%add3A, %dma_start3A_159, %dma_start3A_160] : memref<32x80x128xi32, #tpu.memory_space<hbm>> -> memref<1x80x128xi32, #tpu.memory_space<hbm>>
      %dma_start3A_162 = tpu.memref_squeeze %dma_start3A_161 : memref<1x80x128xi32, #tpu.memory_space<hbm>> -> memref<80x128xi32, #tpu.memory_space<hbm>>
      %dma_start3A_163 = arith.constant 0 : i32
      %dma_start3A_164 = arith.constant 0 : i32
      %dma_start3A_165 = tpu.memref_slice %arg4[%add3A, %dma_start3A_163, %dma_start3A_164] : memref<32x80x128xi32, #tpu.memory_space<hbm>> -> memref<1x80x128xi32, #tpu.memory_space<hbm>>
      %dma_start3A_166 = tpu.memref_squeeze %dma_start3A_165 : memref<1x80x128xi32, #tpu.memory_space<hbm>> -> memref<80x128xi32, #tpu.memory_space<hbm>>
      tpu.enqueue_dma source(%dma_start3A_166 : memref<80x128xi32, #tpu.memory_space<hbm>>) target(%arg9 : memref<80x128xi32, #tpu.memory_space<vmem>>) target_semaphore(%run_scoped3A : memref<!tpu.dma_semaphore, #tpu.memory_space<semaphore_mem>>)
      %dma_wait3A_167 = arith.constant 0 : i32
      %dma_wait3A_168 = arith.constant 0 : i32
      %dma_wait3A_169 = tpu.memref_slice %arg4[%add3A, %dma_wait3A_167, %dma_wait3A_168] : memref<32x80x128xi32, #tpu.memory_space<hbm>> -> memref<1x80x128xi32, #tpu.memory_space<hbm>>
      %dma_wait3A_170 = tpu.memref_squeeze %dma_wait3A_169 : memref<1x80x128xi32, #tpu.memory_space<hbm>> -> memref<80x128xi32, #tpu.memory_space<hbm>>
      %dma_wait3A_171 = arith.constant 0 : i32
      %dma_wait3A_172 = arith.constant 0 : i32
      %dma_wait3A_173 = tpu.memref_slice %arg4[%add3A, %dma_wait3A_171, %dma_wait3A_172] : memref<32x80x128xi32, #tpu.memory_space<hbm>> -> memref<1x80x128xi32, #tpu.memory_space<hbm>>
      %dma_wait3A_174 = tpu.memref_squeeze %dma_wait3A_173 : memref<1x80x128xi32, #tpu.memory_space<hbm>> -> memref<80x128xi32, #tpu.memory_space<hbm>>
      tpu.wait_dma2 semaphore(%run_scoped3A : memref<!tpu.dma_semaphore, #tpu.memory_space<semaphore_mem>>) src(%dma_wait3A_174 : memref<80x128xi32, #tpu.memory_space<hbm>>) dst(%arg9 : memref<80x128xi32, #tpu.memory_space<vmem>>)
      tpu.yield
    }) : () -> ()
    %barrier3A = arith.constant 0 : index
    tpu.barrier barrier_id(%barrier3A)
    %dma_start3A = arith.constant 0 : i32
    %dma_start3A_13 = arith.constant 0 : i32
    %dma_start3A_14 = arith.constant 0 : i32
    %dma_start3A_15 = arith.constant 0 : i32
    %dma_start3A_16 = tpu.memref_slice %arg10[%dma_start3A_14, %dma_start3A_15] : memref<640x64xf32, #tpu.memory_space<vmem>> -> memref<128x64xf32, #tpu.memory_space<vmem>>
    %dma_start3A_17 = arith.constant 0 : i32
    %dma_start3A_18 = tpu.memref_slice %arg8[%dma_start3A, %dma_start3A_17] : memref<80x128xi32, #tpu.memory_space<vmem>> -> memref<1x128xi32, #tpu.memory_space<vmem>>
    %dma_start3A_19 = tpu.memref_squeeze %dma_start3A_18 : memref<1x128xi32, #tpu.memory_space<vmem>> -> memref<128xi32, #tpu.memory_space<vmem>>
    %dma_start3A_20 = arith.constant 0 : i32
    %dma_start3A_21 = arith.constant 0 : i32
    %dma_start3A_22 = tpu.memref_slice %arg2[%dma_start3A_20, %dma_start3A_21] : memref<10000x64xf32, #tpu.memory_space<hbm>> -> memref<10000x64xf32, #tpu.memory_space<hbm>>
    %dma_start3A_23 = tpu.memref_slice %arg11[%dma_start3A_13] : memref<5x!tpu.dma_semaphore, #tpu.memory_space<semaphore_mem>> -> memref<1x!tpu.dma_semaphore, #tpu.memory_space<semaphore_mem>>
    %dma_start3A_24 = tpu.memref_squeeze %dma_start3A_23 : memref<1x!tpu.dma_semaphore, #tpu.memory_space<semaphore_mem>> -> memref<!tpu.dma_semaphore, #tpu.memory_space<semaphore_mem>>
    tpu.enqueue_indirect_dma source(%dma_start3A_22 : memref<10000x64xf32, #tpu.memory_space<hbm>>) target(%dma_start3A_16 : memref<128x64xf32, #tpu.memory_space<vmem>>) offsets(%dma_start3A_19 : memref<128xi32, #tpu.memory_space<vmem>>) semaphore(%dma_start3A_24 : memref<!tpu.dma_semaphore, #tpu.memory_space<semaphore_mem>>)
    %dma_start3A_25 = arith.constant 1 : i32
    %dma_start3A_26 = arith.constant 1 : i32
    %dma_start3A_27 = arith.constant 128 : i32
    %dma_start3A_28 = arith.constant 0 : i32
    %dma_start3A_29 = tpu.memref_slice %arg10[%dma_start3A_27, %dma_start3A_28] : memref<640x64xf32, #tpu.memory_space<vmem>> -> memref<128x64xf32, #tpu.memory_space<vmem>>
    %dma_start3A_30 = arith.constant 0 : i32
    %dma_start3A_31 = tpu.memref_slice %arg8[%dma_start3A_25, %dma_start3A_30] : memref<80x128xi32, #tpu.memory_space<vmem>> -> memref<1x128xi32, #tpu.memory_space<vmem>>
    %dma_start3A_32 = tpu.memref_squeeze %dma_start3A_31 : memref<1x128xi32, #tpu.memory_space<vmem>> -> memref<128xi32, #tpu.memory_space<vmem>>
    %dma_start3A_33 = arith.constant 0 : i32
    %dma_start3A_34 = arith.constant 0 : i32
    %dma_start3A_35 = tpu.memref_slice %arg2[%dma_start3A_33, %dma_start3A_34] : memref<10000x64xf32, #tpu.memory_space<hbm>> -> memref<10000x64xf32, #tpu.memory_space<hbm>>
    %dma_start3A_36 = tpu.memref_slice %arg11[%dma_start3A_26] : memref<5x!tpu.dma_semaphore, #tpu.memory_space<semaphore_mem>> -> memref<1x!tpu.dma_semaphore, #tpu.memory_space<semaphore_mem>>
    %dma_start3A_37 = tpu.memref_squeeze %dma_start3A_36 : memref<1x!tpu.dma_semaphore, #tpu.memory_space<semaphore_mem>> -> memref<!tpu.dma_semaphore, #tpu.memory_space<semaphore_mem>>
    tpu.enqueue_indirect_dma source(%dma_start3A_35 : memref<10000x64xf32, #tpu.memory_space<hbm>>) target(%dma_start3A_29 : memref<128x64xf32, #tpu.memory_space<vmem>>) offsets(%dma_start3A_32 : memref<128xi32, #tpu.memory_space<vmem>>) semaphore(%dma_start3A_37 : memref<!tpu.dma_semaphore, #tpu.memory_space<semaphore_mem>>)
    %dma_start3A_38 = arith.constant 2 : i32
    %dma_start3A_39 = arith.constant 2 : i32
    %dma_start3A_40 = arith.constant 256 : i32
    %dma_start3A_41 = arith.constant 0 : i32
    %dma_start3A_42 = tpu.memref_slice %arg10[%dma_start3A_40, %dma_start3A_41] : memref<640x64xf32, #tpu.memory_space<vmem>> -> memref<128x64xf32, #tpu.memory_space<vmem>>
    %dma_start3A_43 = arith.constant 0 : i32
    %dma_start3A_44 = tpu.memref_slice %arg8[%dma_start3A_38, %dma_start3A_43] : memref<80x128xi32, #tpu.memory_space<vmem>> -> memref<1x128xi32, #tpu.memory_space<vmem>>
    %dma_start3A_45 = tpu.memref_squeeze %dma_start3A_44 : memref<1x128xi32, #tpu.memory_space<vmem>> -> memref<128xi32, #tpu.memory_space<vmem>>
    %dma_start3A_46 = arith.constant 0 : i32
    %dma_start3A_47 = arith.constant 0 : i32
    %dma_start3A_48 = tpu.memref_slice %arg2[%dma_start3A_46, %dma_start3A_47] : memref<10000x64xf32, #tpu.memory_space<hbm>> -> memref<10000x64xf32, #tpu.memory_space<hbm>>
    %dma_start3A_49 = tpu.memref_slice %arg11[%dma_start3A_39] : memref<5x!tpu.dma_semaphore, #tpu.memory_space<semaphore_mem>> -> memref<1x!tpu.dma_semaphore, #tpu.memory_space<semaphore_mem>>
    %dma_start3A_50 = tpu.memref_squeeze %dma_start3A_49 : memref<1x!tpu.dma_semaphore, #tpu.memory_space<semaphore_mem>> -> memref<!tpu.dma_semaphore, #tpu.memory_space<semaphore_mem>>
    tpu.enqueue_indirect_dma source(%dma_start3A_48 : memref<10000x64xf32, #tpu.memory_space<hbm>>) target(%dma_start3A_42 : memref<128x64xf32, #tpu.memory_space<vmem>>) offsets(%dma_start3A_45 : memref<128xi32, #tpu.memory_space<vmem>>) semaphore(%dma_start3A_50 : memref<!tpu.dma_semaphore, #tpu.memory_space<semaphore_mem>>)
    %dma_start3A_51 = arith.constant 3 : i32
    %dma_start3A_52 = arith.constant 3 : i32
    %dma_start3A_53 = arith.constant 384 : i32
    %dma_start3A_54 = arith.constant 0 : i32
    %dma_start3A_55 = tpu.memref_slice %arg10[%dma_start3A_53, %dma_start3A_54] : memref<640x64xf32, #tpu.memory_space<vmem>> -> memref<128x64xf32, #tpu.memory_space<vmem>>
    %dma_start3A_56 = arith.constant 0 : i32
    %dma_start3A_57 = tpu.memref_slice %arg8[%dma_start3A_51, %dma_start3A_56] : memref<80x128xi32, #tpu.memory_space<vmem>> -> memref<1x128xi32, #tpu.memory_space<vmem>>
    %dma_start3A_58 = tpu.memref_squeeze %dma_start3A_57 : memref<1x128xi32, #tpu.memory_space<vmem>> -> memref<128xi32, #tpu.memory_space<vmem>>
    %dma_start3A_59 = arith.constant 0 : i32
    %dma_start3A_60 = arith.constant 0 : i32
    %dma_start3A_61 = tpu.memref_slice %arg2[%dma_start3A_59, %dma_start3A_60] : memref<10000x64xf32, #tpu.memory_space<hbm>> -> memref<10000x64xf32, #tpu.memory_space<hbm>>
    %dma_start3A_62 = tpu.memref_slice %arg11[%dma_start3A_52] : memref<5x!tpu.dma_semaphore, #tpu.memory_space<semaphore_mem>> -> memref<1x!tpu.dma_semaphore, #tpu.memory_space<semaphore_mem>>
    %dma_start3A_63 = tpu.memref_squeeze %dma_start3A_62 : memref<1x!tpu.dma_semaphore, #tpu.memory_space<semaphore_mem>> -> memref<!tpu.dma_semaphore, #tpu.memory_space<semaphore_mem>>
    tpu.enqueue_indirect_dma source(%dma_start3A_61 : memref<10000x64xf32, #tpu.memory_space<hbm>>) target(%dma_start3A_55 : memref<128x64xf32, #tpu.memory_space<vmem>>) offsets(%dma_start3A_58 : memref<128xi32, #tpu.memory_space<vmem>>) semaphore(%dma_start3A_63 : memref<!tpu.dma_semaphore, #tpu.memory_space<semaphore_mem>>)
    %dma_start3A_64 = arith.constant 4 : i32
    %dma_start3A_65 = arith.constant 4 : i32
    %dma_start3A_66 = arith.constant 512 : i32
    %dma_start3A_67 = arith.constant 0 : i32
    %dma_start3A_68 = tpu.memref_slice %arg10[%dma_start3A_66, %dma_start3A_67] : memref<640x64xf32, #tpu.memory_space<vmem>> -> memref<128x64xf32, #tpu.memory_space<vmem>>
    %dma_start3A_69 = arith.constant 0 : i32
    %dma_start3A_70 = tpu.memref_slice %arg8[%dma_start3A_64, %dma_start3A_69] : memref<80x128xi32, #tpu.memory_space<vmem>> -> memref<1x128xi32, #tpu.memory_space<vmem>>
    %dma_start3A_71 = tpu.memref_squeeze %dma_start3A_70 : memref<1x128xi32, #tpu.memory_space<vmem>> -> memref<128xi32, #tpu.memory_space<vmem>>
    %dma_start3A_72 = arith.constant 0 : i32
    %dma_start3A_73 = arith.constant 0 : i32
    %dma_start3A_74 = tpu.memref_slice %arg2[%dma_start3A_72, %dma_start3A_73] : memref<10000x64xf32, #tpu.memory_space<hbm>> -> memref<10000x64xf32, #tpu.memory_space<hbm>>
    %dma_start3A_75 = tpu.memref_slice %arg11[%dma_start3A_65] : memref<5x!tpu.dma_semaphore, #tpu.memory_space<semaphore_mem>> -> memref<1x!tpu.dma_semaphore, #tpu.memory_space<semaphore_mem>>
    %dma_start3A_76 = tpu.memref_squeeze %dma_start3A_75 : memref<1x!tpu.dma_semaphore, #tpu.memory_space<semaphore_mem>> -> memref<!tpu.dma_semaphore, #tpu.memory_space<semaphore_mem>>
    tpu.enqueue_indirect_dma source(%dma_start3A_74 : memref<10000x64xf32, #tpu.memory_space<hbm>>) target(%dma_start3A_68 : memref<128x64xf32, #tpu.memory_space<vmem>>) offsets(%dma_start3A_71 : memref<128xi32, #tpu.memory_space<vmem>>) semaphore(%dma_start3A_76 : memref<!tpu.dma_semaphore, #tpu.memory_space<semaphore_mem>>)
    %scan3A_77 = arith.constant 0 : i32
    %scan3A_78 = arith.constant 16 : i32
    %scan3A_79 = arith.addi %scan3A_77, %scan3A_78 : i32
    %scan3A_80 = arith.constant 1 : i32
    scf.for %scan3A_159 = %scan3A_77 to %scan3A_79 step %scan3A_80  : i32 {
      %mul3A_160 = arith.constant 1 : i32
      %mul3A_161 = arith.muli %scan3A_159, %mul3A_160 : i32
      %add3A_162 = arith.constant 0 : i32
      %add3A_163 = arith.addi %add3A_162, %mul3A_161 : i32
      %mul3A_164 = arith.constant 5 : i32
      %mul3A_165 = arith.muli %add3A_163, %mul3A_164 : i32
      %add3A_166 = arith.constant 1 : i32
      %add3A_167 = arith.addi %add3A_163, %add3A_166 : i32
      %min3A = arith.constant 15 : i32
      %min3A_168 = arith.minsi %add3A_167, %min3A : i32
      %mul3A_169 = arith.constant 5 : i32
      %mul3A_170 = arith.muli %min3A_168, %mul3A_169 : i32
      %dma_wait3A_171 = arith.constant 0 : i32
      %dma_wait3A_172 = arith.constant 0 : i32
      %dma_wait3A_173 = arith.constant 0 : i32
      %dma_wait3A_174 = tpu.memref_slice %arg10[%dma_wait3A_172, %dma_wait3A_173] : memref<640x64xf32, #tpu.memory_space<vmem>> -> memref<128x64xf32, #tpu.memory_space<vmem>>
      %dma_wait3A_175 = arith.constant 0 : i32
      %dma_wait3A_176 = arith.constant 0 : i32
      %dma_wait3A_177 = tpu.memref_slice %arg2[%dma_wait3A_175, %dma_wait3A_176] : memref<10000x64xf32, #tpu.memory_space<hbm>> -> memref<128x64xf32, #tpu.memory_space<hbm>>
      %dma_wait3A_178 = tpu.memref_slice %arg11[%dma_wait3A_171] : memref<5x!tpu.dma_semaphore, #tpu.memory_space<semaphore_mem>> -> memref<1x!tpu.dma_semaphore, #tpu.memory_space<semaphore_mem>>
      %dma_wait3A_179 = tpu.memref_squeeze %dma_wait3A_178 : memref<1x!tpu.dma_semaphore, #tpu.memory_space<semaphore_mem>> -> memref<!tpu.dma_semaphore, #tpu.memory_space<semaphore_mem>>
      %dma_wait3A_180 = arith.constant 0 : i32
      %dma_wait3A_181 = arith.constant 0 : i32
      %dma_wait3A_182 = tpu.memref_slice %arg10[%dma_wait3A_180, %dma_wait3A_181] : memref<640x64xf32, #tpu.memory_space<vmem>> -> memref<128x64xf32, #tpu.memory_space<vmem>>
      %dma_wait3A_183 = arith.constant 0 : i32
      %dma_wait3A_184 = arith.constant 0 : i32
      %dma_wait3A_185 = tpu.memref_slice %arg2[%dma_wait3A_183, %dma_wait3A_184] : memref<10000x64xf32, #tpu.memory_space<hbm>> -> memref<128x64xf32, #tpu.memory_space<hbm>>
      tpu.wait_dma2 semaphore(%dma_wait3A_179 : memref<!tpu.dma_semaphore, #tpu.memory_space<semaphore_mem>>) src(%dma_wait3A_185 : memref<128x64xf32, #tpu.memory_space<hbm>>) dst(%dma_wait3A_182 : memref<128x64xf32, #tpu.memory_space<vmem>>)
      %add3A_186 = arith.constant 0 : i32
      %add3A_187 = arith.addi %mul3A_165, %add3A_186 : i32
      %dma_start3A_188 = arith.constant 0 : i32
      %dma_start3A_189 = arith.constant 0 : i32
      %dma_start3A_190 = arith.constant 0 : i32
      %dma_start3A_191 = tpu.memref_slice %arg10[%dma_start3A_189, %dma_start3A_190] : memref<640x64xf32, #tpu.memory_space<vmem>> -> memref<128x64xf32, #tpu.memory_space<vmem>>
      %dma_start3A_192 = arith.constant 0 : i32
      %dma_start3A_193 = tpu.memref_slice %arg9[%add3A_187, %dma_start3A_192] : memref<80x128xi32, #tpu.memory_space<vmem>> -> memref<1x128xi32, #tpu.memory_space<vmem>>
      %dma_start3A_194 = tpu.memref_squeeze %dma_start3A_193 : memref<1x128xi32, #tpu.memory_space<vmem>> -> memref<128xi32, #tpu.memory_space<vmem>>
      %dma_start3A_195 = arith.constant 0 : i32
      %dma_start3A_196 = arith.constant 0 : i32
      %dma_start3A_197 = tpu.memref_slice %arg6[%dma_start3A_195, %dma_start3A_196] : memref<10240x64xf32, #tpu.memory_space<vmem_shared>> -> memref<10240x64xf32, #tpu.memory_space<vmem_shared>>
      %dma_start3A_198 = tpu.memref_slice %arg12[%dma_start3A_188] : memref<5x!tpu.dma_semaphore, #tpu.memory_space<semaphore_mem>> -> memref<1x!tpu.dma_semaphore, #tpu.memory_space<semaphore_mem>>
      %dma_start3A_199 = tpu.memref_squeeze %dma_start3A_198 : memref<1x!tpu.dma_semaphore, #tpu.memory_space<semaphore_mem>> -> memref<!tpu.dma_semaphore, #tpu.memory_space<semaphore_mem>>
      tpu.enqueue_indirect_dma source(%dma_start3A_191 : memref<128x64xf32, #tpu.memory_space<vmem>>) target(%dma_start3A_197 : memref<10240x64xf32, #tpu.memory_space<vmem_shared>>) offsets(%dma_start3A_194 : memref<128xi32, #tpu.memory_space<vmem>>) semaphore(%dma_start3A_199 : memref<!tpu.dma_semaphore, #tpu.memory_space<semaphore_mem>>) {add = true}
      %dma_wait3A_200 = arith.constant 1 : i32
      %dma_wait3A_201 = arith.constant 128 : i32
      %dma_wait3A_202 = arith.constant 0 : i32
      %dma_wait3A_203 = tpu.memref_slice %arg10[%dma_wait3A_201, %dma_wait3A_202] : memref<640x64xf32, #tpu.memory_space<vmem>> -> memref<128x64xf32, #tpu.memory_space<vmem>>
      %dma_wait3A_204 = arith.constant 0 : i32
      %dma_wait3A_205 = arith.constant 0 : i32
      %dma_wait3A_206 = tpu.memref_slice %arg2[%dma_wait3A_204, %dma_wait3A_205] : memref<10000x64xf32, #tpu.memory_space<hbm>> -> memref<128x64xf32, #tpu.memory_space<hbm>>
      %dma_wait3A_207 = tpu.memref_slice %arg11[%dma_wait3A_200] : memref<5x!tpu.dma_semaphore, #tpu.memory_space<semaphore_mem>> -> memref<1x!tpu.dma_semaphore, #tpu.memory_space<semaphore_mem>>
      %dma_wait3A_208 = tpu.memref_squeeze %dma_wait3A_207 : memref<1x!tpu.dma_semaphore, #tpu.memory_space<semaphore_mem>> -> memref<!tpu.dma_semaphore, #tpu.memory_space<semaphore_mem>>
      %dma_wait3A_209 = arith.constant 128 : i32
      %dma_wait3A_210 = arith.constant 0 : i32
      %dma_wait3A_211 = tpu.memref_slice %arg10[%dma_wait3A_209, %dma_wait3A_210] : memref<640x64xf32, #tpu.memory_space<vmem>> -> memref<128x64xf32, #tpu.memory_space<vmem>>
      %dma_wait3A_212 = arith.constant 0 : i32
      %dma_wait3A_213 = arith.constant 0 : i32
      %dma_wait3A_214 = tpu.memref_slice %arg2[%dma_wait3A_212, %dma_wait3A_213] : memref<10000x64xf32, #tpu.memory_space<hbm>> -> memref<128x64xf32, #tpu.memory_space<hbm>>
      tpu.wait_dma2 semaphore(%dma_wait3A_208 : memref<!tpu.dma_semaphore, #tpu.memory_space<semaphore_mem>>) src(%dma_wait3A_214 : memref<128x64xf32, #tpu.memory_space<hbm>>) dst(%dma_wait3A_211 : memref<128x64xf32, #tpu.memory_space<vmem>>)
      %add3A_215 = arith.constant 1 : i32
      %add3A_216 = arith.addi %mul3A_165, %add3A_215 : i32
      %dma_start3A_217 = arith.constant 1 : i32
      %dma_start3A_218 = arith.constant 128 : i32
      %dma_start3A_219 = arith.constant 0 : i32
      %dma_start3A_220 = tpu.memref_slice %arg10[%dma_start3A_218, %dma_start3A_219] : memref<640x64xf32, #tpu.memory_space<vmem>> -> memref<128x64xf32, #tpu.memory_space<vmem>>
      %dma_start3A_221 = arith.constant 0 : i32
      %dma_start3A_222 = tpu.memref_slice %arg9[%add3A_216, %dma_start3A_221] : memref<80x128xi32, #tpu.memory_space<vmem>> -> memref<1x128xi32, #tpu.memory_space<vmem>>
      %dma_start3A_223 = tpu.memref_squeeze %dma_start3A_222 : memref<1x128xi32, #tpu.memory_space<vmem>> -> memref<128xi32, #tpu.memory_space<vmem>>
      %dma_start3A_224 = arith.constant 0 : i32
      %dma_start3A_225 = arith.constant 0 : i32
      %dma_start3A_226 = tpu.memref_slice %arg6[%dma_start3A_224, %dma_start3A_225] : memref<10240x64xf32, #tpu.memory_space<vmem_shared>> -> memref<10240x64xf32, #tpu.memory_space<vmem_shared>>
      %dma_start3A_227 = tpu.memref_slice %arg12[%dma_start3A_217] : memref<5x!tpu.dma_semaphore, #tpu.memory_space<semaphore_mem>> -> memref<1x!tpu.dma_semaphore, #tpu.memory_space<semaphore_mem>>
      %dma_start3A_228 = tpu.memref_squeeze %dma_start3A_227 : memref<1x!tpu.dma_semaphore, #tpu.memory_space<semaphore_mem>> -> memref<!tpu.dma_semaphore, #tpu.memory_space<semaphore_mem>>
      tpu.enqueue_indirect_dma source(%dma_start3A_220 : memref<128x64xf32, #tpu.memory_space<vmem>>) target(%dma_start3A_226 : memref<10240x64xf32, #tpu.memory_space<vmem_shared>>) offsets(%dma_start3A_223 : memref<128xi32, #tpu.memory_space<vmem>>) semaphore(%dma_start3A_228 : memref<!tpu.dma_semaphore, #tpu.memory_space<semaphore_mem>>) {add = true}
      %dma_wait3A_229 = arith.constant 2 : i32
      %dma_wait3A_230 = arith.constant 256 : i32
      %dma_wait3A_231 = arith.constant 0 : i32
      %dma_wait3A_232 = tpu.memref_slice %arg10[%dma_wait3A_230, %dma_wait3A_231] : memref<640x64xf32, #tpu.memory_space<vmem>> -> memref<128x64xf32, #tpu.memory_space<vmem>>
      %dma_wait3A_233 = arith.constant 0 : i32
      %dma_wait3A_234 = arith.constant 0 : i32
      %dma_wait3A_235 = tpu.memref_slice %arg2[%dma_wait3A_233, %dma_wait3A_234] : memref<10000x64xf32, #tpu.memory_space<hbm>> -> memref<128x64xf32, #tpu.memory_space<hbm>>
      %dma_wait3A_236 = tpu.memref_slice %arg11[%dma_wait3A_229] : memref<5x!tpu.dma_semaphore, #tpu.memory_space<semaphore_mem>> -> memref<1x!tpu.dma_semaphore, #tpu.memory_space<semaphore_mem>>
      %dma_wait3A_237 = tpu.memref_squeeze %dma_wait3A_236 : memref<1x!tpu.dma_semaphore, #tpu.memory_space<semaphore_mem>> -> memref<!tpu.dma_semaphore, #tpu.memory_space<semaphore_mem>>
      %dma_wait3A_238 = arith.constant 256 : i32
      %dma_wait3A_239 = arith.constant 0 : i32
      %dma_wait3A_240 = tpu.memref_slice %arg10[%dma_wait3A_238, %dma_wait3A_239] : memref<640x64xf32, #tpu.memory_space<vmem>> -> memref<128x64xf32, #tpu.memory_space<vmem>>
      %dma_wait3A_241 = arith.constant 0 : i32
      %dma_wait3A_242 = arith.constant 0 : i32
      %dma_wait3A_243 = tpu.memref_slice %arg2[%dma_wait3A_241, %dma_wait3A_242] : memref<10000x64xf32, #tpu.memory_space<hbm>> -> memref<128x64xf32, #tpu.memory_space<hbm>>
      tpu.wait_dma2 semaphore(%dma_wait3A_237 : memref<!tpu.dma_semaphore, #tpu.memory_space<semaphore_mem>>) src(%dma_wait3A_243 : memref<128x64xf32, #tpu.memory_space<hbm>>) dst(%dma_wait3A_240 : memref<128x64xf32, #tpu.memory_space<vmem>>)
      %add3A_244 = arith.constant 2 : i32
      %add3A_245 = arith.addi %mul3A_165, %add3A_244 : i32
      %dma_start3A_246 = arith.constant 2 : i32
      %dma_start3A_247 = arith.constant 256 : i32
      %dma_start3A_248 = arith.constant 0 : i32
      %dma_start3A_249 = tpu.memref_slice %arg10[%dma_start3A_247, %dma_start3A_248] : memref<640x64xf32, #tpu.memory_space<vmem>> -> memref<128x64xf32, #tpu.memory_space<vmem>>
      %dma_start3A_250 = arith.constant 0 : i32
      %dma_start3A_251 = tpu.memref_slice %arg9[%add3A_245, %dma_start3A_250] : memref<80x128xi32, #tpu.memory_space<vmem>> -> memref<1x128xi32, #tpu.memory_space<vmem>>
      %dma_start3A_252 = tpu.memref_squeeze %dma_start3A_251 : memref<1x128xi32, #tpu.memory_space<vmem>> -> memref<128xi32, #tpu.memory_space<vmem>>
      %dma_start3A_253 = arith.constant 0 : i32
      %dma_start3A_254 = arith.constant 0 : i32
      %dma_start3A_255 = tpu.memref_slice %arg6[%dma_start3A_253, %dma_start3A_254] : memref<10240x64xf32, #tpu.memory_space<vmem_shared>> -> memref<10240x64xf32, #tpu.memory_space<vmem_shared>>
      %dma_start3A_256 = tpu.memref_slice %arg12[%dma_start3A_246] : memref<5x!tpu.dma_semaphore, #tpu.memory_space<semaphore_mem>> -> memref<1x!tpu.dma_semaphore, #tpu.memory_space<semaphore_mem>>
      %dma_start3A_257 = tpu.memref_squeeze %dma_start3A_256 : memref<1x!tpu.dma_semaphore, #tpu.memory_space<semaphore_mem>> -> memref<!tpu.dma_semaphore, #tpu.memory_space<semaphore_mem>>
      tpu.enqueue_indirect_dma source(%dma_start3A_249 : memref<128x64xf32, #tpu.memory_space<vmem>>) target(%dma_start3A_255 : memref<10240x64xf32, #tpu.memory_space<vmem_shared>>) offsets(%dma_start3A_252 : memref<128xi32, #tpu.memory_space<vmem>>) semaphore(%dma_start3A_257 : memref<!tpu.dma_semaphore, #tpu.memory_space<semaphore_mem>>) {add = true}
      %dma_wait3A_258 = arith.constant 3 : i32
      %dma_wait3A_259 = arith.constant 384 : i32
      %dma_wait3A_260 = arith.constant 0 : i32
      %dma_wait3A_261 = tpu.memref_slice %arg10[%dma_wait3A_259, %dma_wait3A_260] : memref<640x64xf32, #tpu.memory_space<vmem>> -> memref<128x64xf32, #tpu.memory_space<vmem>>
      %dma_wait3A_262 = arith.constant 0 : i32
      %dma_wait3A_263 = arith.constant 0 : i32
      %dma_wait3A_264 = tpu.memref_slice %arg2[%dma_wait3A_262, %dma_wait3A_263] : memref<10000x64xf32, #tpu.memory_space<hbm>> -> memref<128x64xf32, #tpu.memory_space<hbm>>
      %dma_wait3A_265 = tpu.memref_slice %arg11[%dma_wait3A_258] : memref<5x!tpu.dma_semaphore, #tpu.memory_space<semaphore_mem>> -> memref<1x!tpu.dma_semaphore, #tpu.memory_space<semaphore_mem>>
      %dma_wait3A_266 = tpu.memref_squeeze %dma_wait3A_265 : memref<1x!tpu.dma_semaphore, #tpu.memory_space<semaphore_mem>> -> memref<!tpu.dma_semaphore, #tpu.memory_space<semaphore_mem>>
      %dma_wait3A_267 = arith.constant 384 : i32
      %dma_wait3A_268 = arith.constant 0 : i32
      %dma_wait3A_269 = tpu.memref_slice %arg10[%dma_wait3A_267, %dma_wait3A_268] : memref<640x64xf32, #tpu.memory_space<vmem>> -> memref<128x64xf32, #tpu.memory_space<vmem>>
      %dma_wait3A_270 = arith.constant 0 : i32
      %dma_wait3A_271 = arith.constant 0 : i32
      %dma_wait3A_272 = tpu.memref_slice %arg2[%dma_wait3A_270, %dma_wait3A_271] : memref<10000x64xf32, #tpu.memory_space<hbm>> -> memref<128x64xf32, #tpu.memory_space<hbm>>
      tpu.wait_dma2 semaphore(%dma_wait3A_266 : memref<!tpu.dma_semaphore, #tpu.memory_space<semaphore_mem>>) src(%dma_wait3A_272 : memref<128x64xf32, #tpu.memory_space<hbm>>) dst(%dma_wait3A_269 : memref<128x64xf32, #tpu.memory_space<vmem>>)
      %add3A_273 = arith.constant 3 : i32
      %add3A_274 = arith.addi %mul3A_165, %add3A_273 : i32
      %dma_start3A_275 = arith.constant 3 : i32
      %dma_start3A_276 = arith.constant 384 : i32
      %dma_start3A_277 = arith.constant 0 : i32
      %dma_start3A_278 = tpu.memref_slice %arg10[%dma_start3A_276, %dma_start3A_277] : memref<640x64xf32, #tpu.memory_space<vmem>> -> memref<128x64xf32, #tpu.memory_space<vmem>>
      %dma_start3A_279 = arith.constant 0 : i32
      %dma_start3A_280 = tpu.memref_slice %arg9[%add3A_274, %dma_start3A_279] : memref<80x128xi32, #tpu.memory_space<vmem>> -> memref<1x128xi32, #tpu.memory_space<vmem>>
      %dma_start3A_281 = tpu.memref_squeeze %dma_start3A_280 : memref<1x128xi32, #tpu.memory_space<vmem>> -> memref<128xi32, #tpu.memory_space<vmem>>
      %dma_start3A_282 = arith.constant 0 : i32
      %dma_start3A_283 = arith.constant 0 : i32
      %dma_start3A_284 = tpu.memref_slice %arg6[%dma_start3A_282, %dma_start3A_283] : memref<10240x64xf32, #tpu.memory_space<vmem_shared>> -> memref<10240x64xf32, #tpu.memory_space<vmem_shared>>
      %dma_start3A_285 = tpu.memref_slice %arg12[%dma_start3A_275] : memref<5x!tpu.dma_semaphore, #tpu.memory_space<semaphore_mem>> -> memref<1x!tpu.dma_semaphore, #tpu.memory_space<semaphore_mem>>
      %dma_start3A_286 = tpu.memref_squeeze %dma_start3A_285 : memref<1x!tpu.dma_semaphore, #tpu.memory_space<semaphore_mem>> -> memref<!tpu.dma_semaphore, #tpu.memory_space<semaphore_mem>>
      tpu.enqueue_indirect_dma source(%dma_start3A_278 : memref<128x64xf32, #tpu.memory_space<vmem>>) target(%dma_start3A_284 : memref<10240x64xf32, #tpu.memory_space<vmem_shared>>) offsets(%dma_start3A_281 : memref<128xi32, #tpu.memory_space<vmem>>) semaphore(%dma_start3A_286 : memref<!tpu.dma_semaphore, #tpu.memory_space<semaphore_mem>>) {add = true}
      %dma_wait3A_287 = arith.constant 4 : i32
      %dma_wait3A_288 = arith.constant 512 : i32
      %dma_wait3A_289 = arith.constant 0 : i32
      %dma_wait3A_290 = tpu.memref_slice %arg10[%dma_wait3A_288, %dma_wait3A_289] : memref<640x64xf32, #tpu.memory_space<vmem>> -> memref<128x64xf32, #tpu.memory_space<vmem>>
      %dma_wait3A_291 = arith.constant 0 : i32
      %dma_wait3A_292 = arith.constant 0 : i32
      %dma_wait3A_293 = tpu.memref_slice %arg2[%dma_wait3A_291, %dma_wait3A_292] : memref<10000x64xf32, #tpu.memory_space<hbm>> -> memref<128x64xf32, #tpu.memory_space<hbm>>
      %dma_wait3A_294 = tpu.memref_slice %arg11[%dma_wait3A_287] : memref<5x!tpu.dma_semaphore, #tpu.memory_space<semaphore_mem>> -> memref<1x!tpu.dma_semaphore, #tpu.memory_space<semaphore_mem>>
      %dma_wait3A_295 = tpu.memref_squeeze %dma_wait3A_294 : memref<1x!tpu.dma_semaphore, #tpu.memory_space<semaphore_mem>> -> memref<!tpu.dma_semaphore, #tpu.memory_space<semaphore_mem>>
      %dma_wait3A_296 = arith.constant 512 : i32
      %dma_wait3A_297 = arith.constant 0 : i32
      %dma_wait3A_298 = tpu.memref_slice %arg10[%dma_wait3A_296, %dma_wait3A_297] : memref<640x64xf32, #tpu.memory_space<vmem>> -> memref<128x64xf32, #tpu.memory_space<vmem>>
      %dma_wait3A_299 = arith.constant 0 : i32
      %dma_wait3A_300 = arith.constant 0 : i32
      %dma_wait3A_301 = tpu.memref_slice %arg2[%dma_wait3A_299, %dma_wait3A_300] : memref<10000x64xf32, #tpu.memory_space<hbm>> -> memref<128x64xf32, #tpu.memory_space<hbm>>
      tpu.wait_dma2 semaphore(%dma_wait3A_295 : memref<!tpu.dma_semaphore, #tpu.memory_space<semaphore_mem>>) src(%dma_wait3A_301 : memref<128x64xf32, #tpu.memory_space<hbm>>) dst(%dma_wait3A_298 : memref<128x64xf32, #tpu.memory_space<vmem>>)
      %add3A_302 = arith.constant 4 : i32
      %add3A_303 = arith.addi %mul3A_165, %add3A_302 : i32
      %dma_start3A_304 = arith.constant 4 : i32
      %dma_start3A_305 = arith.constant 512 : i32
      %dma_start3A_306 = arith.constant 0 : i32
      %dma_start3A_307 = tpu.memref_slice %arg10[%dma_start3A_305, %dma_start3A_306] : memref<640x64xf32, #tpu.memory_space<vmem>> -> memref<128x64xf32, #tpu.memory_space<vmem>>
      %dma_start3A_308 = arith.constant 0 : i32
      %dma_start3A_309 = tpu.memref_slice %arg9[%add3A_303, %dma_start3A_308] : memref<80x128xi32, #tpu.memory_space<vmem>> -> memref<1x128xi32, #tpu.memory_space<vmem>>
      %dma_start3A_310 = tpu.memref_squeeze %dma_start3A_309 : memref<1x128xi32, #tpu.memory_space<vmem>> -> memref<128xi32, #tpu.memory_space<vmem>>
      %dma_start3A_311 = arith.constant 0 : i32
      %dma_start3A_312 = arith.constant 0 : i32
      %dma_start3A_313 = tpu.memref_slice %arg6[%dma_start3A_311, %dma_start3A_312] : memref<10240x64xf32, #tpu.memory_space<vmem_shared>> -> memref<10240x64xf32, #tpu.memory_space<vmem_shared>>
      %dma_start3A_314 = tpu.memref_slice %arg12[%dma_start3A_304] : memref<5x!tpu.dma_semaphore, #tpu.memory_space<semaphore_mem>> -> memref<1x!tpu.dma_semaphore, #tpu.memory_space<semaphore_mem>>
      %dma_start3A_315 = tpu.memref_squeeze %dma_start3A_314 : memref<1x!tpu.dma_semaphore, #tpu.memory_space<semaphore_mem>> -> memref<!tpu.dma_semaphore, #tpu.memory_space<semaphore_mem>>
      tpu.enqueue_indirect_dma source(%dma_start3A_307 : memref<128x64xf32, #tpu.memory_space<vmem>>) target(%dma_start3A_313 : memref<10240x64xf32, #tpu.memory_space<vmem_shared>>) offsets(%dma_start3A_310 : memref<128xi32, #tpu.memory_space<vmem>>) semaphore(%dma_start3A_315 : memref<!tpu.dma_semaphore, #tpu.memory_space<semaphore_mem>>) {add = true}
      %dma_wait3A_316 = arith.constant 0 : i32
      %dma_wait3A_317 = arith.constant 0 : i32
      %dma_wait3A_318 = arith.constant 0 : i32
      %dma_wait3A_319 = tpu.memref_slice %arg10[%dma_wait3A_317, %dma_wait3A_318] : memref<640x64xf32, #tpu.memory_space<vmem>> -> memref<128x64xf32, #tpu.memory_space<vmem>>
      %dma_wait3A_320 = arith.constant 0 : i32
      %dma_wait3A_321 = arith.constant 0 : i32
      %dma_wait3A_322 = tpu.memref_slice %arg2[%dma_wait3A_320, %dma_wait3A_321] : memref<10000x64xf32, #tpu.memory_space<hbm>> -> memref<128x64xf32, #tpu.memory_space<hbm>>
      %dma_wait3A_323 = tpu.memref_slice %arg12[%dma_wait3A_316] : memref<5x!tpu.dma_semaphore, #tpu.memory_space<semaphore_mem>> -> memref<1x!tpu.dma_semaphore, #tpu.memory_space<semaphore_mem>>
      %dma_wait3A_324 = tpu.memref_squeeze %dma_wait3A_323 : memref<1x!tpu.dma_semaphore, #tpu.memory_space<semaphore_mem>> -> memref<!tpu.dma_semaphore, #tpu.memory_space<semaphore_mem>>
      %dma_wait3A_325 = arith.constant 0 : i32
      %dma_wait3A_326 = arith.constant 0 : i32
      %dma_wait3A_327 = tpu.memref_slice %arg10[%dma_wait3A_325, %dma_wait3A_326] : memref<640x64xf32, #tpu.memory_space<vmem>> -> memref<128x64xf32, #tpu.memory_space<vmem>>
      %dma_wait3A_328 = arith.constant 0 : i32
      %dma_wait3A_329 = arith.constant 0 : i32
      %dma_wait3A_330 = tpu.memref_slice %arg2[%dma_wait3A_328, %dma_wait3A_329] : memref<10000x64xf32, #tpu.memory_space<hbm>> -> memref<128x64xf32, #tpu.memory_space<hbm>>
      tpu.wait_dma2 semaphore(%dma_wait3A_324 : memref<!tpu.dma_semaphore, #tpu.memory_space<semaphore_mem>>) src(%dma_wait3A_330 : memref<128x64xf32, #tpu.memory_space<hbm>>) dst(%dma_wait3A_327 : memref<128x64xf32, #tpu.memory_space<vmem>>)
      %add3A_331 = arith.constant 0 : i32
      %add3A_332 = arith.addi %mul3A_170, %add3A_331 : i32
      %dma_start3A_333 = arith.constant 0 : i32
      %dma_start3A_334 = arith.constant 0 : i32
      %dma_start3A_335 = arith.constant 0 : i32
      %dma_start3A_336 = tpu.memref_slice %arg10[%dma_start3A_334, %dma_start3A_335] : memref<640x64xf32, #tpu.memory_space<vmem>> -> memref<128x64xf32, #tpu.memory_space<vmem>>
      %dma_start3A_337 = arith.constant 0 : i32
      %dma_start3A_338 = tpu.memref_slice %arg8[%add3A_332, %dma_start3A_337] : memref<80x128xi32, #tpu.memory_space<vmem>> -> memref<1x128xi32, #tpu.memory_space<vmem>>
      %dma_start3A_339 = tpu.memref_squeeze %dma_start3A_338 : memref<1x128xi32, #tpu.memory_space<vmem>> -> memref<128xi32, #tpu.memory_space<vmem>>
      %dma_start3A_340 = arith.constant 0 : i32
      %dma_start3A_341 = arith.constant 0 : i32
      %dma_start3A_342 = tpu.memref_slice %arg2[%dma_start3A_340, %dma_start3A_341] : memref<10000x64xf32, #tpu.memory_space<hbm>> -> memref<10000x64xf32, #tpu.memory_space<hbm>>
      %dma_start3A_343 = tpu.memref_slice %arg11[%dma_start3A_333] : memref<5x!tpu.dma_semaphore, #tpu.memory_space<semaphore_mem>> -> memref<1x!tpu.dma_semaphore, #tpu.memory_space<semaphore_mem>>
      %dma_start3A_344 = tpu.memref_squeeze %dma_start3A_343 : memref<1x!tpu.dma_semaphore, #tpu.memory_space<semaphore_mem>> -> memref<!tpu.dma_semaphore, #tpu.memory_space<semaphore_mem>>
      tpu.enqueue_indirect_dma source(%dma_start3A_342 : memref<10000x64xf32, #tpu.memory_space<hbm>>) target(%dma_start3A_336 : memref<128x64xf32, #tpu.memory_space<vmem>>) offsets(%dma_start3A_339 : memref<128xi32, #tpu.memory_space<vmem>>) semaphore(%dma_start3A_344 : memref<!tpu.dma_semaphore, #tpu.memory_space<semaphore_mem>>)
      %dma_wait3A_345 = arith.constant 1 : i32
      %dma_wait3A_346 = arith.constant 128 : i32
      %dma_wait3A_347 = arith.constant 0 : i32
      %dma_wait3A_348 = tpu.memref_slice %arg10[%dma_wait3A_346, %dma_wait3A_347] : memref<640x64xf32, #tpu.memory_space<vmem>> -> memref<128x64xf32, #tpu.memory_space<vmem>>
      %dma_wait3A_349 = arith.constant 0 : i32
      %dma_wait3A_350 = arith.constant 0 : i32
      %dma_wait3A_351 = tpu.memref_slice %arg2[%dma_wait3A_349, %dma_wait3A_350] : memref<10000x64xf32, #tpu.memory_space<hbm>> -> memref<128x64xf32, #tpu.memory_space<hbm>>
      %dma_wait3A_352 = tpu.memref_slice %arg12[%dma_wait3A_345] : memref<5x!tpu.dma_semaphore, #tpu.memory_space<semaphore_mem>> -> memref<1x!tpu.dma_semaphore, #tpu.memory_space<semaphore_mem>>
      %dma_wait3A_353 = tpu.memref_squeeze %dma_wait3A_352 : memref<1x!tpu.dma_semaphore, #tpu.memory_space<semaphore_mem>> -> memref<!tpu.dma_semaphore, #tpu.memory_space<semaphore_mem>>
      %dma_wait3A_354 = arith.constant 128 : i32
      %dma_wait3A_355 = arith.constant 0 : i32
      %dma_wait3A_356 = tpu.memref_slice %arg10[%dma_wait3A_354, %dma_wait3A_355] : memref<640x64xf32, #tpu.memory_space<vmem>> -> memref<128x64xf32, #tpu.memory_space<vmem>>
      %dma_wait3A_357 = arith.constant 0 : i32
      %dma_wait3A_358 = arith.constant 0 : i32
      %dma_wait3A_359 = tpu.memref_slice %arg2[%dma_wait3A_357, %dma_wait3A_358] : memref<10000x64xf32, #tpu.memory_space<hbm>> -> memref<128x64xf32, #tpu.memory_space<hbm>>
      tpu.wait_dma2 semaphore(%dma_wait3A_353 : memref<!tpu.dma_semaphore, #tpu.memory_space<semaphore_mem>>) src(%dma_wait3A_359 : memref<128x64xf32, #tpu.memory_space<hbm>>) dst(%dma_wait3A_356 : memref<128x64xf32, #tpu.memory_space<vmem>>)
      %add3A_360 = arith.constant 1 : i32
      %add3A_361 = arith.addi %mul3A_170, %add3A_360 : i32
      %dma_start3A_362 = arith.constant 1 : i32
      %dma_start3A_363 = arith.constant 128 : i32
      %dma_start3A_364 = arith.constant 0 : i32
      %dma_start3A_365 = tpu.memref_slice %arg10[%dma_start3A_363, %dma_start3A_364] : memref<640x64xf32, #tpu.memory_space<vmem>> -> memref<128x64xf32, #tpu.memory_space<vmem>>
      %dma_start3A_366 = arith.constant 0 : i32
      %dma_start3A_367 = tpu.memref_slice %arg8[%add3A_361, %dma_start3A_366] : memref<80x128xi32, #tpu.memory_space<vmem>> -> memref<1x128xi32, #tpu.memory_space<vmem>>
      %dma_start3A_368 = tpu.memref_squeeze %dma_start3A_367 : memref<1x128xi32, #tpu.memory_space<vmem>> -> memref<128xi32, #tpu.memory_space<vmem>>
      %dma_start3A_369 = arith.constant 0 : i32
      %dma_start3A_370 = arith.constant 0 : i32
      %dma_start3A_371 = tpu.memref_slice %arg2[%dma_start3A_369, %dma_start3A_370] : memref<10000x64xf32, #tpu.memory_space<hbm>> -> memref<10000x64xf32, #tpu.memory_space<hbm>>
      %dma_start3A_372 = tpu.memref_slice %arg11[%dma_start3A_362] : memref<5x!tpu.dma_semaphore, #tpu.memory_space<semaphore_mem>> -> memref<1x!tpu.dma_semaphore, #tpu.memory_space<semaphore_mem>>
      %dma_start3A_373 = tpu.memref_squeeze %dma_start3A_372 : memref<1x!tpu.dma_semaphore, #tpu.memory_space<semaphore_mem>> -> memref<!tpu.dma_semaphore, #tpu.memory_space<semaphore_mem>>
      tpu.enqueue_indirect_dma source(%dma_start3A_371 : memref<10000x64xf32, #tpu.memory_space<hbm>>) target(%dma_start3A_365 : memref<128x64xf32, #tpu.memory_space<vmem>>) offsets(%dma_start3A_368 : memref<128xi32, #tpu.memory_space<vmem>>) semaphore(%dma_start3A_373 : memref<!tpu.dma_semaphore, #tpu.memory_space<semaphore_mem>>)
      %dma_wait3A_374 = arith.constant 2 : i32
      %dma_wait3A_375 = arith.constant 256 : i32
      %dma_wait3A_376 = arith.constant 0 : i32
      %dma_wait3A_377 = tpu.memref_slice %arg10[%dma_wait3A_375, %dma_wait3A_376] : memref<640x64xf32, #tpu.memory_space<vmem>> -> memref<128x64xf32, #tpu.memory_space<vmem>>
      %dma_wait3A_378 = arith.constant 0 : i32
      %dma_wait3A_379 = arith.constant 0 : i32
      %dma_wait3A_380 = tpu.memref_slice %arg2[%dma_wait3A_378, %dma_wait3A_379] : memref<10000x64xf32, #tpu.memory_space<hbm>> -> memref<128x64xf32, #tpu.memory_space<hbm>>
      %dma_wait3A_381 = tpu.memref_slice %arg12[%dma_wait3A_374] : memref<5x!tpu.dma_semaphore, #tpu.memory_space<semaphore_mem>> -> memref<1x!tpu.dma_semaphore, #tpu.memory_space<semaphore_mem>>
      %dma_wait3A_382 = tpu.memref_squeeze %dma_wait3A_381 : memref<1x!tpu.dma_semaphore, #tpu.memory_space<semaphore_mem>> -> memref<!tpu.dma_semaphore, #tpu.memory_space<semaphore_mem>>
      %dma_wait3A_383 = arith.constant 256 : i32
      %dma_wait3A_384 = arith.constant 0 : i32
      %dma_wait3A_385 = tpu.memref_slice %arg10[%dma_wait3A_383, %dma_wait3A_384] : memref<640x64xf32, #tpu.memory_space<vmem>> -> memref<128x64xf32, #tpu.memory_space<vmem>>
      %dma_wait3A_386 = arith.constant 0 : i32
      %dma_wait3A_387 = arith.constant 0 : i32
      %dma_wait3A_388 = tpu.memref_slice %arg2[%dma_wait3A_386, %dma_wait3A_387] : memref<10000x64xf32, #tpu.memory_space<hbm>> -> memref<128x64xf32, #tpu.memory_space<hbm>>
      tpu.wait_dma2 semaphore(%dma_wait3A_382 : memref<!tpu.dma_semaphore, #tpu.memory_space<semaphore_mem>>) src(%dma_wait3A_388 : memref<128x64xf32, #tpu.memory_space<hbm>>) dst(%dma_wait3A_385 : memref<128x64xf32, #tpu.memory_space<vmem>>)
      %add3A_389 = arith.constant 2 : i32
      %add3A_390 = arith.addi %mul3A_170, %add3A_389 : i32
      %dma_start3A_391 = arith.constant 2 : i32
      %dma_start3A_392 = arith.constant 256 : i32
      %dma_start3A_393 = arith.constant 0 : i32
      %dma_start3A_394 = tpu.memref_slice %arg10[%dma_start3A_392, %dma_start3A_393] : memref<640x64xf32, #tpu.memory_space<vmem>> -> memref<128x64xf32, #tpu.memory_space<vmem>>
      %dma_start3A_395 = arith.constant 0 : i32
      %dma_start3A_396 = tpu.memref_slice %arg8[%add3A_390, %dma_start3A_395] : memref<80x128xi32, #tpu.memory_space<vmem>> -> memref<1x128xi32, #tpu.memory_space<vmem>>
      %dma_start3A_397 = tpu.memref_squeeze %dma_start3A_396 : memref<1x128xi32, #tpu.memory_space<vmem>> -> memref<128xi32, #tpu.memory_space<vmem>>
      %dma_start3A_398 = arith.constant 0 : i32
      %dma_start3A_399 = arith.constant 0 : i32
      %dma_start3A_400 = tpu.memref_slice %arg2[%dma_start3A_398, %dma_start3A_399] : memref<10000x64xf32, #tpu.memory_space<hbm>> -> memref<10000x64xf32, #tpu.memory_space<hbm>>
      %dma_start3A_401 = tpu.memref_slice %arg11[%dma_start3A_391] : memref<5x!tpu.dma_semaphore, #tpu.memory_space<semaphore_mem>> -> memref<1x!tpu.dma_semaphore, #tpu.memory_space<semaphore_mem>>
      %dma_start3A_402 = tpu.memref_squeeze %dma_start3A_401 : memref<1x!tpu.dma_semaphore, #tpu.memory_space<semaphore_mem>> -> memref<!tpu.dma_semaphore, #tpu.memory_space<semaphore_mem>>
      tpu.enqueue_indirect_dma source(%dma_start3A_400 : memref<10000x64xf32, #tpu.memory_space<hbm>>) target(%dma_start3A_394 : memref<128x64xf32, #tpu.memory_space<vmem>>) offsets(%dma_start3A_397 : memref<128xi32, #tpu.memory_space<vmem>>) semaphore(%dma_start3A_402 : memref<!tpu.dma_semaphore, #tpu.memory_space<semaphore_mem>>)
      %dma_wait3A_403 = arith.constant 3 : i32
      %dma_wait3A_404 = arith.constant 384 : i32
      %dma_wait3A_405 = arith.constant 0 : i32
      %dma_wait3A_406 = tpu.memref_slice %arg10[%dma_wait3A_404, %dma_wait3A_405] : memref<640x64xf32, #tpu.memory_space<vmem>> -> memref<128x64xf32, #tpu.memory_space<vmem>>
      %dma_wait3A_407 = arith.constant 0 : i32
      %dma_wait3A_408 = arith.constant 0 : i32
      %dma_wait3A_409 = tpu.memref_slice %arg2[%dma_wait3A_407, %dma_wait3A_408] : memref<10000x64xf32, #tpu.memory_space<hbm>> -> memref<128x64xf32, #tpu.memory_space<hbm>>
      %dma_wait3A_410 = tpu.memref_slice %arg12[%dma_wait3A_403] : memref<5x!tpu.dma_semaphore, #tpu.memory_space<semaphore_mem>> -> memref<1x!tpu.dma_semaphore, #tpu.memory_space<semaphore_mem>>
      %dma_wait3A_411 = tpu.memref_squeeze %dma_wait3A_410 : memref<1x!tpu.dma_semaphore, #tpu.memory_space<semaphore_mem>> -> memref<!tpu.dma_semaphore, #tpu.memory_space<semaphore_mem>>
      %dma_wait3A_412 = arith.constant 384 : i32
      %dma_wait3A_413 = arith.constant 0 : i32
      %dma_wait3A_414 = tpu.memref_slice %arg10[%dma_wait3A_412, %dma_wait3A_413] : memref<640x64xf32, #tpu.memory_space<vmem>> -> memref<128x64xf32, #tpu.memory_space<vmem>>
      %dma_wait3A_415 = arith.constant 0 : i32
      %dma_wait3A_416 = arith.constant 0 : i32
      %dma_wait3A_417 = tpu.memref_slice %arg2[%dma_wait3A_415, %dma_wait3A_416] : memref<10000x64xf32, #tpu.memory_space<hbm>> -> memref<128x64xf32, #tpu.memory_space<hbm>>
      tpu.wait_dma2 semaphore(%dma_wait3A_411 : memref<!tpu.dma_semaphore, #tpu.memory_space<semaphore_mem>>) src(%dma_wait3A_417 : memref<128x64xf32, #tpu.memory_space<hbm>>) dst(%dma_wait3A_414 : memref<128x64xf32, #tpu.memory_space<vmem>>)
      %add3A_418 = arith.constant 3 : i32
      %add3A_419 = arith.addi %mul3A_170, %add3A_418 : i32
      %dma_start3A_420 = arith.constant 3 : i32
      %dma_start3A_421 = arith.constant 384 : i32
      %dma_start3A_422 = arith.constant 0 : i32
      %dma_start3A_423 = tpu.memref_slice %arg10[%dma_start3A_421, %dma_start3A_422] : memref<640x64xf32, #tpu.memory_space<vmem>> -> memref<128x64xf32, #tpu.memory_space<vmem>>
      %dma_start3A_424 = arith.constant 0 : i32
      %dma_start3A_425 = tpu.memref_slice %arg8[%add3A_419, %dma_start3A_424] : memref<80x128xi32, #tpu.memory_space<vmem>> -> memref<1x128xi32, #tpu.memory_space<vmem>>
      %dma_start3A_426 = tpu.memref_squeeze %dma_start3A_425 : memref<1x128xi32, #tpu.memory_space<vmem>> -> memref<128xi32, #tpu.memory_space<vmem>>
      %dma_start3A_427 = arith.constant 0 : i32
      %dma_start3A_428 = arith.constant 0 : i32
      %dma_start3A_429 = tpu.memref_slice %arg2[%dma_start3A_427, %dma_start3A_428] : memref<10000x64xf32, #tpu.memory_space<hbm>> -> memref<10000x64xf32, #tpu.memory_space<hbm>>
      %dma_start3A_430 = tpu.memref_slice %arg11[%dma_start3A_420] : memref<5x!tpu.dma_semaphore, #tpu.memory_space<semaphore_mem>> -> memref<1x!tpu.dma_semaphore, #tpu.memory_space<semaphore_mem>>
      %dma_start3A_431 = tpu.memref_squeeze %dma_start3A_430 : memref<1x!tpu.dma_semaphore, #tpu.memory_space<semaphore_mem>> -> memref<!tpu.dma_semaphore, #tpu.memory_space<semaphore_mem>>
      tpu.enqueue_indirect_dma source(%dma_start3A_429 : memref<10000x64xf32, #tpu.memory_space<hbm>>) target(%dma_start3A_423 : memref<128x64xf32, #tpu.memory_space<vmem>>) offsets(%dma_start3A_426 : memref<128xi32, #tpu.memory_space<vmem>>) semaphore(%dma_start3A_431 : memref<!tpu.dma_semaphore, #tpu.memory_space<semaphore_mem>>)
      %dma_wait3A_432 = arith.constant 4 : i32
      %dma_wait3A_433 = arith.constant 512 : i32
      %dma_wait3A_434 = arith.constant 0 : i32
      %dma_wait3A_435 = tpu.memref_slice %arg10[%dma_wait3A_433, %dma_wait3A_434] : memref<640x64xf32, #tpu.memory_space<vmem>> -> memref<128x64xf32, #tpu.memory_space<vmem>>
      %dma_wait3A_436 = arith.constant 0 : i32
      %dma_wait3A_437 = arith.constant 0 : i32
      %dma_wait3A_438 = tpu.memref_slice %arg2[%dma_wait3A_436, %dma_wait3A_437] : memref<10000x64xf32, #tpu.memory_space<hbm>> -> memref<128x64xf32, #tpu.memory_space<hbm>>
      %dma_wait3A_439 = tpu.memref_slice %arg12[%dma_wait3A_432] : memref<5x!tpu.dma_semaphore, #tpu.memory_space<semaphore_mem>> -> memref<1x!tpu.dma_semaphore, #tpu.memory_space<semaphore_mem>>
      %dma_wait3A_440 = tpu.memref_squeeze %dma_wait3A_439 : memref<1x!tpu.dma_semaphore, #tpu.memory_space<semaphore_mem>> -> memref<!tpu.dma_semaphore, #tpu.memory_space<semaphore_mem>>
      %dma_wait3A_441 = arith.constant 512 : i32
      %dma_wait3A_442 = arith.constant 0 : i32
      %dma_wait3A_443 = tpu.memref_slice %arg10[%dma_wait3A_441, %dma_wait3A_442] : memref<640x64xf32, #tpu.memory_space<vmem>> -> memref<128x64xf32, #tpu.memory_space<vmem>>
      %dma_wait3A_444 = arith.constant 0 : i32
      %dma_wait3A_445 = arith.constant 0 : i32
      %dma_wait3A_446 = tpu.memref_slice %arg2[%dma_wait3A_444, %dma_wait3A_445] : memref<10000x64xf32, #tpu.memory_space<hbm>> -> memref<128x64xf32, #tpu.memory_space<hbm>>
      tpu.wait_dma2 semaphore(%dma_wait3A_440 : memref<!tpu.dma_semaphore, #tpu.memory_space<semaphore_mem>>) src(%dma_wait3A_446 : memref<128x64xf32, #tpu.memory_space<hbm>>) dst(%dma_wait3A_443 : memref<128x64xf32, #tpu.memory_space<vmem>>)
      %add3A_447 = arith.constant 4 : i32
      %add3A_448 = arith.addi %mul3A_170, %add3A_447 : i32
      %dma_start3A_449 = arith.constant 4 : i32
      %dma_start3A_450 = arith.constant 512 : i32
      %dma_start3A_451 = arith.constant 0 : i32
      %dma_start3A_452 = tpu.memref_slice %arg10[%dma_start3A_450, %dma_start3A_451] : memref<640x64xf32, #tpu.memory_space<vmem>> -> memref<128x64xf32, #tpu.memory_space<vmem>>
      %dma_start3A_453 = arith.constant 0 : i32
      %dma_start3A_454 = tpu.memref_slice %arg8[%add3A_448, %dma_start3A_453] : memref<80x128xi32, #tpu.memory_space<vmem>> -> memref<1x128xi32, #tpu.memory_space<vmem>>
      %dma_start3A_455 = tpu.memref_squeeze %dma_start3A_454 : memref<1x128xi32, #tpu.memory_space<vmem>> -> memref<128xi32, #tpu.memory_space<vmem>>
      %dma_start3A_456 = arith.constant 0 : i32
      %dma_start3A_457 = arith.constant 0 : i32
      %dma_start3A_458 = tpu.memref_slice %arg2[%dma_start3A_456, %dma_start3A_457] : memref<10000x64xf32, #tpu.memory_space<hbm>> -> memref<10000x64xf32, #tpu.memory_space<hbm>>
      %dma_start3A_459 = tpu.memref_slice %arg11[%dma_start3A_449] : memref<5x!tpu.dma_semaphore, #tpu.memory_space<semaphore_mem>> -> memref<1x!tpu.dma_semaphore, #tpu.memory_space<semaphore_mem>>
      %dma_start3A_460 = tpu.memref_squeeze %dma_start3A_459 : memref<1x!tpu.dma_semaphore, #tpu.memory_space<semaphore_mem>> -> memref<!tpu.dma_semaphore, #tpu.memory_space<semaphore_mem>>
      tpu.enqueue_indirect_dma source(%dma_start3A_458 : memref<10000x64xf32, #tpu.memory_space<hbm>>) target(%dma_start3A_452 : memref<128x64xf32, #tpu.memory_space<vmem>>) offsets(%dma_start3A_455 : memref<128xi32, #tpu.memory_space<vmem>>) semaphore(%dma_start3A_460 : memref<!tpu.dma_semaphore, #tpu.memory_space<semaphore_mem>>)
    }
    %scan3A_81 = arith.constant 16 : i32
    %dma_wait3A = arith.constant 0 : i32
    %dma_wait3A_82 = arith.constant 0 : i32
    %dma_wait3A_83 = arith.constant 0 : i32
    %dma_wait3A_84 = tpu.memref_slice %arg10[%dma_wait3A_82, %dma_wait3A_83] : memref<640x64xf32, #tpu.memory_space<vmem>> -> memref<128x64xf32, #tpu.memory_space<vmem>>
    %dma_wait3A_85 = arith.constant 0 : i32
    %dma_wait3A_86 = arith.constant 0 : i32
    %dma_wait3A_87 = tpu.memref_slice %arg2[%dma_wait3A_85, %dma_wait3A_86] : memref<10000x64xf32, #tpu.memory_space<hbm>> -> memref<128x64xf32, #tpu.memory_space<hbm>>
    %dma_wait3A_88 = tpu.memref_slice %arg11[%dma_wait3A] : memref<5x!tpu.dma_semaphore, #tpu.memory_space<semaphore_mem>> -> memref<1x!tpu.dma_semaphore, #tpu.memory_space<semaphore_mem>>
    %dma_wait3A_89 = tpu.memref_squeeze %dma_wait3A_88 : memref<1x!tpu.dma_semaphore, #tpu.memory_space<semaphore_mem>> -> memref<!tpu.dma_semaphore, #tpu.memory_space<semaphore_mem>>
    %dma_wait3A_90 = arith.constant 0 : i32
    %dma_wait3A_91 = arith.constant 0 : i32
    %dma_wait3A_92 = tpu.memref_slice %arg10[%dma_wait3A_90, %dma_wait3A_91] : memref<640x64xf32, #tpu.memory_space<vmem>> -> memref<128x64xf32, #tpu.memory_space<vmem>>
    %dma_wait3A_93 = arith.constant 0 : i32
    %dma_wait3A_94 = arith.constant 0 : i32
    %dma_wait3A_95 = tpu.memref_slice %arg2[%dma_wait3A_93, %dma_wait3A_94] : memref<10000x64xf32, #tpu.memory_space<hbm>> -> memref<128x64xf32, #tpu.memory_space<hbm>>
    tpu.wait_dma2 semaphore(%dma_wait3A_89 : memref<!tpu.dma_semaphore, #tpu.memory_space<semaphore_mem>>) src(%dma_wait3A_95 : memref<128x64xf32, #tpu.memory_space<hbm>>) dst(%dma_wait3A_92 : memref<128x64xf32, #tpu.memory_space<vmem>>)
    %dma_wait3A_96 = arith.constant 1 : i32
    %dma_wait3A_97 = arith.constant 128 : i32
    %dma_wait3A_98 = arith.constant 0 : i32
    %dma_wait3A_99 = tpu.memref_slice %arg10[%dma_wait3A_97, %dma_wait3A_98] : memref<640x64xf32, #tpu.memory_space<vmem>> -> memref<128x64xf32, #tpu.memory_space<vmem>>
    %dma_wait3A_100 = arith.constant 0 : i32
    %dma_wait3A_101 = arith.constant 0 : i32
    %dma_wait3A_102 = tpu.memref_slice %arg2[%dma_wait3A_100, %dma_wait3A_101] : memref<10000x64xf32, #tpu.memory_space<hbm>> -> memref<128x64xf32, #tpu.memory_space<hbm>>
    %dma_wait3A_103 = tpu.memref_slice %arg11[%dma_wait3A_96] : memref<5x!tpu.dma_semaphore, #tpu.memory_space<semaphore_mem>> -> memref<1x!tpu.dma_semaphore, #tpu.memory_space<semaphore_mem>>
    %dma_wait3A_104 = tpu.memref_squeeze %dma_wait3A_103 : memref<1x!tpu.dma_semaphore, #tpu.memory_space<semaphore_mem>> -> memref<!tpu.dma_semaphore, #tpu.memory_space<semaphore_mem>>
    %dma_wait3A_105 = arith.constant 128 : i32
    %dma_wait3A_106 = arith.constant 0 : i32
    %dma_wait3A_107 = tpu.memref_slice %arg10[%dma_wait3A_105, %dma_wait3A_106] : memref<640x64xf32, #tpu.memory_space<vmem>> -> memref<128x64xf32, #tpu.memory_space<vmem>>
    %dma_wait3A_108 = arith.constant 0 : i32
    %dma_wait3A_109 = arith.constant 0 : i32
    %dma_wait3A_110 = tpu.memref_slice %arg2[%dma_wait3A_108, %dma_wait3A_109] : memref<10000x64xf32, #tpu.memory_space<hbm>> -> memref<128x64xf32, #tpu.memory_space<hbm>>
    tpu.wait_dma2 semaphore(%dma_wait3A_104 : memref<!tpu.dma_semaphore, #tpu.memory_space<semaphore_mem>>) src(%dma_wait3A_110 : memref<128x64xf32, #tpu.memory_space<hbm>>) dst(%dma_wait3A_107 : memref<128x64xf32, #tpu.memory_space<vmem>>)
    %dma_wait3A_111 = arith.constant 2 : i32
    %dma_wait3A_112 = arith.constant 256 : i32
    %dma_wait3A_113 = arith.constant 0 : i32
    %dma_wait3A_114 = tpu.memref_slice %arg10[%dma_wait3A_112, %dma_wait3A_113] : memref<640x64xf32, #tpu.memory_space<vmem>> -> memref<128x64xf32, #tpu.memory_space<vmem>>
    %dma_wait3A_115 = arith.constant 0 : i32
    %dma_wait3A_116 = arith.constant 0 : i32
    %dma_wait3A_117 = tpu.memref_slice %arg2[%dma_wait3A_115, %dma_wait3A_116] : memref<10000x64xf32, #tpu.memory_space<hbm>> -> memref<128x64xf32, #tpu.memory_space<hbm>>
    %dma_wait3A_118 = tpu.memref_slice %arg11[%dma_wait3A_111] : memref<5x!tpu.dma_semaphore, #tpu.memory_space<semaphore_mem>> -> memref<1x!tpu.dma_semaphore, #tpu.memory_space<semaphore_mem>>
    %dma_wait3A_119 = tpu.memref_squeeze %dma_wait3A_118 : memref<1x!tpu.dma_semaphore, #tpu.memory_space<semaphore_mem>> -> memref<!tpu.dma_semaphore, #tpu.memory_space<semaphore_mem>>
    %dma_wait3A_120 = arith.constant 256 : i32
    %dma_wait3A_121 = arith.constant 0 : i32
    %dma_wait3A_122 = tpu.memref_slice %arg10[%dma_wait3A_120, %dma_wait3A_121] : memref<640x64xf32, #tpu.memory_space<vmem>> -> memref<128x64xf32, #tpu.memory_space<vmem>>
    %dma_wait3A_123 = arith.constant 0 : i32
    %dma_wait3A_124 = arith.constant 0 : i32
    %dma_wait3A_125 = tpu.memref_slice %arg2[%dma_wait3A_123, %dma_wait3A_124] : memref<10000x64xf32, #tpu.memory_space<hbm>> -> memref<128x64xf32, #tpu.memory_space<hbm>>
    tpu.wait_dma2 semaphore(%dma_wait3A_119 : memref<!tpu.dma_semaphore, #tpu.memory_space<semaphore_mem>>) src(%dma_wait3A_125 : memref<128x64xf32, #tpu.memory_space<hbm>>) dst(%dma_wait3A_122 : memref<128x64xf32, #tpu.memory_space<vmem>>)
    %dma_wait3A_126 = arith.constant 3 : i32
    %dma_wait3A_127 = arith.constant 384 : i32
    %dma_wait3A_128 = arith.constant 0 : i32
    %dma_wait3A_129 = tpu.memref_slice %arg10[%dma_wait3A_127, %dma_wait3A_128] : memref<640x64xf32, #tpu.memory_space<vmem>> -> memref<128x64xf32, #tpu.memory_space<vmem>>
    %dma_wait3A_130 = arith.constant 0 : i32
    %dma_wait3A_131 = arith.constant 0 : i32
    %dma_wait3A_132 = tpu.memref_slice %arg2[%dma_wait3A_130, %dma_wait3A_131] : memref<10000x64xf32, #tpu.memory_space<hbm>> -> memref<128x64xf32, #tpu.memory_space<hbm>>
    %dma_wait3A_133 = tpu.memref_slice %arg11[%dma_wait3A_126] : memref<5x!tpu.dma_semaphore, #tpu.memory_space<semaphore_mem>> -> memref<1x!tpu.dma_semaphore, #tpu.memory_space<semaphore_mem>>
    %dma_wait3A_134 = tpu.memref_squeeze %dma_wait3A_133 : memref<1x!tpu.dma_semaphore, #tpu.memory_space<semaphore_mem>> -> memref<!tpu.dma_semaphore, #tpu.memory_space<semaphore_mem>>
    %dma_wait3A_135 = arith.constant 384 : i32
    %dma_wait3A_136 = arith.constant 0 : i32
    %dma_wait3A_137 = tpu.memref_slice %arg10[%dma_wait3A_135, %dma_wait3A_136] : memref<640x64xf32, #tpu.memory_space<vmem>> -> memref<128x64xf32, #tpu.memory_space<vmem>>
    %dma_wait3A_138 = arith.constant 0 : i32
    %dma_wait3A_139 = arith.constant 0 : i32
    %dma_wait3A_140 = tpu.memref_slice %arg2[%dma_wait3A_138, %dma_wait3A_139] : memref<10000x64xf32, #tpu.memory_space<hbm>> -> memref<128x64xf32, #tpu.memory_space<hbm>>
    tpu.wait_dma2 semaphore(%dma_wait3A_134 : memref<!tpu.dma_semaphore, #tpu.memory_space<semaphore_mem>>) src(%dma_wait3A_140 : memref<128x64xf32, #tpu.memory_space<hbm>>) dst(%dma_wait3A_137 : memref<128x64xf32, #tpu.memory_space<vmem>>)
    %dma_wait3A_141 = arith.constant 4 : i32
    %dma_wait3A_142 = arith.constant 512 : i32
    %dma_wait3A_143 = arith.constant 0 : i32
    %dma_wait3A_144 = tpu.memref_slice %arg10[%dma_wait3A_142, %dma_wait3A_143] : memref<640x64xf32, #tpu.memory_space<vmem>> -> memref<128x64xf32, #tpu.memory_space<vmem>>
    %dma_wait3A_145 = arith.constant 0 : i32
    %dma_wait3A_146 = arith.constant 0 : i32
    %dma_wait3A_147 = tpu.memref_slice %arg2[%dma_wait3A_145, %dma_wait3A_146] : memref<10000x64xf32, #tpu.memory_space<hbm>> -> memref<128x64xf32, #tpu.memory_space<hbm>>
    %dma_wait3A_148 = tpu.memref_slice %arg11[%dma_wait3A_141] : memref<5x!tpu.dma_semaphore, #tpu.memory_space<semaphore_mem>> -> memref<1x!tpu.dma_semaphore, #tpu.memory_space<semaphore_mem>>
    %dma_wait3A_149 = tpu.memref_squeeze %dma_wait3A_148 : memref<1x!tpu.dma_semaphore, #tpu.memory_space<semaphore_mem>> -> memref<!tpu.dma_semaphore, #tpu.memory_space<semaphore_mem>>
    %dma_wait3A_150 = arith.constant 512 : i32
    %dma_wait3A_151 = arith.constant 0 : i32
    %dma_wait3A_152 = tpu.memref_slice %arg10[%dma_wait3A_150, %dma_wait3A_151] : memref<640x64xf32, #tpu.memory_space<vmem>> -> memref<128x64xf32, #tpu.memory_space<vmem>>
    %dma_wait3A_153 = arith.constant 0 : i32
    %dma_wait3A_154 = arith.constant 0 : i32
    %dma_wait3A_155 = tpu.memref_slice %arg2[%dma_wait3A_153, %dma_wait3A_154] : memref<10000x64xf32, #tpu.memory_space<hbm>> -> memref<128x64xf32, #tpu.memory_space<hbm>>
    tpu.wait_dma2 semaphore(%dma_wait3A_149 : memref<!tpu.dma_semaphore, #tpu.memory_space<semaphore_mem>>) src(%dma_wait3A_155 : memref<128x64xf32, #tpu.memory_space<hbm>>) dst(%dma_wait3A_152 : memref<128x64xf32, #tpu.memory_space<vmem>>)
    %barrier3A_156 = arith.constant 0 : index
    tpu.barrier barrier_id(%barrier3A_156)
    %mul3A_157 = arith.constant 640 : i32
    %mul3A_158 = arith.muli %arg1, %mul3A_157 : i32
    "tpu.region"() ({
      %run_scoped3A = tpu.sem_alloc : memref<!tpu.dma_semaphore, #tpu.memory_space<semaphore_mem>>
      %dma_start3A_159 = arith.constant 0 : i32
      %dma_start3A_160 = arith.constant 0 : i32
      %dma_start3A_161 = tpu.memref_slice %arg5[%arg0, %dma_start3A_159, %dma_start3A_160] : memref<2x10240x64xf32, #tpu.memory_space<hbm>> -> memref<1x10240x64xf32, #tpu.memory_space<hbm>>
      %dma_start3A_162 = tpu.memref_squeeze %dma_start3A_161 : memref<1x10240x64xf32, #tpu.memory_space<hbm>> -> memref<10240x64xf32, #tpu.memory_space<hbm>>
      %dma_start3A_163 = arith.constant 0 : i32
      %dma_start3A_164 = tpu.memref_slice %dma_start3A_162[%mul3A_158, %dma_start3A_163] : memref<10240x64xf32, #tpu.memory_space<hbm>> -> memref<640x64xf32, #tpu.memory_space<hbm>>
      %dma_start3A_165 = arith.constant 0 : i32
      %dma_start3A_166 = tpu.memref_slice %arg6[%mul3A_158, %dma_start3A_165] : memref<10240x64xf32, #tpu.memory_space<vmem_shared>> -> memref<640x64xf32, #tpu.memory_space<vmem_shared>>
      tpu.enqueue_dma source(%dma_start3A_166 : memref<640x64xf32, #tpu.memory_space<vmem_shared>>) target(%dma_start3A_164 : memref<640x64xf32, #tpu.memory_space<hbm>>) target_semaphore(%run_scoped3A : memref<!tpu.dma_semaphore, #tpu.memory_space<semaphore_mem>>)
      %dma_wait3A_167 = arith.constant 0 : i32
      %dma_wait3A_168 = arith.constant 0 : i32
      %dma_wait3A_169 = tpu.memref_slice %arg5[%arg0, %dma_wait3A_167, %dma_wait3A_168] : memref<2x10240x64xf32, #tpu.memory_space<hbm>> -> memref<1x10240x64xf32, #tpu.memory_space<hbm>>
      %dma_wait3A_170 = tpu.memref_squeeze %dma_wait3A_169 : memref<1x10240x64xf32, #tpu.memory_space<hbm>> -> memref<10240x64xf32, #tpu.memory_space<hbm>>
      %dma_wait3A_171 = arith.constant 0 : i32
      %dma_wait3A_172 = tpu.memref_slice %dma_wait3A_170[%mul3A_158, %dma_wait3A_171] : memref<10240x64xf32, #tpu.memory_space<hbm>> -> memref<640x64xf32, #tpu.memory_space<hbm>>
      %dma_wait3A_173 = arith.constant 0 : i32
      %dma_wait3A_174 = tpu.memref_slice %arg6[%mul3A_158, %dma_wait3A_173] : memref<10240x64xf32, #tpu.memory_space<vmem_shared>> -> memref<640x64xf32, #tpu.memory_space<vmem_shared>>
      tpu.wait_dma2 semaphore(%run_scoped3A : memref<!tpu.dma_semaphore, #tpu.memory_space<semaphore_mem>>) src(%dma_wait3A_174 : memref<640x64xf32, #tpu.memory_space<vmem_shared>>) dst(%dma_wait3A_172 : memref<640x64xf32, #tpu.memory_space<hbm>>)
      tpu.yield
    }) : () -> ()
    return
  }
}

module attributes {stable_mosaic.version = 14 : i64} {
  func.func @body(%arg0: i32, %arg1: memref<1280x256xf32, #tpu.memory_space<vmem>>, %arg2: memref<256x128xf32, #tpu.memory_space<vmem>>, %arg3: memref<1280x128xf32, #tpu.memory_space<vmem>>) attributes {dimension_semantics = [#tpu.dimension_semantics<arbitrary>], iteration_bounds = array<i64: 4>, scalar_prefetch = 0 : i64, scratch_operands = 0 : i64, tpu.core_type = #tpu.core_type<tc>, window_params = [{transform_indices = @transform_0, window_bounds = array<i64: 1280, 256>}, {pipeline_mode = #tpu.pipeline_mode<synchronous>, transform_indices = @transform_1, window_bounds = array<i64: 256, 128>}, {transform_indices = @transform_2, window_bounds = array<i64: 1280, 128>}]} {
    %get3A = arith.constant 0 : index
    %get3A_0 = arith.constant 0 : index
    %get3A_1 = vector.load %arg1[%get3A, %get3A_0] : memref<1280x256xf32, #tpu.memory_space<vmem>>, vector<1280x256xf32>
    %get3A_2 = arith.constant 0 : index
    %get3A_3 = arith.constant 0 : index
    %get3A_4 = vector.load %arg2[%get3A_2, %get3A_3] : memref<256x128xf32, #tpu.memory_space<vmem>>, vector<256x128xf32>
    %dot_general3A = arith.constant dense<0.000000e+00> : vector<1280x128xf32>
    %dot_general3A_5 = tpu.matmul %get3A_1, %get3A_4, %dot_general3A {dimension_numbers = #tpu.dot_dimension_numbers<[1], [0], [0], [1], [0, 0, 1, 1], [], []>, precision = #tpu.contract_precision<fp32>, transpose_lhs_hint = false} : vector<1280x256xf32>, vector<256x128xf32>, vector<1280x128xf32> -> vector<1280x128xf32>
    %swap3A = arith.constant 0 : index
    %swap3A_6 = arith.constant 0 : index
    %swap3A_7 = vector.load %arg3[%swap3A, %swap3A_6] : memref<1280x128xf32, #tpu.memory_space<vmem>>, vector<1280x128xf32>
    tpu.vector_store %arg3[%swap3A, %swap3A_6], %dot_general3A_5 {strides = array<i32>} : memref<1280x128xf32, #tpu.memory_space<vmem>>, vector<1280x128xf32>,
    return
  }
  func.func @transform_0(%arg0: i32) -> (i32, i32) {
    %c0_i32 = arith.constant 0 : i32
    %c0_i32_0 = arith.constant 0 : i32
    return %arg0, %c0_i32 : i32, i32
  }
  func.func @transform_1(%arg0: i32) -> (i32, i32) {
    %c0_i32 = arith.constant 0 : i32
    %c0_i32_0 = arith.constant 0 : i32
    %c0_i32_1 = arith.constant 0 : i32
    return %c0_i32, %c0_i32_0 : i32, i32
  }
  func.func @transform_2(%arg0: i32) -> (i32, i32) {
    %c0_i32 = arith.constant 0 : i32
    %c0_i32_0 = arith.constant 0 : i32
    return %arg0, %c0_i32 : i32, i32
  }
}

module attributes {stable_mosaic.version = 14 : i64} {
  func.func @body(%arg0: i32, %arg1: memref<2x1280x128xf32, #tpu.memory_space<vmem>>, %arg2: memref<2x320x128xf32, #tpu.memory_space<vmem>>, %arg3: memref<1280x128xf32, #tpu.memory_space<vmem>>, %arg4: memref<1x128xf32, #tpu.memory_space<vmem>>, %arg5: memref<1x128xf32, #tpu.memory_space<vmem>>, %arg6: memref<128x128xf32, #tpu.memory_space<vmem>>, %arg7: memref<1280x128xf32, #tpu.memory_space<vmem>>, %arg8: memref<1280x128xf32, #tpu.memory_space<vmem>>) attributes {dimension_semantics = [#tpu.dimension_semantics<arbitrary>], iteration_bounds = array<i64: 4>, scalar_prefetch = 0 : i64, scratch_operands = 0 : i64, tpu.core_type = #tpu.core_type<tc>, window_params = [{transform_indices = @transform_0, window_bounds = array<i64: 2, 1280, 128>}, {transform_indices = @transform_1, window_bounds = array<i64: 2, 320, 128>}, {transform_indices = @transform_2, window_bounds = array<i64: 1280, 128>}, {pipeline_mode = #tpu.pipeline_mode<synchronous>, transform_indices = @transform_3, window_bounds = array<i64: 1, 128>}, {pipeline_mode = #tpu.pipeline_mode<synchronous>, transform_indices = @transform_4, window_bounds = array<i64: 1, 128>}, {pipeline_mode = #tpu.pipeline_mode<synchronous>, transform_indices = @transform_5, window_bounds = array<i64: 128, 128>}, {transform_indices = @transform_6, window_bounds = array<i64: 1280, 128>}, {transform_indices = @transform_7, window_bounds = array<i64: 1280, 128>}]} {
    %get3A = arith.constant 0 : index
    %get3A_0 = arith.constant 0 : index
    %get3A_1 = arith.constant 0 : index
    %get3A_2 = vector.load %arg1[%get3A, %get3A_0, %get3A_1] : memref<2x1280x128xf32, #tpu.memory_space<vmem>>, vector<1x1280x128xf32>
    %get3A_3 = vector.shape_cast %get3A_2 : vector<1x1280x128xf32> to vector<1280x128xf32>
    %get3A_4 = arith.constant 1 : index
    %get3A_5 = arith.constant 0 : index
    %get3A_6 = arith.constant 0 : index
    %get3A_7 = vector.load %arg1[%get3A_4, %get3A_5, %get3A_6] : memref<2x1280x128xf32, #tpu.memory_space<vmem>>, vector<1x1280x128xf32>
    %get3A_8 = vector.shape_cast %get3A_7 : vector<1x1280x128xf32> to vector<1280x128xf32>
    %add3A = arith.addf %get3A_3, %get3A_8 : vector<1280x128xf32>
    %get3A_9 = arith.constant 0 : index
    %get3A_10 = arith.constant 0 : index
    %get3A_11 = arith.constant 0 : index
    %get3A_12 = vector.load %arg2[%get3A_9, %get3A_10, %get3A_11] : memref<2x320x128xf32, #tpu.memory_space<vmem>>, vector<1x320x128xf32>
    %get3A_13 = vector.shape_cast %get3A_12 : vector<1x320x128xf32> to vector<320x128xf32>
    %get3A_14 = arith.constant 1 : index
    %get3A_15 = arith.constant 0 : index
    %get3A_16 = arith.constant 0 : index
    %get3A_17 = vector.load %arg2[%get3A_14, %get3A_15, %get3A_16] : memref<2x320x128xf32, #tpu.memory_space<vmem>>, vector<1x320x128xf32>
    %get3A_18 = vector.shape_cast %get3A_17 : vector<1x320x128xf32> to vector<320x128xf32>
    %add3A_19 = arith.addf %get3A_13, %get3A_18 : vector<320x128xf32>
    %max3A = arith.constant 1.000000e+00 : f32
    %max3A_20 = vector.broadcast %max3A : f32 to vector<320x128xf32>
    %max3A_21 = arith.maximumf %add3A_19, %max3A_20 : vector<320x128xf32>
    %div3A = arith.constant 1.000000e+00 : f32
    %div3A_22 = vector.broadcast %div3A : f32 to vector<320x128xf32>
    %div3A_23 = arith.divf %div3A_22, %max3A_21 : vector<320x128xf32>
    %slice3A = vector.extract_strided_slice %div3A_23 {offsets = [0, 0], sizes = [320, 16], strides = [1, 1]} : vector<320x128xf32> to vector<320x16xf32>
    %slice3A_24 = vector.extract_strided_slice %div3A_23 {offsets = [0, 16], sizes = [320, 16], strides = [1, 1]} : vector<320x128xf32> to vector<320x16xf32>
    %concatenate3A = tpu.concatenate %slice3A, %slice3A, %slice3A, %slice3A, %slice3A_24, %slice3A_24, %slice3A_24, %slice3A_24 in 1 : vector<320x16xf32>, vector<320x16xf32>, vector<320x16xf32>, vector<320x16xf32>, vector<320x16xf32>, vector<320x16xf32>, vector<320x16xf32>, vector<320x16xf32> -> vector<320x128xf32>
    %slice3A_25 = vector.extract_strided_slice %div3A_23 {offsets = [0, 32], sizes = [320, 16], strides = [1, 1]} : vector<320x128xf32> to vector<320x16xf32>
    %slice3A_26 = vector.extract_strided_slice %div3A_23 {offsets = [0, 48], sizes = [320, 16], strides = [1, 1]} : vector<320x128xf32> to vector<320x16xf32>
    %concatenate3A_27 = tpu.concatenate %slice3A_25, %slice3A_25, %slice3A_25, %slice3A_25, %slice3A_26, %slice3A_26, %slice3A_26, %slice3A_26 in 1 : vector<320x16xf32>, vector<320x16xf32>, vector<320x16xf32>, vector<320x16xf32>, vector<320x16xf32>, vector<320x16xf32>, vector<320x16xf32>, vector<320x16xf32> -> vector<320x128xf32>
    %slice3A_28 = vector.extract_strided_slice %div3A_23 {offsets = [0, 64], sizes = [320, 16], strides = [1, 1]} : vector<320x128xf32> to vector<320x16xf32>
    %slice3A_29 = vector.extract_strided_slice %div3A_23 {offsets = [0, 80], sizes = [320, 16], strides = [1, 1]} : vector<320x128xf32> to vector<320x16xf32>
    %concatenate3A_30 = tpu.concatenate %slice3A_28, %slice3A_28, %slice3A_28, %slice3A_28, %slice3A_29, %slice3A_29, %slice3A_29, %slice3A_29 in 1 : vector<320x16xf32>, vector<320x16xf32>, vector<320x16xf32>, vector<320x16xf32>, vector<320x16xf32>, vector<320x16xf32>, vector<320x16xf32>, vector<320x16xf32> -> vector<320x128xf32>
    %slice3A_31 = vector.extract_strided_slice %div3A_23 {offsets = [0, 96], sizes = [320, 16], strides = [1, 1]} : vector<320x128xf32> to vector<320x16xf32>
    %slice3A_32 = vector.extract_strided_slice %div3A_23 {offsets = [0, 112], sizes = [320, 16], strides = [1, 1]} : vector<320x128xf32> to vector<320x16xf32>
    %concatenate3A_33 = tpu.concatenate %slice3A_31, %slice3A_31, %slice3A_31, %slice3A_31, %slice3A_32, %slice3A_32, %slice3A_32, %slice3A_32 in 1 : vector<320x16xf32>, vector<320x16xf32>, vector<320x16xf32>, vector<320x16xf32>, vector<320x16xf32>, vector<320x16xf32>, vector<320x16xf32>, vector<320x16xf32> -> vector<320x128xf32>
    %stack3A = vector.shape_cast %concatenate3A : vector<320x128xf32> to vector<320x1x128xf32>
    %stack3A_34 = vector.shape_cast %concatenate3A_27 : vector<320x128xf32> to vector<320x1x128xf32>
    %stack3A_35 = vector.shape_cast %concatenate3A_30 : vector<320x128xf32> to vector<320x1x128xf32>
    %stack3A_36 = vector.shape_cast %concatenate3A_33 : vector<320x128xf32> to vector<320x1x128xf32>
    %stack3A_37 = tpu.concatenate %stack3A, %stack3A_34, %stack3A_35, %stack3A_36 in 1 : vector<320x1x128xf32>, vector<320x1x128xf32>, vector<320x1x128xf32>, vector<320x1x128xf32> -> vector<320x4x128xf32>
    %reshape3A = vector.shape_cast %stack3A_37 : vector<320x4x128xf32> to vector<1280x128xf32>
    %mul3A = arith.mulf %add3A, %reshape3A : vector<1280x128xf32>
    %get3A_38 = arith.constant 0 : index
    %get3A_39 = arith.constant 0 : index
    %get3A_40 = vector.load %arg3[%get3A_38, %get3A_39] : memref<1280x128xf32, #tpu.memory_space<vmem>>, vector<1280x128xf32>
    %add3A_41 = arith.addf %mul3A, %get3A_40 : vector<1280x128xf32>
    %get3A_42 = arith.constant 0 : index
    %get3A_43 = arith.constant 0 : index
    %get3A_44 = vector.load %arg4[%get3A_42, %get3A_43] : memref<1x128xf32, #tpu.memory_space<vmem>>, vector<1x128xf32>
    %mul3A_45 = vector.broadcast %get3A_44 : vector<1x128xf32> to vector<1280x128xf32>
    %mul3A_46 = arith.mulf %add3A_41, %mul3A_45 : vector<1280x128xf32>
    %get3A_47 = arith.constant 0 : index
    %get3A_48 = arith.constant 0 : index
    %get3A_49 = vector.load %arg5[%get3A_47, %get3A_48] : memref<1x128xf32, #tpu.memory_space<vmem>>, vector<1x128xf32>
    %add3A_50 = vector.broadcast %get3A_49 : vector<1x128xf32> to vector<1280x128xf32>
    %add3A_51 = arith.addf %mul3A_46, %add3A_50 : vector<1280x128xf32>
    %max3A_52 = arith.constant 0.000000e+00 : f32
    %max3A_53 = vector.broadcast %max3A_52 : f32 to vector<1280x128xf32>
    %max3A_54 = arith.maximumf %add3A_51, %max3A_53 : vector<1280x128xf32>
    %get3A_55 = arith.constant 0 : index
    %get3A_56 = arith.constant 0 : index
    %get3A_57 = vector.load %arg6[%get3A_55, %get3A_56] : memref<128x128xf32, #tpu.memory_space<vmem>>, vector<128x128xf32>
    %dot_general3A = arith.constant dense<0.000000e+00> : vector<1280x128xf32>
    %dot_general3A_58 = tpu.matmul %max3A_54, %get3A_57, %dot_general3A {dimension_numbers = #tpu.dot_dimension_numbers<[1], [0], [0], [1], [0, 0, 1, 1], [], []>, precision = #tpu.contract_precision<fp32>, transpose_lhs_hint = false} : vector<1280x128xf32>, vector<128x128xf32>, vector<1280x128xf32> -> vector<1280x128xf32>
    %swap3A = arith.constant 0 : index
    %swap3A_59 = arith.constant 0 : index
    %swap3A_60 = vector.load %arg7[%swap3A, %swap3A_59] : memref<1280x128xf32, #tpu.memory_space<vmem>>, vector<1280x128xf32>
    tpu.vector_store %arg7[%swap3A, %swap3A_59], %dot_general3A_58 {strides = array<i32>} : memref<1280x128xf32, #tpu.memory_space<vmem>>, vector<1280x128xf32>,
    %swap3A_61 = arith.constant 0 : index
    %swap3A_62 = arith.constant 0 : index
    %swap3A_63 = vector.load %arg8[%swap3A_61, %swap3A_62] : memref<1280x128xf32, #tpu.memory_space<vmem>>, vector<1280x128xf32>
    tpu.vector_store %arg8[%swap3A_61, %swap3A_62], %max3A_54 {strides = array<i32>} : memref<1280x128xf32, #tpu.memory_space<vmem>>, vector<1280x128xf32>,
    return
  }
  func.func @transform_0(%arg0: i32) -> (i32, i32, i32) {
    %c0_i32 = arith.constant 0 : i32
    %c0_i32_0 = arith.constant 0 : i32
    %c0_i32_1 = arith.constant 0 : i32
    return %c0_i32, %arg0, %c0_i32_0 : i32, i32, i32
  }
  func.func @transform_1(%arg0: i32) -> (i32, i32, i32) {
    %c0_i32 = arith.constant 0 : i32
    %c0_i32_0 = arith.constant 0 : i32
    %c0_i32_1 = arith.constant 0 : i32
    return %c0_i32, %arg0, %c0_i32_0 : i32, i32, i32
  }
  func.func @transform_2(%arg0: i32) -> (i32, i32) {
    %c0_i32 = arith.constant 0 : i32
    %c0_i32_0 = arith.constant 0 : i32
    return %arg0, %c0_i32 : i32, i32
  }
  func.func @transform_3(%arg0: i32) -> (i32, i32) {
    %c0_i32 = arith.constant 0 : i32
    %c0_i32_0 = arith.constant 0 : i32
    %c0_i32_1 = arith.constant 0 : i32
    return %c0_i32, %c0_i32_0 : i32, i32
  }
  func.func @transform_4(%arg0: i32) -> (i32, i32) {
    %c0_i32 = arith.constant 0 : i32
    %c0_i32_0 = arith.constant 0 : i32
    %c0_i32_1 = arith.constant 0 : i32
    return %c0_i32, %c0_i32_0 : i32, i32
  }
  func.func @transform_5(%arg0: i32) -> (i32, i32) {
    %c0_i32 = arith.constant 0 : i32
    %c0_i32_0 = arith.constant 0 : i32
    %c0_i32_1 = arith.constant 0 : i32
    return %c0_i32, %c0_i32_0 : i32, i32
  }
  func.func @transform_6(%arg0: i32) -> (i32, i32) {
    %c0_i32 = arith.constant 0 : i32
    %c0_i32_0 = arith.constant 0 : i32
    return %arg0, %c0_i32 : i32, i32
  }
  func.func @transform_7(%arg0: i32) -> (i32, i32) {
    %c0_i32 = arith.constant 0 : i32
    %c0_i32_0 = arith.constant 0 : i32
    return %arg0, %c0_i32 : i32, i32
  }
}

module attributes {stable_mosaic.version = 14 : i64} {
  func.func @body(%arg0: i32, %arg1: memref<1280x128xf32, #tpu.memory_space<vmem>>, %arg2: memref<128x128xf32, #tpu.memory_space<vmem>>, %arg3: memref<1280x128xf32, #tpu.memory_space<vmem>>) attributes {dimension_semantics = [#tpu.dimension_semantics<arbitrary>], iteration_bounds = array<i64: 4>, scalar_prefetch = 0 : i64, scratch_operands = 0 : i64, tpu.core_type = #tpu.core_type<tc>, window_params = [{transform_indices = @transform_0, window_bounds = array<i64: 1280, 128>}, {pipeline_mode = #tpu.pipeline_mode<synchronous>, transform_indices = @transform_1, window_bounds = array<i64: 128, 128>}, {transform_indices = @transform_2, window_bounds = array<i64: 1280, 128>}]} {
    %get3A = arith.constant 0 : index
    %get3A_0 = arith.constant 0 : index
    %get3A_1 = vector.load %arg1[%get3A, %get3A_0] : memref<1280x128xf32, #tpu.memory_space<vmem>>, vector<1280x128xf32>
    %get3A_2 = arith.constant 0 : index
    %get3A_3 = arith.constant 0 : index
    %get3A_4 = vector.load %arg2[%get3A_2, %get3A_3] : memref<128x128xf32, #tpu.memory_space<vmem>>, vector<128x128xf32>
    %dot_general3A = arith.constant dense<0.000000e+00> : vector<1280x128xf32>
    %dot_general3A_5 = tpu.matmul %get3A_1, %get3A_4, %dot_general3A {dimension_numbers = #tpu.dot_dimension_numbers<[1], [0], [0], [1], [0, 0, 1, 1], [], []>, precision = #tpu.contract_precision<fp32>, transpose_lhs_hint = false} : vector<1280x128xf32>, vector<128x128xf32>, vector<1280x128xf32> -> vector<1280x128xf32>
    %swap3A = arith.constant 0 : index
    %swap3A_6 = arith.constant 0 : index
    %swap3A_7 = vector.load %arg3[%swap3A, %swap3A_6] : memref<1280x128xf32, #tpu.memory_space<vmem>>, vector<1280x128xf32>
    tpu.vector_store %arg3[%swap3A, %swap3A_6], %dot_general3A_5 {strides = array<i32>} : memref<1280x128xf32, #tpu.memory_space<vmem>>, vector<1280x128xf32>,
    return
  }
  func.func @transform_0(%arg0: i32) -> (i32, i32) {
    %c0_i32 = arith.constant 0 : i32
    %c0_i32_0 = arith.constant 0 : i32
    return %arg0, %c0_i32 : i32, i32
  }
  func.func @transform_1(%arg0: i32) -> (i32, i32) {
    %c0_i32 = arith.constant 0 : i32
    %c0_i32_0 = arith.constant 0 : i32
    %c0_i32_1 = arith.constant 0 : i32
    return %c0_i32, %c0_i32_0 : i32, i32
  }
  func.func @transform_2(%arg0: i32) -> (i32, i32) {
    %c0_i32 = arith.constant 0 : i32
    %c0_i32_0 = arith.constant 0 : i32
    return %arg0, %c0_i32 : i32, i32
  }
}

module attributes {stable_mosaic.version = 14 : i64} {
  func.func @body(%arg0: i32, %arg1: memref<2x1280x128xf32, #tpu.memory_space<vmem>>, %arg2: memref<2x320x128xf32, #tpu.memory_space<vmem>>, %arg3: memref<1280x128xf32, #tpu.memory_space<vmem>>, %arg4: memref<1x128xf32, #tpu.memory_space<vmem>>, %arg5: memref<1x128xf32, #tpu.memory_space<vmem>>, %arg6: memref<1x128xf32, #tpu.memory_space<vmem>>, %arg7: memref<1x1xf32, #tpu.memory_space<vmem>>, %arg8: memref<1280x2xf32, #tpu.memory_space<vmem>>) attributes {dimension_semantics = [#tpu.dimension_semantics<arbitrary>], iteration_bounds = array<i64: 4>, scalar_prefetch = 0 : i64, scratch_operands = 0 : i64, tpu.core_type = #tpu.core_type<tc>, window_params = [{transform_indices = @transform_0, window_bounds = array<i64: 2, 1280, 128>}, {transform_indices = @transform_1, window_bounds = array<i64: 2, 320, 128>}, {transform_indices = @transform_2, window_bounds = array<i64: 1280, 128>}, {pipeline_mode = #tpu.pipeline_mode<synchronous>, transform_indices = @transform_3, window_bounds = array<i64: 1, 128>}, {pipeline_mode = #tpu.pipeline_mode<synchronous>, transform_indices = @transform_4, window_bounds = array<i64: 1, 128>}, {pipeline_mode = #tpu.pipeline_mode<synchronous>, transform_indices = @transform_5, window_bounds = array<i64: 1, 128>}, {pipeline_mode = #tpu.pipeline_mode<synchronous>, transform_indices = @transform_6, window_bounds = array<i64: 1, 1>}, {transform_indices = @transform_7, window_bounds = array<i64: 1280, 2>}]} {
    %get3A = arith.constant 0 : index
    %get3A_0 = arith.constant 0 : index
    %get3A_1 = arith.constant 0 : index
    %get3A_2 = vector.load %arg1[%get3A, %get3A_0, %get3A_1] : memref<2x1280x128xf32, #tpu.memory_space<vmem>>, vector<1x1280x128xf32>
    %get3A_3 = vector.shape_cast %get3A_2 : vector<1x1280x128xf32> to vector<1280x128xf32>
    %get3A_4 = arith.constant 1 : index
    %get3A_5 = arith.constant 0 : index
    %get3A_6 = arith.constant 0 : index
    %get3A_7 = vector.load %arg1[%get3A_4, %get3A_5, %get3A_6] : memref<2x1280x128xf32, #tpu.memory_space<vmem>>, vector<1x1280x128xf32>
    %get3A_8 = vector.shape_cast %get3A_7 : vector<1x1280x128xf32> to vector<1280x128xf32>
    %add3A = arith.addf %get3A_3, %get3A_8 : vector<1280x128xf32>
    %get3A_9 = arith.constant 0 : index
    %get3A_10 = arith.constant 0 : index
    %get3A_11 = arith.constant 0 : index
    %get3A_12 = vector.load %arg2[%get3A_9, %get3A_10, %get3A_11] : memref<2x320x128xf32, #tpu.memory_space<vmem>>, vector<1x320x128xf32>
    %get3A_13 = vector.shape_cast %get3A_12 : vector<1x320x128xf32> to vector<320x128xf32>
    %get3A_14 = arith.constant 1 : index
    %get3A_15 = arith.constant 0 : index
    %get3A_16 = arith.constant 0 : index
    %get3A_17 = vector.load %arg2[%get3A_14, %get3A_15, %get3A_16] : memref<2x320x128xf32, #tpu.memory_space<vmem>>, vector<1x320x128xf32>
    %get3A_18 = vector.shape_cast %get3A_17 : vector<1x320x128xf32> to vector<320x128xf32>
    %add3A_19 = arith.addf %get3A_13, %get3A_18 : vector<320x128xf32>
    %max3A = arith.constant 1.000000e+00 : f32
    %max3A_20 = vector.broadcast %max3A : f32 to vector<320x128xf32>
    %max3A_21 = arith.maximumf %add3A_19, %max3A_20 : vector<320x128xf32>
    %div3A = arith.constant 1.000000e+00 : f32
    %div3A_22 = vector.broadcast %div3A : f32 to vector<320x128xf32>
    %div3A_23 = arith.divf %div3A_22, %max3A_21 : vector<320x128xf32>
    %slice3A = vector.extract_strided_slice %div3A_23 {offsets = [0, 0], sizes = [320, 16], strides = [1, 1]} : vector<320x128xf32> to vector<320x16xf32>
    %slice3A_24 = vector.extract_strided_slice %div3A_23 {offsets = [0, 16], sizes = [320, 16], strides = [1, 1]} : vector<320x128xf32> to vector<320x16xf32>
    %concatenate3A = tpu.concatenate %slice3A, %slice3A, %slice3A, %slice3A, %slice3A_24, %slice3A_24, %slice3A_24, %slice3A_24 in 1 : vector<320x16xf32>, vector<320x16xf32>, vector<320x16xf32>, vector<320x16xf32>, vector<320x16xf32>, vector<320x16xf32>, vector<320x16xf32>, vector<320x16xf32> -> vector<320x128xf32>
    %slice3A_25 = vector.extract_strided_slice %div3A_23 {offsets = [0, 32], sizes = [320, 16], strides = [1, 1]} : vector<320x128xf32> to vector<320x16xf32>
    %slice3A_26 = vector.extract_strided_slice %div3A_23 {offsets = [0, 48], sizes = [320, 16], strides = [1, 1]} : vector<320x128xf32> to vector<320x16xf32>
    %concatenate3A_27 = tpu.concatenate %slice3A_25, %slice3A_25, %slice3A_25, %slice3A_25, %slice3A_26, %slice3A_26, %slice3A_26, %slice3A_26 in 1 : vector<320x16xf32>, vector<320x16xf32>, vector<320x16xf32>, vector<320x16xf32>, vector<320x16xf32>, vector<320x16xf32>, vector<320x16xf32>, vector<320x16xf32> -> vector<320x128xf32>
    %slice3A_28 = vector.extract_strided_slice %div3A_23 {offsets = [0, 64], sizes = [320, 16], strides = [1, 1]} : vector<320x128xf32> to vector<320x16xf32>
    %slice3A_29 = vector.extract_strided_slice %div3A_23 {offsets = [0, 80], sizes = [320, 16], strides = [1, 1]} : vector<320x128xf32> to vector<320x16xf32>
    %concatenate3A_30 = tpu.concatenate %slice3A_28, %slice3A_28, %slice3A_28, %slice3A_28, %slice3A_29, %slice3A_29, %slice3A_29, %slice3A_29 in 1 : vector<320x16xf32>, vector<320x16xf32>, vector<320x16xf32>, vector<320x16xf32>, vector<320x16xf32>, vector<320x16xf32>, vector<320x16xf32>, vector<320x16xf32> -> vector<320x128xf32>
    %slice3A_31 = vector.extract_strided_slice %div3A_23 {offsets = [0, 96], sizes = [320, 16], strides = [1, 1]} : vector<320x128xf32> to vector<320x16xf32>
    %slice3A_32 = vector.extract_strided_slice %div3A_23 {offsets = [0, 112], sizes = [320, 16], strides = [1, 1]} : vector<320x128xf32> to vector<320x16xf32>
    %concatenate3A_33 = tpu.concatenate %slice3A_31, %slice3A_31, %slice3A_31, %slice3A_31, %slice3A_32, %slice3A_32, %slice3A_32, %slice3A_32 in 1 : vector<320x16xf32>, vector<320x16xf32>, vector<320x16xf32>, vector<320x16xf32>, vector<320x16xf32>, vector<320x16xf32>, vector<320x16xf32>, vector<320x16xf32> -> vector<320x128xf32>
    %stack3A = vector.shape_cast %concatenate3A : vector<320x128xf32> to vector<320x1x128xf32>
    %stack3A_34 = vector.shape_cast %concatenate3A_27 : vector<320x128xf32> to vector<320x1x128xf32>
    %stack3A_35 = vector.shape_cast %concatenate3A_30 : vector<320x128xf32> to vector<320x1x128xf32>
    %stack3A_36 = vector.shape_cast %concatenate3A_33 : vector<320x128xf32> to vector<320x1x128xf32>
    %stack3A_37 = tpu.concatenate %stack3A, %stack3A_34, %stack3A_35, %stack3A_36 in 1 : vector<320x1x128xf32>, vector<320x1x128xf32>, vector<320x1x128xf32>, vector<320x1x128xf32> -> vector<320x4x128xf32>
    %reshape3A = vector.shape_cast %stack3A_37 : vector<320x4x128xf32> to vector<1280x128xf32>
    %mul3A = arith.mulf %add3A, %reshape3A : vector<1280x128xf32>
    %get3A_38 = arith.constant 0 : index
    %get3A_39 = arith.constant 0 : index
    %get3A_40 = vector.load %arg3[%get3A_38, %get3A_39] : memref<1280x128xf32, #tpu.memory_space<vmem>>, vector<1280x128xf32>
    %add3A_41 = arith.addf %mul3A, %get3A_40 : vector<1280x128xf32>
    %get3A_42 = arith.constant 0 : index
    %get3A_43 = arith.constant 0 : index
    %get3A_44 = vector.load %arg4[%get3A_42, %get3A_43] : memref<1x128xf32, #tpu.memory_space<vmem>>, vector<1x128xf32>
    %mul3A_45 = vector.broadcast %get3A_44 : vector<1x128xf32> to vector<1280x128xf32>
    %mul3A_46 = arith.mulf %add3A_41, %mul3A_45 : vector<1280x128xf32>
    %get3A_47 = arith.constant 0 : index
    %get3A_48 = arith.constant 0 : index
    %get3A_49 = vector.load %arg5[%get3A_47, %get3A_48] : memref<1x128xf32, #tpu.memory_space<vmem>>, vector<1x128xf32>
    %add3A_50 = vector.broadcast %get3A_49 : vector<1x128xf32> to vector<1280x128xf32>
    %add3A_51 = arith.addf %mul3A_46, %add3A_50 : vector<1280x128xf32>
    %max3A_52 = arith.constant 0.000000e+00 : f32
    %max3A_53 = vector.broadcast %max3A_52 : f32 to vector<1280x128xf32>
    %max3A_54 = arith.maximumf %add3A_51, %max3A_53 : vector<1280x128xf32>
    %get3A_55 = arith.constant 0 : index
    %get3A_56 = arith.constant 0 : index
    %get3A_57 = vector.load %arg6[%get3A_55, %get3A_56] : memref<1x128xf32, #tpu.memory_space<vmem>>, vector<1x128xf32>
    %mul3A_58 = vector.broadcast %get3A_57 : vector<1x128xf32> to vector<1280x128xf32>
    %mul3A_59 = arith.mulf %max3A_54, %mul3A_58 : vector<1280x128xf32>
    %slice3A_60 = vector.extract_strided_slice %mul3A_59 {offsets = [0, 0], sizes = [1280, 64], strides = [1, 1]} : vector<1280x128xf32> to vector<1280x64xf32>
    %reduce_sum3A = arith.constant dense<0.000000e+00> : vector<1280xf32>
    %reduce_sum3A_61 = vector.multi_reduction <add>, %slice3A_60, %reduce_sum3A [1] : vector<1280x64xf32> to vector<1280xf32>
    %broadcast_in_dim3A = vector.shape_cast %reduce_sum3A_61 : vector<1280xf32> to vector<1280x1xf32>
    %slice3A_62 = vector.extract_strided_slice %mul3A_59 {offsets = [0, 64], sizes = [1280, 64], strides = [1, 1]} : vector<1280x128xf32> to vector<1280x64xf32>
    %reduce_sum3A_63 = arith.constant dense<0.000000e+00> : vector<1280xf32>
    %reduce_sum3A_64 = vector.multi_reduction <add>, %slice3A_62, %reduce_sum3A_63 [1] : vector<1280x64xf32> to vector<1280xf32>
    %broadcast_in_dim3A_65 = vector.shape_cast %reduce_sum3A_64 : vector<1280xf32> to vector<1280x1xf32>
    %concatenate3A_66 = tpu.concatenate %broadcast_in_dim3A, %broadcast_in_dim3A_65 in 1 : vector<1280x1xf32>, vector<1280x1xf32> -> vector<1280x2xf32>
    %get3A_67 = arith.constant 0 : index
    %get3A_68 = arith.constant 0 : index
    %get3A_69 = vector.load %arg7[%get3A_67, %get3A_68] : memref<1x1xf32, #tpu.memory_space<vmem>>, vector<1x1xf32>
    %add3A_70 = vector.broadcast %get3A_69 : vector<1x1xf32> to vector<1280x2xf32>
    %add3A_71 = arith.addf %concatenate3A_66, %add3A_70 : vector<1280x2xf32>
    %swap3A = arith.constant 0 : index
    %swap3A_72 = arith.constant 0 : index
    %swap3A_73 = vector.load %arg8[%swap3A, %swap3A_72] : memref<1280x2xf32, #tpu.memory_space<vmem>>, vector<1280x2xf32>
    tpu.vector_store %arg8[%swap3A, %swap3A_72], %add3A_71 {strides = array<i32>} : memref<1280x2xf32, #tpu.memory_space<vmem>>, vector<1280x2xf32>,
    return
  }
  func.func @transform_0(%arg0: i32) -> (i32, i32, i32) {
    %c0_i32 = arith.constant 0 : i32
    %c0_i32_0 = arith.constant 0 : i32
    %c0_i32_1 = arith.constant 0 : i32
    return %c0_i32, %arg0, %c0_i32_0 : i32, i32, i32
  }
  func.func @transform_1(%arg0: i32) -> (i32, i32, i32) {
    %c0_i32 = arith.constant 0 : i32
    %c0_i32_0 = arith.constant 0 : i32
    %c0_i32_1 = arith.constant 0 : i32
    return %c0_i32, %arg0, %c0_i32_0 : i32, i32, i32
  }
  func.func @transform_2(%arg0: i32) -> (i32, i32) {
    %c0_i32 = arith.constant 0 : i32
    %c0_i32_0 = arith.constant 0 : i32
    return %arg0, %c0_i32 : i32, i32
  }
  func.func @transform_3(%arg0: i32) -> (i32, i32) {
    %c0_i32 = arith.constant 0 : i32
    %c0_i32_0 = arith.constant 0 : i32
    %c0_i32_1 = arith.constant 0 : i32
    return %c0_i32, %c0_i32_0 : i32, i32
  }
  func.func @transform_4(%arg0: i32) -> (i32, i32) {
    %c0_i32 = arith.constant 0 : i32
    %c0_i32_0 = arith.constant 0 : i32
    %c0_i32_1 = arith.constant 0 : i32
    return %c0_i32, %c0_i32_0 : i32, i32
  }
  func.func @transform_5(%arg0: i32) -> (i32, i32) {
    %c0_i32 = arith.constant 0 : i32
    %c0_i32_0 = arith.constant 0 : i32
    %c0_i32_1 = arith.constant 0 : i32
    return %c0_i32, %c0_i32_0 : i32, i32
  }
  func.func @transform_6(%arg0: i32) -> (i32, i32) {
    %c0_i32 = arith.constant 0 : i32
    %c0_i32_0 = arith.constant 0 : i32
    %c0_i32_1 = arith.constant 0 : i32
    return %c0_i32, %c0_i32_0 : i32, i32
  }
  func.func @transform_7(%arg0: i32) -> (i32, i32) {
    %c0_i32 = arith.constant 0 : i32
    %c0_i32_0 = arith.constant 0 : i32
    return %arg0, %c0_i32 : i32, i32
  }
}

</mosaic_0001>

<sc_bundles>
// kernel: kernel.12.cloned.1.call-start
scs
__scs_entry_jumppad:
0x0: {  	(pc) =	sbr.rel $0x88, $3  }
0x1: {  	(tag) =	ssettag $0x0;
	lr =	simm.s32 $0x1  }
0x2: {  	[smem:$0x3F8F] =	sst lr;
	_ =	strace $0xD0000000  }
0x3: {  	_ = 	snop  }
0x4: {  	_ = 	snop  }
0x5: {  	_ = 	snop  }
0x6: {  	_ = 	snop  }
0x7: {  	_ = 	snop  }
__scs_overlays_trampoline_lowered:
0x8: {  	[smem:$0x3F9E] =	sst s0  }
0x9: {  	[smem:$0x3F9F] =	sst s1  }
0xa: {  	[smem:$0x3FA0] =	sst s2  }
0xb: {  	[smem:$0x3FA1] =	sst s3  }
0xc: {  	[smem:$0x3FA2] =	sst s4  }
0xd: {  	[smem:$0x3FA3] =	sst s5  }
0xe: {  	[smem:$0x3FA4] =	sst s6  }
0xf: {  	[smem:$0x3FA5] =	sst s7  }
0x10: {  	[smem:$0x3FA6] =	sst s8  }
0x11: {  	[smem:$0x3FA7] =	sst s9;
	s0 =	simm.s32 @!p0 $0x0  }
0x12: {  	s1 =	sld [smem:$0x3F8D];
	s0 =	simm.s32 @p0 $0x1  }
0x13: {  	[smem:$0x3FA8] =	sst s0;
	s0 =	simm.s32 @!p1 $0x0  }
0x14: {  	s2 =	sld [smem:$0x3F8C];
	s0 =	simm.s32 @p1 $0x1  }
0x15: {  	[smem:$0x3FA9] =	sst s0;
	s0 =	simm.s32 @!p2 $0x0  }
0x16: {  	s3 =	sld [smem:$0x3FDB];
	s0 =	simm.s32 @p2 $0x1  }
0x17: {  	s4 =	simm.s32 $0x1BF5;
	[smem:$0x3FAB] =	sst s0  }
0x18: {  	s0 =	sld [smem:$0x3F8E];
	_ =	swait.ge [sflag:s4], $0x0  }
0x19: {  	s7 =	sld [smem:$0x3F8F]  }
0x1a: {  	s8 =	sadd.s32 $0xFFFFE003, lr  }
0x1b: {  	s9 =	sadd.s32 $0xFFFFFEF7, lr;
	s5 =	simm.s32 $0xFFFFFFFF;
	p2 =	slt.u32 s8, $0xFFFFF086  }
0x1c: {  	p1 =	slt.u32 s9, $0xF7A;
	s5 =	simm.s32 @!p2 $0x0  }
0x1d: {  	s5 =	simm.s32 @p1 $0x1;
	p0 =	seq.s32 s7, s2  }
0x1e: {  	s7 =	smul.u32 @!p0 $0xF7A, s2;
	p2 =	seq.s32 @!p0 s5, $0x0  }
0x1f: {  	s9 =	smul.u32 $0xF7A, s1;
	s8 =	simm.s32 @!p0 $0x1BF5;
	p2 =	por !p2, p0  }
0x20: {  	[sflag:s8] =	ssyncset.s32 @!p0 $0xFFFFF086;
	s6 =	sadd.s32 @!p0 s3, s7;
	s7 =	simm.s32 @!p0 $0x108  }
0x21: {  	s3 =	sadd.s32 s3, s9;
	s6 =	sadd.s32 @!p0 $0x88, s6;
	s7 =	simm.s32 @p2 $0x1082  }
0x22: {  	[simem:s7], [sflag:s8] =	dma.local @!p0 [hbm:s6], $0xF7A  }
0x23: {  	s9 =	sor.u32 $0xD0000000, s2;
	s6 =	simm.s32 $0x108;
	_ =	swait.ge @!p0 [sflag:s8], $0x0  }
0x24: {  	s3 =	sadd.s32 $0x88, s3;
	s6 =	simm.s32 @!p1 $0x1082;
	[sflag:s4] =	ssyncset.s32 $0xFFFFF086  }
0x25: {  	[simem:s6], [sflag:s4] =	dma.local [hbm:s3], $0xF7A  }
0x26: {  	[smem:$0x3F8F] =	sst s1;
	(tag) =	ssettag s2;
	_ =	strace s9  }
0x27: {  	s1 =	sld [smem:$0x3F9F]  }
0x28: {  	s2 =	sld [smem:$0x3FA0]  }
0x29: {  	s4 =	sld [smem:$0x3FA2]  }
0x2a: {  	p0 =	seq.s32 s5, $0x0;
	s5 =	sld [smem:$0x3FA3]  }
0x2b: {  	s6 =	sld [smem:$0x3FA4]  }
0x2c: {  	s7 =	sld [smem:$0x3FA5]  }
0x2d: {  	s3 =	simm.s32 $0x108;
	s8 =	sld [smem:$0x3FA6]  }
0x2e: {  	s3 =	simm.s32 @!p0 $0x1082;
	s9 =	sld [smem:$0x3FA7]  }
0x2f: {  	lr =	sadd.s32 s0, s3;
	s0 =	sld [smem:$0x3F9E]  }
0x30: {  	s3 =	sld [smem:$0x3FA1]  }
0x31: {  	[smem:$0x3FAA] =	sst s10  }
0x32: {  	s10 =	sld [smem:$0x3FA8];
	_ =	sdelay $0x3  }
0x33: {  	p0 =	seq.s32 s10, $0x1;
	s10 =	sld [smem:$0x3FAA];
	_ =	sdelay $0x3  }
0x34: {  	[smem:$0x3FAA] =	sst s10  }
0x35: {  	s10 =	sld [smem:$0x3FA9];
	_ =	sdelay $0x3  }
0x36: {  	p1 =	seq.s32 s10, $0x1;
	s10 =	sld [smem:$0x3FAA];
	_ =	sdelay $0x3  }
0x37: {  	[smem:$0x3FAA] =	sst s10  }
0x38: {  	s10 =	sld [smem:$0x3FAB]  }
0x39: {  	_ = 	snop;
	(pc) =	sbr.ind lr, $3  }
0x3a: {  	_ = 	snop  }
0x3b: {  	_ = 	snop  }
0x3c: {  	p2 =	seq.s32 s10, $0x1;
	s10 =	sld [smem:$0x3FAA]  }
0x3d: {  	_ =	shalt  }
0x3e: {  	_ =	shalt  }
0x3f: {  	_ =	shalt  }
0x40: {  	_ =	shalt  }
0x41: {  	_ =	shalt  }
0x42: {  	_ =	shalt  }
0x43: {  	_ =	shalt  }
0x44: {  	_ =	shalt  }
0x45: {  	_ =	shalt  }
0x46: {  	_ =	shalt  }
0x47: {  	_ =	shalt  }
0x48: {  	_ =	shalt  }
0x49: {  	_ =	shalt  }
0x4a: {  	_ =	shalt  }
0x4b: {  	_ =	shalt  }
0x4c: {  	_ =	shalt  }
0x4d: {  	_ =	shalt  }
0x4e: {  	_ =	shalt  }
0x4f: {  	_ =	shalt  }
0x50: {  	_ =	shalt  }
0x51: {  	_ =	shalt  }
0x52: {  	_ =	shalt  }
0x53: {  	_ =	shalt  }
0x54: {  	_ =	shalt  }
0x55: {  	_ =	shalt  }
0x56: {  	_ =	shalt  }
0x57: {  	_ =	shalt  }
0x58: {  	_ =	shalt  }
0x59: {  	_ =	shalt  }
0x5a: {  	_ =	shalt  }
0x5b: {  	_ =	shalt  }
0x5c: {  	_ =	shalt  }
0x5d: {  	_ =	shalt  }
0x5e: {  	_ =	shalt  }
0x5f: {  	_ =	shalt  }
0x60: {  	_ =	shalt  }
0x61: {  	_ =	shalt  }
0x62: {  	_ =	shalt  }
0x63: {  	_ =	shalt  }
0x64: {  	_ =	shalt  }
0x65: {  	_ =	shalt  }
0x66: {  	_ =	shalt  }
0x67: {  	_ =	shalt  }
0x68: {  	_ =	shalt  }
0x69: {  	_ =	shalt  }
0x6a: {  	_ =	shalt  }
0x6b: {  	_ =	shalt  }
0x6c: {  	_ =	shalt  }
0x6d: {  	_ =	shalt  }
0x6e: {  	_ =	shalt  }
0x6f: {  	_ =	shalt  }
0x70: {  	_ =	shalt  }
0x71: {  	_ =	shalt  }
0x72: {  	_ =	shalt  }
0x73: {  	_ =	shalt  }
0x74: {  	_ =	shalt  }
0x75: {  	_ =	shalt  }
0x76: {  	_ =	shalt  }
0x77: {  	_ =	shalt  }
0x78: {  	_ =	shalt  }
0x79: {  	_ =	shalt  }
0x7a: {  	_ =	shalt  }
0x7b: {  	_ =	shalt  }
0x7c: {  	_ =	shalt  }
0x7d: {  	_ =	shalt  }
0x7e: {  	_ =	shalt  }
0x7f: {  	_ =	shalt  }
0x80: {  	_ =	shalt  }
0x81: {  	_ =	shalt  }
0x82: {  	_ =	shalt  }
0x83: {  	_ =	shalt  }
0x84: {  	_ =	shalt  }
0x85: {  	_ =	shalt  }
0x86: {  	_ =	shalt  }
0x87: {  	_ =	shalt  }
.Lfunc_end0:
.L_simem_size_0:
called_computation.1_lowered:
.L_overlay_start_0:
0x88: {  	s2 =	sld [smem:$0x3FD9]  }
0x89: {  	s3 =	sld [smem:$0x3FFE];
	_ =	sdelay $0x1  }
0x8a: {  	s1 =	srdreg.scid  }
0x8b: {  	s0 =	sand.u32 $0x1, s1  }
0x8c: {  	s16 =	sshll.u32 s0, $0xA;
	s2 =	sadd.s32 s3, s2  }
0x8d: {  	s2 =	sadd.s32 s2, s16  }
0x8e: {  	[smem:$0x3FB6] =	sst s2  }
0x8f: {  	_ = 	snop  }
0x90: {  	(tm) =	ssettm $0x1  }
0x91: {  	s17 =	sld [smem:$0x3FFB];
	_ =	sdelay $0x3  }
0x92: {  	_ =	strace s17  }
0x93: {  	s2 =	sld [smem:$0x3FFC];
	_ =	sdelay $0x3  }
0x94: {  	_ =	strace s2  }
0x95: {  	s2 =	sld [smem:$0x3FFD];
	_ =	sdelay $0x3  }
0x96: {  	_ =	strace s2  }
0x97: {  	_ =	strace $0x8FFFFFFF  }
0x98: {  	s18 =	sld [smem:$0x3FDB];
	_ =	sdelay $0x1  }
0x99: {  	s19 =	simm.s32 $_scs_section_size  }
0x9a: {  	s4 =	simm.s32 $_size__tile_overlayer_lowered;
	s5 =	simm.s32 $_tile_overlayer_lowered  }
0x9b: {  	s22 =	simm.s32 $0x1BFF;
	s21 =	sshll.u32 s5, $0x1;
	s2 =	sadd.s32 s19, s18  }
0x9c: {  	s6 =	simm.s32 $0x0;
	s20 =	sshll.u32 s4, $0x1;
	s4 =	sadd.s32 s21, s2  }
0x9d: {  	[timem:s6], [sflag:s22] =	dma.local [hbm:s4], s20  }
0x9e: {  	_ =	swait.ge [sflag:s22], s20  }
0x9f: {  	s3 =	ssub.s32 $0x0, s20;
	[sflag:s22] =	ssyncset.done $0x0  }
0xa0: {  	[sflag:s22] =	ssyncadd.s32 s3;
	_ =	sdelay $0x1  }
0xa1: {  	s23 =	simm.s32 $0x1B8B  }
0xa2: {  	_ =	swait.ge [sflag:s23], $0x1  }
0xa3: {  	[sflag:s23] =	ssyncset.done $0x0  }
0xa4: {  	s25 =	simm.s32 $0x1B8E;
	s24 =	sld [smem:$0x3FFE];
	[sflag:s23] =	ssyncadd.s32 $0xFFFFFFFF  }
0xa5: {  	s26 =	simm.s32 $execute0_lowered;
	[smem:$0x3FD2] =	sst s25  }
0xa6: {  	s4 =	sshll.u32 s26, $0x1;
	_ =	strace $0x80000049;
	[dreg:$0x1] =	wrdreg $0xFFFFFFFF  }
0xa7: {  	s28 =	simm.s32 $_size_execute0_lowered;
	s2 =	sadd.s32 s2, s4;
	[dreg:$0x0] =	wrdreg $0x0  }
0xa8: {  	s4 =	sshll.u32 s28, $0x1;
	[dreg:$0x2] =	wrdreg s2  }
0xa9: {  	[dreg:$0x3] =	wrdreg s4  }
0xaa: {  	[dreg:$0x4] =	wrdreg $0xC0  }
0xab: {  	_ =	task [dreg:s6], $0x5FFFF  }
0xac: {  	[dreg:$0x1] =	wrdreg $0xFFFFFFFF  }
0xad: {  	[dreg:$0x0] =	wrdreg $0x60  }
0xae: {  	[dreg:$0x2] =	wrdreg s24  }
0xaf: {  	[dreg:$0x3] =	wrdreg $0x0  }
0xb0: {  	[dreg:$0x4] =	wrdreg $0x9  }
0xb1: {  	_ =	task.clear_ibuf [dreg:s6], $0x5FFFF;
	_ =	strace $0x90000049  }
0xb2: {  	s29 =	simm.s32 $0x9;
	_ =	strace $0x8000004B  }
0xb3: {  	_ =	swait.ge [sflag:s29], $0x1  }
0xb4: {  	[sflag:s29] =	ssyncadd.s32 $0xFFFFFFFF  }
0xb5: {  	_ =	strace $0x9000004B  }
0xb6: {  	_ =	sfence  }
0xb7: {  	s30 =	sld [smem:$0x0];
	_ =	sdelay $0x2  }
0xb8: {  	s31 =	sshll.u32 s1, $0xD;
	s1 =	sshrl.u32 s1, $0x2  }
0xb9: {  	s3 =	sand.u32 $0x4000, s31;
	s1 =	sadd.s32 s1, s30  }
0xba: {  	s0 =	sor.u32 s3, s0;
	s1 =	sshll.u32 s1, $0x11  }
0xbb: {  	s0 =	sor.u32 s1, s0  }
0xbc: {  	s0 =	sadd.s32 $0x8F2B, s0  }
0xbd: {  	[sflag:s0] =	ssyncadd.remote.s32 $0x1  }
0xbe: {  	_ =	sfence.sel $0xFFFF  }
0xbf: {  	[dreg:$0x0] =	wrdreg $0xFFFFFFFF;
	(pc) =	sbr.abs _section_cstart, $3  }
0xc0: {  	[dreg:$0x1] =	wrdreg $0xFFFFFFFF  }
0xc1: {  	_ =	task.clear_ibuf [dreg:s6], $0x2FFFF;
	_ =	strace $0x9FFFFFFF  }
0xc2: {  	(tm) =	ssettm $0x7FFFFFFF  }
0xc3: {  	_ =	shalt  }
tec
execute0_lowered:
.L_overlay_start_1:
0x0: {  	(tag) =	ssettag $0x1  }
0x1: {  	s0 =	srdreg.scid;
	s1 =	rddreg [dreg:$0x0]  }
0x2: {  	s2 =	rddreg [dreg:$0x1];
	s9 =	stileid.u32;
	s3 =	simm.s32 $0x0  }
0x3: {  	s18 =	simm.s32 $0xA000;
	s19 =	simm.s32 $0xB;
	s28 =	simm.s32 $0x12000  }
0x4: {  	s30 =	simm.s32 $0x14000;
	s29 =	simm.s32 $0x2;
	s31 =	simm.s32 $0x3  }
0x5: {  	s0 =	sand.u32 $0x1, s0;
	[smem:$0x7FF] =	sst s3;
	s7 =	smul.u32 $0x28000, s9  }
0x6: {  	s12 =	smul.u32 $0xA000, s9;
	s4 =	sshll.u32 s0, $0x4;
	_ =	strace $0x8000004A  }
0x7: {  	s6 =	smul.u32 $0x14000, s0;
	s0 =	ssub.s32 $0x2, s0;
	s4 =	sor.u32 s9, s4  }
0x8: {  	s10 =	sshrl.u32 s0, $0x1;
	s11 =	sshrl.u32 s7, $0x2;
	s5 =	smul.u32 $0x500, s4  }
0x9: {  	s15 =	sshrl.u32 s12, $0x3;
	s7 =	simm.s32 $0x6;
	s0 =	ssub.s32 s0, s10  }
0xa: {  	s9 =	simm.s32 $0x8;
	s0 =	smax.u32 s0, $0x1;
	s8 =	sadd.s32 s5, s1  }
0xb: {  	s4 =	sadd.s32 $0x3C00, s1;
	[dreg:$0x5] =	wrdreg s0;
	s13 =	sadd.s32 $0x17600, s8  }
0xc: {  	s5 =	sadd.s32 s11, s2;
	s14 =	sadd.s32 $0x21600, s8;
	[dreg:$0x3] =	wrdreg s13  }
0xd: {  	s10 =	simm.s32 $0x9;
	s20 =	sadd.s32 $0x1000, s5;
	[dreg:$0x4] =	wrdreg s14  }
0xe: {  	s1 =	sadd.s32 s6, s1;
	s21 =	sadd.s32 $0x2000, s5;
	[dreg:$0x6] =	wrdreg s20  }
0xf: {  	s6 =	sadd.s32 s12, s2;
	s22 =	sadd.s32 $0x3000, s5;
	[dreg:$0x7] =	wrdreg s21  }
0x10: {  	s0 =	simm.s32 $0x16000;
	s23 =	sadd.s32 $0x4000, s5;
	[dreg:$0x8] =	wrdreg s22  }
0x11: {  	s11 =	simm.s32 $0xA;
	s24 =	sadd.s32 $0x5000, s5;
	[dreg:$0x9] =	wrdreg s23  }
0x12: {  	s1 =	sadd.s32 $0x2B600, s1;
	s25 =	sadd.s32 $0x6000, s5;
	[dreg:$0xa] =	wrdreg s24  }
0x13: {  	s26 =	sadd.s32 $0x7000, s5;
	s16 =	sadd.s32 $0x8000, s5;
	[dreg:$0xb] =	wrdreg s25  }
0x14: {  	s17 =	sadd.s32 $0x9000, s5;
	s8 =	simm.s32 $0x7;
	[dreg:$0xc] =	wrdreg s26  }
0x15: {  	s20 =	simm.s32 $0xB000;
	s22 =	simm.s32 $0x80;
	s23 =	sadd.s32 s15, s1  }
0x16: {  	s24 =	simm.s32 $0x10000;
	s25 =	sshrl.u32 s6, $0x3;
	s21 =	simm.s32 $0x18000  }
0x17: {  	v0 =	vimm.f32 $0.0e+00;
	s26 =	simm.s32 $0x1;
	s1 =	simm.s32 $0x4;
	s6 =	simm.s32 $0x5  }
.LBB2_1:
0x18: {  	s13 =	simm.s32 $0x100;
	s12 =	simm.s32 $0x0  }
.LBB2_2:
0x19: {  	p0 =	sne.s32 s13, $0x3F00;
	[tilespmem:s12+$0xA030] =	vst v0;
	s14 =	smov.u32 s13;
	s13 =	sadd.s32 $0x100, s13  }
.Ltmp0:
0x1a: {  	[tilespmem:s12+$0xA020] =	vst v0;
	(pc) =	sbr.rel @p0 .LBB2_2-.Ltmp0, $3  }
0x1b: {  	[tilespmem:s12+$0xA000] =	vst v0  }
0x1c: {  	[tilespmem:s12+$0xA010] =	vst v0;
	_ =	sdelay $0x1  }
0x1d: {  	s12 =	sshra.s32 s14, $0x2  }
0x1e: {  	[tilespmem:s12+$0xA030] =	vst v0  }
0x1f: {  	[tilespmem:s12+$0xA020] =	vst v0  }
0x20: {  	[tilespmem:s12+$0xA000] =	vst v0  }
0x21: {  	[tilespmem:s12+$0xA010] =	vst v0  }
0x22: {  	[spmem:s5] =	stream.linear.scatter [tilespmem:s18], [sflag:$0xB], $0x1000, $0x38;
	[tilespmem:$0x1A000] =	vst v63  }
0x23: {  	_ =	swait.ge [sflag:s19], $0x1000  }
0x24: {  	[sflag:s19] =	ssyncset.done $0x0  }
0x25: {  	s14 =	rddreg [dreg:$0x6];
	[sflag:s19] =	ssyncadd.s32 $0xFFFFF000  }
0x26: {  	[spmem:s14] =	stream.linear.scatter [tilespmem:s18], [sflag:$0xB], $0x1000, $0x38;
	[tilespmem:$0x1A000] =	vst v63  }
0x27: {  	_ =	swait.ge [sflag:s19], $0x1000  }
0x28: {  	[sflag:s19] =	ssyncset.done $0x0  }
0x29: {  	s15 =	rddreg [dreg:$0x7];
	[sflag:s19] =	ssyncadd.s32 $0xFFFFF000  }
0x2a: {  	[spmem:s15] =	stream.linear.scatter [tilespmem:s18], [sflag:$0xB], $0x1000, $0x38;
	[tilespmem:$0x1A000] =	vst v63  }
0x2b: {  	_ =	swait.ge [sflag:s19], $0x1000  }
0x2c: {  	[sflag:s19] =	ssyncset.done $0x0  }
0x2d: {  	s13 =	rddreg [dreg:$0x8];
	[sflag:s19] =	ssyncadd.s32 $0xFFFFF000  }
0x2e: {  	[spmem:s13] =	stream.linear.scatter [tilespmem:s18], [sflag:$0xB], $0x1000, $0x38;
	[tilespmem:$0x1A000] =	vst v63  }
0x2f: {  	_ =	swait.ge [sflag:s19], $0x1000  }
0x30: {  	[sflag:s19] =	ssyncset.done $0x0  }
0x31: {  	s14 =	rddreg [dreg:$0x9];
	[sflag:s19] =	ssyncadd.s32 $0xFFFFF000  }
0x32: {  	[spmem:s14] =	stream.linear.scatter [tilespmem:s18], [sflag:$0xB], $0x1000, $0x38;
	[tilespmem:$0x1A000] =	vst v63  }
0x33: {  	_ =	swait.ge [sflag:s19], $0x1000  }
0x34: {  	[sflag:s19] =	ssyncset.done $0x0  }
0x35: {  	s15 =	rddreg [dreg:$0xa];
	[sflag:s19] =	ssyncadd.s32 $0xFFFFF000  }
0x36: {  	[spmem:s15] =	stream.linear.scatter [tilespmem:s18], [sflag:$0xB], $0x1000, $0x38;
	[tilespmem:$0x1A000] =	vst v63  }
0x37: {  	_ =	swait.ge [sflag:s19], $0x1000  }
0x38: {  	[sflag:s19] =	ssyncset.done $0x0  }
0x39: {  	s13 =	rddreg [dreg:$0xb];
	[sflag:s19] =	ssyncadd.s32 $0xFFFFF000  }
0x3a: {  	[spmem:s13] =	stream.linear.scatter [tilespmem:s18], [sflag:$0xB], $0x1000, $0x38;
	[tilespmem:$0x1A000] =	vst v63  }
0x3b: {  	_ =	swait.ge [sflag:s19], $0x1000  }
0x3c: {  	[sflag:s19] =	ssyncset.done $0x0  }
0x3d: {  	s14 =	rddreg [dreg:$0xc];
	[sflag:s19] =	ssyncadd.s32 $0xFFFFF000  }
0x3e: {  	[spmem:s14] =	stream.linear.scatter [tilespmem:s18], [sflag:$0xB], $0x1000, $0x38;
	[tilespmem:$0x1A000] =	vst v63  }
0x3f: {  	_ =	swait.ge [sflag:s19], $0x1000  }
0x40: {  	[sflag:s19] =	ssyncset.done $0x0  }
0x41: {  	[sflag:s19] =	ssyncadd.s32 $0xFFFFF000  }
0x42: {  	[spmem:s16] =	stream.linear.scatter [tilespmem:s18], [sflag:$0xB], $0x1000, $0x38;
	[tilespmem:$0x1A000] =	vst v63  }
0x43: {  	_ =	swait.ge [sflag:s19], $0x1000  }
0x44: {  	[sflag:s19] =	ssyncset.done $0x0  }
0x45: {  	[sflag:s19] =	ssyncadd.s32 $0xFFFFF000  }
0x46: {  	[spmem:s17] =	stream.linear.scatter [tilespmem:s18], [sflag:$0xB], $0x1000, $0x38;
	[tilespmem:$0x1A000] =	vst v63  }
0x47: {  	_ =	swait.ge [sflag:s19], $0x1000  }
0x48: {  	[sflag:s19] =	ssyncset.done $0x0  }
0x49: {  	s12 =	simm.s32 $0x0;
	s13 =	rddreg [dreg:$0x3];
	[sflag:s19] =	ssyncadd.s32 $0xFFFFF000  }
0x4a: {  	[tilespmem:s20], [sflag:$0xB] =	stream.linear.gather [hbm4b:s13+s12], $0x2800, $0x38;
	[tilespmem:$0x1A000] =	vst v63  }
0x4b: {  	_ =	swait.ge [sflag:s19], $0x2800  }
0x4c: {  	[sflag:s19] =	ssyncset.done $0x0  }
0x4d: {  	s14 =	simm.s32 $0xD800;
	s15 =	rddreg [dreg:$0x4];
	[sflag:s19] =	ssyncadd.s32 $0xFFFFD800  }
0x4e: {  	[tilespmem:s14], [sflag:$0xB] =	stream.linear.gather [hbm4b:s15+s12], $0x2800, $0x38;
	[tilespmem:$0x1A000] =	vst v63  }
0x4f: {  	_ =	swait.ge [sflag:s19], $0x2800  }
0x50: {  	[sflag:s19] =	ssyncset.done $0x0  }
0x51: {  	[sflag:s19] =	ssyncadd.s32 $0xFFFFD800  }
0x52: {  	[bflag:$0x0] =	sbarrier.arrive $0xFFFF  }
0x53: {  	[tilespmem:s24], [sflag:$0x1] =	stream.indirect.gather [hbm4b:s4+s22], $0x40, s20, s22, $0xb8;
	[tilespmem:$0x1A000] =	vst v63  }
0x54: {  	s15 =	simm.s32 $0xB080  }
0x55: {  	[tilespmem:s28], [sflag:$0x2] =	stream.indirect.gather [hbm4b:s4+s22], $0x40, s15, s22, $0xb8;
	[tilespmem:$0x1A000] =	vst v63  }
0x56: {  	s13 =	simm.s32 $0xB100  }
0x57: {  	[tilespmem:s30], [sflag:$0x3] =	stream.indirect.gather [hbm4b:s4+s22], $0x40, s13, s22, $0xb8;
	[tilespmem:$0x1A000] =	vst v63  }
0x58: {  	s14 =	simm.s32 $0xB180  }
0x59: {  	[tilespmem:s0], [sflag:$0x4] =	stream.indirect.gather [hbm4b:s4+s22], $0x40, s14, s22, $0xb8;
	[tilespmem:$0x1A000] =	vst v63  }
0x5a: {  	s15 =	simm.s32 $0xB200  }
0x5b: {  	[tilespmem:s21], [sflag:$0x5] =	stream.indirect.gather [hbm4b:s4+s22], $0x40, s15, s22, $0xb8;
	[tilespmem:$0x1A000] =	vst v63  }
0x5c: {  	_ =	swait.ge [sflag:s26], $0x2000  }
0x5d: {  	[sflag:s26] =	ssyncset.done $0x0  }
0x5e: {  	s13 =	simm.s32 $0xD800;
	[sflag:s26] =	ssyncadd.s32 $0xFFFFE000  }
0x5f: {  	[spmem:s2] =	stream.indirect.scatter.add.f32 [tilespmem:s24], [sflag:$0x6], $0x40, s13, s22, $0xb8;
	[tilespmem:$0x1A000] =	vst v63  }
0x60: {  	_ =	swait.ge [sflag:s29], $0x2000  }
0x61: {  	[sflag:s29] =	ssyncset.done $0x0  }
0x62: {  	s14 =	simm.s32 $0xD880;
	[sflag:s29] =	ssyncadd.s32 $0xFFFFE000  }
0x63: {  	[spmem:s2] =	stream.indirect.scatter.add.f32 [tilespmem:s28], [sflag:$0x7], $0x40, s14, s22, $0xb8;
	[tilespmem:$0x1A000] =	vst v63  }
0x64: {  	_ =	swait.ge [sflag:s31], $0x2000  }
0x65: {  	[sflag:s31] =	ssyncset.done $0x0  }
0x66: {  	s15 =	simm.s32 $0xD900;
	[sflag:s31] =	ssyncadd.s32 $0xFFFFE000  }
0x67: {  	[spmem:s2] =	stream.indirect.scatter.add.f32 [tilespmem:s30], [sflag:$0x8], $0x40, s15, s22, $0xb8;
	[tilespmem:$0x1A000] =	vst v63  }
0x68: {  	_ =	swait.ge [sflag:s1], $0x2000  }
0x69: {  	[sflag:s1] =	ssyncset.done $0x0  }
0x6a: {  	s13 =	simm.s32 $0xD980;
	[sflag:s1] =	ssyncadd.s32 $0xFFFFE000  }
0x6b: {  	[spmem:s2] =	stream.indirect.scatter.add.f32 [tilespmem:s0], [sflag:$0x9], $0x40, s13, s22, $0xb8;
	[tilespmem:$0x1A000] =	vst v63  }
0x6c: {  	s12 =	simm.s32 $0x1;
	_ =	swait.ge [sflag:s6], $0x2000  }
0x6d: {  	s14 =	smin.u32 s12, $0xF;
	[sflag:s6] =	ssyncset.done $0x0  }
0x6e: {  	s15 =	simm.s32 $0xDA00;
	s13 =	smul.u32 $0xA00, s14;
	[sflag:s6] =	ssyncadd.s32 $0xFFFFE000  }
0x6f: {  	[spmem:s2] =	stream.indirect.scatter.add.f32 [tilespmem:s21], [sflag:$0xA], $0x40, s15, s22, $0xb8;
	[tilespmem:$0x1A000] =	vst v63  }
0x70: {  	_ =	swait.ge [sflag:s7], $0x2000  }
0x71: {  	s14 =	sshrl.u32 s13, $0x2;
	[sflag:s7] =	ssyncset.done $0x0  }
0x72: {  	s13 =	sadd.s32 $0xB000, s14;
	[sflag:s7] =	ssyncadd.s32 $0xFFFFE000  }
0x73: {  	[tilespmem:s24], [sflag:$0x1] =	stream.indirect.gather [hbm4b:s4+s22], $0x40, s13, s22, $0xb8;
	[tilespmem:$0x1A000] =	vst v63  }
0x74: {  	_ =	swait.ge [sflag:s8], $0x2000  }
0x75: {  	[sflag:s8] =	ssyncset.done $0x0  }
0x76: {  	s15 =	sadd.s32 $0xB080, s14;
	[sflag:s8] =	ssyncadd.s32 $0xFFFFE000  }
0x77: {  	[tilespmem:s28], [sflag:$0x2] =	stream.indirect.gather [hbm4b:s4+s22], $0x40, s15, s22, $0xb8;
	[tilespmem:$0x1A000] =	vst v63  }
0x78: {  	_ =	swait.ge [sflag:s9], $0x2000  }
0x79: {  	[sflag:s9] =	ssyncset.done $0x0  }
0x7a: {  	s15 =	sadd.s32 $0xB100, s14;
	[sflag:s9] =	ssyncadd.s32 $0xFFFFE000  }
0x7b: {  	[tilespmem:s30], [sflag:$0x3] =	stream.indirect.gather [hbm4b:s4+s22], $0x40, s15, s22, $0xb8;
	[tilespmem:$0x1A000] =	vst v63  }
0x7c: {  	_ =	swait.ge [sflag:s10], $0x2000  }
0x7d: {  	[sflag:s10] =	ssyncset.done $0x0  }
0x7e: {  	s15 =	sadd.s32 $0xB180, s14;
	[sflag:s10] =	ssyncadd.s32 $0xFFFFE000  }
0x7f: {  	[tilespmem:s0], [sflag:$0x4] =	stream.indirect.gather [hbm4b:s4+s22], $0x40, s15, s22, $0xb8;
	[tilespmem:$0x1A000] =	vst v63  }
0x80: {  	_ =	swait.ge [sflag:s11], $0x2000  }
0x81: {  	s13 =	simm.s32 $0xA00;
	s14 =	sadd.s32 $0xB200, s14;
	[sflag:s11] =	ssyncset.done $0x0  }
.LBB2_4:
0x82: {  	p0 =	sne.s32 s13, $0x9600;
	[sflag:s11] =	ssyncadd.s32 $0xFFFFE000;
	s12 =	sadd.s32 $0x1, s12  }
0x83: {  	[tilespmem:s21], [sflag:$0x5] =	stream.indirect.gather [hbm4b:s4+s22], $0x40, s14, s22, $0xb8;
	[tilespmem:$0x1A000] =	vst v63  }
0x84: {  	s14 =	sshra.s32 s13, $0x2;
	s13 =	sadd.s32 $0xA00, s13;
	_ =	swait.ge [sflag:s26], $0x2000  }
0x85: {  	s15 =	sadd.s32 $0xD800, s14;
	[sflag:s26] =	ssyncset.done $0x0  }
0x86: {  	[sflag:s26] =	ssyncadd.s32 $0xFFFFE000  }
0x87: {  	[spmem:s2] =	stream.indirect.scatter.add.f32 [tilespmem:s24], [sflag:$0x6], $0x40, s15, s22, $0xb8;
	[tilespmem:$0x1A000] =	vst v63  }
0x88: {  	_ =	swait.ge [sflag:s29], $0x2000  }
0x89: {  	s15 =	sadd.s32 $0xD880, s14;
	[sflag:s29] =	ssyncset.done $0x0  }
0x8a: {  	[sflag:s29] =	ssyncadd.s32 $0xFFFFE000  }
0x8b: {  	[spmem:s2] =	stream.indirect.scatter.add.f32 [tilespmem:s28], [sflag:$0x7], $0x40, s15, s22, $0xb8;
	[tilespmem:$0x1A000] =	vst v63  }
0x8c: {  	_ =	swait.ge [sflag:s31], $0x2000  }
0x8d: {  	s15 =	sadd.s32 $0xD900, s14;
	[sflag:s31] =	ssyncset.done $0x0  }
0x8e: {  	[sflag:s31] =	ssyncadd.s32 $0xFFFFE000  }
0x8f: {  	[spmem:s2] =	stream.indirect.scatter.add.f32 [tilespmem:s30], [sflag:$0x8], $0x40, s15, s22, $0xb8;
	[tilespmem:$0x1A000] =	vst v63  }
0x90: {  	_ =	swait.ge [sflag:s1], $0x2000  }
0x91: {  	s15 =	sadd.s32 $0xD980, s14;
	[sflag:s1] =	ssyncset.done $0x0  }
0x92: {  	[sflag:s1] =	ssyncadd.s32 $0xFFFFE000  }
0x93: {  	[spmem:s2] =	stream.indirect.scatter.add.f32 [tilespmem:s0], [sflag:$0x9], $0x40, s15, s22, $0xb8;
	[tilespmem:$0x1A000] =	vst v63  }
0x94: {  	_ =	swait.ge [sflag:s6], $0x2000  }
0x95: {  	s14 =	sadd.s32 $0xDA00, s14;
	s15 =	smin.u32 s12, $0xF;
	[sflag:s6] =	ssyncset.done $0x0  }
0x96: {  	s15 =	smul.u32 $0xA00, s15;
	[sflag:s6] =	ssyncadd.s32 $0xFFFFE000  }
0x97: {  	[spmem:s2] =	stream.indirect.scatter.add.f32 [tilespmem:s21], [sflag:$0xA], $0x40, s14, s22, $0xb8;
	[tilespmem:$0x1A000] =	vst v63  }
0x98: {  	s14 =	sshrl.u32 s15, $0x2;
	_ =	swait.ge [sflag:s7], $0x2000  }
0x99: {  	s15 =	sadd.s32 $0xB000, s14;
	[sflag:s7] =	ssyncset.done $0x0  }
0x9a: {  	[sflag:s7] =	ssyncadd.s32 $0xFFFFE000  }
0x9b: {  	[tilespmem:s24], [sflag:$0x1] =	stream.indirect.gather [hbm4b:s4+s22], $0x40, s15, s22, $0xb8;
	[tilespmem:$0x1A000] =	vst v63  }
0x9c: {  	_ =	swait.ge [sflag:s8], $0x2000  }
0x9d: {  	s15 =	sadd.s32 $0xB080, s14;
	[sflag:s8] =	ssyncset.done $0x0  }
0x9e: {  	[sflag:s8] =	ssyncadd.s32 $0xFFFFE000  }
0x9f: {  	[tilespmem:s28], [sflag:$0x2] =	stream.indirect.gather [hbm4b:s4+s22], $0x40, s15, s22, $0xb8;
	[tilespmem:$0x1A000] =	vst v63  }
0xa0: {  	_ =	swait.ge [sflag:s9], $0x2000  }
0xa1: {  	s15 =	sadd.s32 $0xB100, s14;
	[sflag:s9] =	ssyncset.done $0x0  }
0xa2: {  	[sflag:s9] =	ssyncadd.s32 $0xFFFFE000  }
0xa3: {  	[tilespmem:s30], [sflag:$0x3] =	stream.indirect.gather [hbm4b:s4+s22], $0x40, s15, s22, $0xb8;
	[tilespmem:$0x1A000] =	vst v63  }
0xa4: {  	_ =	swait.ge [sflag:s10], $0x2000  }
.Ltmp1:
0xa5: {  	s15 =	sadd.s32 $0xB180, s14;
	[sflag:s10] =	ssyncset.done $0x0;
	(pc) =	sbr.rel @p0 .LBB2_4-.Ltmp1, $4  }
0xa6: {  	[sflag:s10] =	ssyncadd.s32 $0xFFFFE000  }
0xa7: {  	[tilespmem:s0], [sflag:$0x4] =	stream.indirect.gather [hbm4b:s4+s22], $0x40, s15, s22, $0xb8;
	[tilespmem:$0x1A000] =	vst v63  }
0xa8: {  	_ =	swait.ge [sflag:s11], $0x2000  }
0xa9: {  	s14 =	sadd.s32 $0xB200, s14;
	[sflag:s11] =	ssyncset.done $0x0  }
0xaa: {  	[sflag:s11] =	ssyncadd.s32 $0xFFFFE000  }
0xab: {  	[tilespmem:s21], [sflag:$0x5] =	stream.indirect.gather [hbm4b:s4+s22], $0x40, s14, s22, $0xb8;
	[tilespmem:$0x1A000] =	vst v63  }
0xac: {  	_ =	swait.ge [sflag:s26], $0x2000  }
0xad: {  	[sflag:s26] =	ssyncset.done $0x0  }
0xae: {  	[sflag:s26] =	ssyncadd.s32 $0xFFFFE000  }
0xaf: {  	_ =	swait.ge [sflag:s29], $0x2000  }
0xb0: {  	[sflag:s29] =	ssyncset.done $0x0  }
0xb1: {  	[sflag:s29] =	ssyncadd.s32 $0xFFFFE000  }
0xb2: {  	_ =	swait.ge [sflag:s31], $0x2000  }
0xb3: {  	[sflag:s31] =	ssyncset.done $0x0  }
0xb4: {  	[sflag:s31] =	ssyncadd.s32 $0xFFFFE000  }
0xb5: {  	_ =	swait.ge [sflag:s1], $0x2000  }
0xb6: {  	[sflag:s1] =	ssyncset.done $0x0  }
0xb7: {  	[sflag:s1] =	ssyncadd.s32 $0xFFFFE000  }
0xb8: {  	_ =	swait.ge [sflag:s6], $0x2000  }
0xb9: {  	s12 =	stileid.u32;
	[sflag:s6] =	ssyncset.done $0x0  }
0xba: {  	s12 =	sshll.u32 s12, $0x6;
	[sflag:s6] =	ssyncadd.s32 $0xFFFFE000  }
0xbb: {  	s12 =	sor.u32 $0x1C0B, s12;
	[bflag:$0x0] =	sbarrier.arrive $0xFFFF  }
0xbc: {  	[hbm:s23], [sflag:s12] =	dma.local [spmem:s25], $0x1400  }
0xbd: {  	_ =	swait.ge [sflag:s19], $0x1400  }
0xbe: {  	s3 =	sadd.s32 $0x1, s3;
	s15 =	rddreg [dreg:$0x5]  }
0xbf: {  	p0 =	sne.s32 s3, s15  }
.Ltmp2:
0xc0: {  	_ = 	snop;
	(pc) =	sbr.rel @p0 .LBB2_1-.Ltmp2, $3  }
0xc1: {  	_ =	sdelay $0x1  }
0xc2: {  	[sflag:s19] =	ssyncset.done $0x0  }
0xc3: {  	[sflag:s19] =	ssyncadd.s32 $0xFFFFEC00  }
0xc4: {  	_ =	sfence.sel $0x180000  }
0xc5: {  	[bflag:$0x0] =	sbarrier.arrive $0xFFFF  }
0xc6: {  	_ =	strace $0x9000004A  }
0xc7: {  	s0 =	stileid.u32;
	[bflag:$0x2] =	sbarrier.arrive $0xFFFF  }
0xc8: {  	p0 =	sne.s32 s0, $0x0;
	s0 =	rddreg [dreg:$0x2]  }
0xc9: {  	s0 =	sadd.s32 @!p0 $0x100000, s0  }
0xca: {  	[sflag:s0] =	ssyncadd.tile.s32 @!p0 $0x1;
	_ =	shalt  }
.Lfunc_end2:
_tile_overlayer_lowered:
.L_overlay_start_2:
0xcb: {  	(tag) =	ssettag $0x2  }
0xcc: {  	s0 =	rddreg [dreg:$0x0];
	s2 =	stileid.u32  }
0xcd: {  	s1 =	rddreg [dreg:$0x1];
	p0 =	sne.s32 s2, $0x0  }
0xce: {  	s3 =	rddreg [dreg:$0x2];
	[bflag:$0x3] =	sbarrier.arrive $0xFFFF;
	s2 =	simm.s32 @!p0 $0x1C0B  }
0xcf: {  	[timem:s3], [sflag:s2] =	dma.local @!p0 [hbm:s0], s1  }
0xd0: {  	s0 =	simm.s32 @!p0 $0xB  }
0xd1: {  	_ =	swait.ge @!p0 [sflag:s0], s1  }
0xd2: {  	s1 =	ssub.s32 @!p0 $0x0, s1;
	[sflag:s0] =	ssyncset.done @!p0 $0x0  }
0xd3: {  	[sflag:s0] =	ssyncadd.s32 @!p0 s1  }
0xd4: {  	[bflag:$0x3] =	sbarrier.arrive $0xFFFF  }
0xd5: {  	_ =	shalt  }

// kernel: kernel.9.cloned.1.call-start
scs
__scs_entry_jumppad:
0x0: {  	(pc) =	sbr.rel $0x88, $3  }
0x1: {  	(tag) =	ssettag $0x0;
	lr =	simm.s32 $0x1  }
0x2: {  	[smem:$0x3F8F] =	sst lr;
	_ =	strace $0xD0000000  }
0x3: {  	_ = 	snop  }
0x4: {  	_ = 	snop  }
0x5: {  	_ = 	snop  }
0x6: {  	_ = 	snop  }
0x7: {  	_ = 	snop  }
__scs_overlays_trampoline_lowered:
0x8: {  	[smem:$0x3F9E] =	sst s0  }
0x9: {  	[smem:$0x3F9F] =	sst s1  }
0xa: {  	[smem:$0x3FA0] =	sst s2  }
0xb: {  	[smem:$0x3FA1] =	sst s3  }
0xc: {  	[smem:$0x3FA2] =	sst s4  }
0xd: {  	[smem:$0x3FA3] =	sst s5  }
0xe: {  	[smem:$0x3FA4] =	sst s6  }
0xf: {  	[smem:$0x3FA5] =	sst s7  }
0x10: {  	[smem:$0x3FA6] =	sst s8  }
0x11: {  	[smem:$0x3FA7] =	sst s9;
	s0 =	simm.s32 @!p0 $0x0  }
0x12: {  	s1 =	sld [smem:$0x3F8D];
	s0 =	simm.s32 @p0 $0x1  }
0x13: {  	[smem:$0x3FA8] =	sst s0;
	s0 =	simm.s32 @!p1 $0x0  }
0x14: {  	s2 =	sld [smem:$0x3F8C];
	s0 =	simm.s32 @p1 $0x1  }
0x15: {  	[smem:$0x3FA9] =	sst s0;
	s0 =	simm.s32 @!p2 $0x0  }
0x16: {  	s3 =	sld [smem:$0x3FDB];
	s0 =	simm.s32 @p2 $0x1  }
0x17: {  	s4 =	simm.s32 $0x1BF5;
	[smem:$0x3FAB] =	sst s0  }
0x18: {  	s0 =	sld [smem:$0x3F8E];
	_ =	swait.ge [sflag:s4], $0x0  }
0x19: {  	s7 =	sld [smem:$0x3F8F]  }
0x1a: {  	s8 =	sadd.s32 $0xFFFFE003, lr  }
0x1b: {  	s9 =	sadd.s32 $0xFFFFFEF7, lr;
	s5 =	simm.s32 $0xFFFFFFFF;
	p2 =	slt.u32 s8, $0xFFFFF086  }
0x1c: {  	p1 =	slt.u32 s9, $0xF7A;
	s5 =	simm.s32 @!p2 $0x0  }
0x1d: {  	s5 =	simm.s32 @p1 $0x1;
	p0 =	seq.s32 s7, s2  }
0x1e: {  	s7 =	smul.u32 @!p0 $0xF7A, s2;
	p2 =	seq.s32 @!p0 s5, $0x0  }
0x1f: {  	s9 =	smul.u32 $0xF7A, s1;
	s8 =	simm.s32 @!p0 $0x1BF5;
	p2 =	por !p2, p0  }
0x20: {  	[sflag:s8] =	ssyncset.s32 @!p0 $0xFFFFF086;
	s6 =	sadd.s32 @!p0 s3, s7;
	s7 =	simm.s32 @!p0 $0x108  }
0x21: {  	s3 =	sadd.s32 s3, s9;
	s6 =	sadd.s32 @!p0 $0x88, s6;
	s7 =	simm.s32 @p2 $0x1082  }
0x22: {  	[simem:s7], [sflag:s8] =	dma.local @!p0 [hbm:s6], $0xF7A  }
0x23: {  	s9 =	sor.u32 $0xD0000000, s2;
	s6 =	simm.s32 $0x108;
	_ =	swait.ge @!p0 [sflag:s8], $0x0  }
0x24: {  	s3 =	sadd.s32 $0x88, s3;
	s6 =	simm.s32 @!p1 $0x1082;
	[sflag:s4] =	ssyncset.s32 $0xFFFFF086  }
0x25: {  	[simem:s6], [sflag:s4] =	dma.local [hbm:s3], $0xF7A  }
0x26: {  	[smem:$0x3F8F] =	sst s1;
	(tag) =	ssettag s2;
	_ =	strace s9  }
0x27: {  	s1 =	sld [smem:$0x3F9F]  }
0x28: {  	s2 =	sld [smem:$0x3FA0]  }
0x29: {  	s4 =	sld [smem:$0x3FA2]  }
0x2a: {  	p0 =	seq.s32 s5, $0x0;
	s5 =	sld [smem:$0x3FA3]  }
0x2b: {  	s6 =	sld [smem:$0x3FA4]  }
0x2c: {  	s7 =	sld [smem:$0x3FA5]  }
0x2d: {  	s3 =	simm.s32 $0x108;
	s8 =	sld [smem:$0x3FA6]  }
0x2e: {  	s3 =	simm.s32 @!p0 $0x1082;
	s9 =	sld [smem:$0x3FA7]  }
0x2f: {  	lr =	sadd.s32 s0, s3;
	s0 =	sld [smem:$0x3F9E]  }
0x30: {  	s3 =	sld [smem:$0x3FA1]  }
0x31: {  	[smem:$0x3FAA] =	sst s10  }
0x32: {  	s10 =	sld [smem:$0x3FA8];
	_ =	sdelay $0x3  }
0x33: {  	p0 =	seq.s32 s10, $0x1;
	s10 =	sld [smem:$0x3FAA];
	_ =	sdelay $0x3  }
0x34: {  	[smem:$0x3FAA] =	sst s10  }
0x35: {  	s10 =	sld [smem:$0x3FA9];
	_ =	sdelay $0x3  }
0x36: {  	p1 =	seq.s32 s10, $0x1;
	s10 =	sld [smem:$0x3FAA];
	_ =	sdelay $0x3  }
0x37: {  	[smem:$0x3FAA] =	sst s10  }
0x38: {  	s10 =	sld [smem:$0x3FAB]  }
0x39: {  	_ = 	snop;
	(pc) =	sbr.ind lr, $3  }
0x3a: {  	_ = 	snop  }
0x3b: {  	_ = 	snop  }
0x3c: {  	p2 =	seq.s32 s10, $0x1;
	s10 =	sld [smem:$0x3FAA]  }
0x3d: {  	_ =	shalt  }
0x3e: {  	_ =	shalt  }
0x3f: {  	_ =	shalt  }
0x40: {  	_ =	shalt  }
0x41: {  	_ =	shalt  }
0x42: {  	_ =	shalt  }
0x43: {  	_ =	shalt  }
0x44: {  	_ =	shalt  }
0x45: {  	_ =	shalt  }
0x46: {  	_ =	shalt  }
0x47: {  	_ =	shalt  }
0x48: {  	_ =	shalt  }
0x49: {  	_ =	shalt  }
0x4a: {  	_ =	shalt  }
0x4b: {  	_ =	shalt  }
0x4c: {  	_ =	shalt  }
0x4d: {  	_ =	shalt  }
0x4e: {  	_ =	shalt  }
0x4f: {  	_ =	shalt  }
0x50: {  	_ =	shalt  }
0x51: {  	_ =	shalt  }
0x52: {  	_ =	shalt  }
0x53: {  	_ =	shalt  }
0x54: {  	_ =	shalt  }
0x55: {  	_ =	shalt  }
0x56: {  	_ =	shalt  }
0x57: {  	_ =	shalt  }
0x58: {  	_ =	shalt  }
0x59: {  	_ =	shalt  }
0x5a: {  	_ =	shalt  }
0x5b: {  	_ =	shalt  }
0x5c: {  	_ =	shalt  }
0x5d: {  	_ =	shalt  }
0x5e: {  	_ =	shalt  }
0x5f: {  	_ =	shalt  }
0x60: {  	_ =	shalt  }
0x61: {  	_ =	shalt  }
0x62: {  	_ =	shalt  }
0x63: {  	_ =	shalt  }
0x64: {  	_ =	shalt  }
0x65: {  	_ =	shalt  }
0x66: {  	_ =	shalt  }
0x67: {  	_ =	shalt  }
0x68: {  	_ =	shalt  }
0x69: {  	_ =	shalt  }
0x6a: {  	_ =	shalt  }
0x6b: {  	_ =	shalt  }
0x6c: {  	_ =	shalt  }
0x6d: {  	_ =	shalt  }
0x6e: {  	_ =	shalt  }
0x6f: {  	_ =	shalt  }
0x70: {  	_ =	shalt  }
0x71: {  	_ =	shalt  }
0x72: {  	_ =	shalt  }
0x73: {  	_ =	shalt  }
0x74: {  	_ =	shalt  }
0x75: {  	_ =	shalt  }
0x76: {  	_ =	shalt  }
0x77: {  	_ =	shalt  }
0x78: {  	_ =	shalt  }
0x79: {  	_ =	shalt  }
0x7a: {  	_ =	shalt  }
0x7b: {  	_ =	shalt  }
0x7c: {  	_ =	shalt  }
0x7d: {  	_ =	shalt  }
0x7e: {  	_ =	shalt  }
0x7f: {  	_ =	shalt  }
0x80: {  	_ =	shalt  }
0x81: {  	_ =	shalt  }
0x82: {  	_ =	shalt  }
0x83: {  	_ =	shalt  }
0x84: {  	_ =	shalt  }
0x85: {  	_ =	shalt  }
0x86: {  	_ =	shalt  }
0x87: {  	_ =	shalt  }
.Lfunc_end0:
.L_simem_size_0:
called_computation_lowered:
.L_overlay_start_0:
0x88: {  	s2 =	sld [smem:$0x3FD9]  }
0x89: {  	s3 =	sld [smem:$0x3FFE];
	_ =	sdelay $0x1  }
0x8a: {  	s1 =	srdreg.scid  }
0x8b: {  	s0 =	sand.u32 $0x1, s1  }
0x8c: {  	s16 =	sshll.u32 s0, $0xA;
	s2 =	sadd.s32 s3, s2  }
0x8d: {  	s2 =	sadd.s32 s2, s16  }
0x8e: {  	[smem:$0x3FB6] =	sst s2  }
0x8f: {  	_ = 	snop  }
0x90: {  	(tm) =	ssettm $0x1  }
0x91: {  	s17 =	sld [smem:$0x3FFB];
	_ =	sdelay $0x3  }
0x92: {  	_ =	strace s17  }
0x93: {  	s2 =	sld [smem:$0x3FFC];
	_ =	sdelay $0x3  }
0x94: {  	_ =	strace s2  }
0x95: {  	s2 =	sld [smem:$0x3FFD];
	_ =	sdelay $0x3  }
0x96: {  	_ =	strace s2  }
0x97: {  	_ =	strace $0x8FFFFFFF  }
0x98: {  	s18 =	sld [smem:$0x3FDB];
	_ =	sdelay $0x1  }
0x99: {  	s19 =	simm.s32 $_scs_section_size  }
0x9a: {  	s4 =	simm.s32 $_size__tile_overlayer_lowered;
	s5 =	simm.s32 $_tile_overlayer_lowered  }
0x9b: {  	s22 =	simm.s32 $0x1BFF;
	s21 =	sshll.u32 s5, $0x1;
	s2 =	sadd.s32 s19, s18  }
0x9c: {  	s6 =	simm.s32 $0x0;
	s20 =	sshll.u32 s4, $0x1;
	s4 =	sadd.s32 s21, s2  }
0x9d: {  	[timem:s6], [sflag:s22] =	dma.local [hbm:s4], s20  }
0x9e: {  	_ =	swait.ge [sflag:s22], s20  }
0x9f: {  	s3 =	ssub.s32 $0x0, s20;
	[sflag:s22] =	ssyncset.done $0x0  }
0xa0: {  	[sflag:s22] =	ssyncadd.s32 s3;
	_ =	sdelay $0x1  }
0xa1: {  	s23 =	simm.s32 $0x1B8B  }
0xa2: {  	_ =	swait.ge [sflag:s23], $0x1  }
0xa3: {  	[sflag:s23] =	ssyncset.done $0x0  }
0xa4: {  	s25 =	simm.s32 $0x1B8E;
	s24 =	sld [smem:$0x3FFE];
	[sflag:s23] =	ssyncadd.s32 $0xFFFFFFFF  }
0xa5: {  	s26 =	simm.s32 $execute0_lowered;
	[smem:$0x3FD2] =	sst s25  }
0xa6: {  	s4 =	sshll.u32 s26, $0x1;
	_ =	strace $0x80000046;
	[dreg:$0x1] =	wrdreg $0xFFFFFFFF  }
0xa7: {  	s28 =	simm.s32 $_size_execute0_lowered;
	s2 =	sadd.s32 s2, s4;
	[dreg:$0x0] =	wrdreg $0x0  }
0xa8: {  	s4 =	sshll.u32 s28, $0x1;
	[dreg:$0x2] =	wrdreg s2  }
0xa9: {  	[dreg:$0x3] =	wrdreg s4  }
0xaa: {  	[dreg:$0x4] =	wrdreg $0xC0  }
0xab: {  	_ =	task [dreg:s6], $0x5FFFF  }
0xac: {  	[dreg:$0x1] =	wrdreg $0xFFFFFFFF  }
0xad: {  	[dreg:$0x0] =	wrdreg $0x60  }
0xae: {  	[dreg:$0x2] =	wrdreg s24  }
0xaf: {  	[dreg:$0x3] =	wrdreg $0x0  }
0xb0: {  	[dreg:$0x4] =	wrdreg $0x1A0000  }
0xb1: {  	[dreg:$0x5] =	wrdreg $0x9  }
0xb2: {  	_ =	task.clear_ibuf [dreg:s6], $0x6FFFF;
	_ =	strace $0x90000046  }
0xb3: {  	s29 =	simm.s32 $0x9;
	_ =	strace $0x80000048  }
0xb4: {  	_ =	swait.ge [sflag:s29], $0x1  }
0xb5: {  	[sflag:s29] =	ssyncadd.s32 $0xFFFFFFFF  }
0xb6: {  	_ =	strace $0x90000048  }
0xb7: {  	_ =	sfence  }
0xb8: {  	s30 =	sld [smem:$0x0];
	_ =	sdelay $0x2  }
0xb9: {  	s31 =	sshll.u32 s1, $0xD;
	s1 =	sshrl.u32 s1, $0x2  }
0xba: {  	s3 =	sand.u32 $0x4000, s31;
	s1 =	sadd.s32 s1, s30  }
0xbb: {  	s0 =	sor.u32 s3, s0;
	s1 =	sshll.u32 s1, $0x11  }
0xbc: {  	s0 =	sor.u32 s1, s0  }
0xbd: {  	s0 =	sadd.s32 $0x8F2B, s0  }
0xbe: {  	[sflag:s0] =	ssyncadd.remote.s32 $0x1  }
0xbf: {  	_ =	sfence.sel $0xFFFF  }
0xc0: {  	[dreg:$0x0] =	wrdreg $0xFFFFFFFF;
	(pc) =	sbr.abs _section_cstart, $3  }
0xc1: {  	[dreg:$0x1] =	wrdreg $0xFFFFFFFF  }
0xc2: {  	_ =	task.clear_ibuf [dreg:s6], $0x2FFFF;
	_ =	strace $0x9FFFFFFF  }
0xc3: {  	(tm) =	ssettm $0x7FFFFFFF  }
tec
execute0_lowered:
.L_overlay_start_1:
0x0: {  	(tag) =	ssettag $0x1  }
0x1: {  	s0 =	srdreg.scid;
	s12 =	stileid.u32  }
0x2: {  	s1 =	rddreg [dreg:$0x0];
	s0 =	sand.u32 $0x1, s0;
	s9 =	smul.u32 $0x28000, s12  }
0x3: {  	s2 =	rddreg [dreg:$0x1];
	s3 =	sshll.u32 s0, $0x4;
	s7 =	smul.u32 $0x14000, s0  }
0x4: {  	s8 =	smul.u32 $0x5000, s0;
	s0 =	ssub.s32 $0x2, s0;
	s4 =	sor.u32 s12, s3  }
0x5: {  	s3 =	rddreg [dreg:$0x2];
	s14 =	sshrl.u32 s0, $0x1;
	s9 =	sshrl.u32 s9, $0x2  }
0x6: {  	s6 =	smul.u32 $0x500, s4;
	s4 =	simm.s32 $0x0;
	s0 =	ssub.s32 s0, s14  }
0x7: {  	s13 =	sadd.s32 s9, s2;
	[smem:$0x7FF] =	sst s4;
	s0 =	smax.u32 s0, $0x1  }
0x8: {  	s20 =	sadd.s32 $0x1000, s13;
	_ =	strace $0x80000047;
	[dreg:$0x8] =	wrdreg s0  }
0x9: {  	s21 =	sadd.s32 $0x2000, s13;
	[dreg:$0x9] =	wrdreg s20  }
0xa: {  	s28 =	simm.s32 $0xC;
	s22 =	sadd.s32 $0x3000, s13;
	[dreg:$0xa] =	wrdreg s21  }
0xb: {  	s29 =	simm.s32 $0x8;
	s23 =	sadd.s32 $0x4000, s13;
	[dreg:$0xb] =	wrdreg s22  }
0xc: {  	s30 =	simm.s32 $0x9;
	s24 =	sadd.s32 $0x5000, s13;
	[dreg:$0xc] =	wrdreg s23  }
0xd: {  	s31 =	simm.s32 $0xE;
	s25 =	sadd.s32 $0x6000, s13;
	[dreg:$0xd] =	wrdreg s24  }
0xe: {  	s10 =	smul.u32 $0xA000, s12;
	s26 =	sadd.s32 $0x7000, s13;
	[dreg:$0xe] =	wrdreg s25  }
0xf: {  	s16 =	smul.u32 $0x2800, s12;
	s12 =	sadd.s32 $0x8000, s13;
	[dreg:$0xf] =	wrdreg s26  }
0x10: {  	s11 =	sshrl.u32 s10, $0x2;
	s18 =	sadd.s32 s10, s2;
	[dreg:$0x10] =	wrdreg s12  }
0x11: {  	s17 =	sshrl.u32 s10, $0x3;
	s18 =	sshrl.u32 s18, $0x3;
	[dreg:$0x4] =	wrdreg s13  }
0x12: {  	s7 =	sadd.s32 s7, s1;
	s11 =	sadd.s32 s11, s3;
	[dreg:$0x16] =	wrdreg s18  }
0x13: {  	s7 =	sadd.s32 $0x2B600, s7;
	s13 =	sadd.s32 $0x9000, s13;
	[dreg:$0x5] =	wrdreg s11  }
0x14: {  	s5 =	sadd.s32 $0x3C00, s1;
	s14 =	sadd.s32 s17, s7;
	[dreg:$0x11] =	wrdreg s13  }
0x15: {  	s19 =	sshrl.u32 s16, $0x3;
	s17 =	sadd.s32 $0x800, s11;
	[dreg:$0x12] =	wrdreg s14  }
0x16: {  	s9 =	simm.s32 $0x10;
	s20 =	sadd.s32 $0xC00, s11;
	[dreg:$0x15] =	wrdreg s17  }
0x17: {  	s6 =	sadd.s32 s6, s1;
	s21 =	sadd.s32 $0x1000, s11;
	[dreg:$0x18] =	wrdreg s20  }
0x18: {  	s1 =	sadd.s32 s8, s1;
	s22 =	sadd.s32 $0x1400, s11;
	[dreg:$0x19] =	wrdreg s21  }
0x19: {  	s23 =	sadd.s32 $0x1800, s11;
	s24 =	sadd.s32 $0x1C00, s11;
	[dreg:$0x1a] =	wrdreg s22  }
0x1a: {  	s25 =	sadd.s32 $0x2000, s11;
	s26 =	sadd.s32 $0x2400, s11;
	[dreg:$0x1b] =	wrdreg s23  }
0x1b: {  	s12 =	simm.s32 $0x80;
	s18 =	simm.s32 $0x1;
	[dreg:$0x1c] =	wrdreg s24  }
0x1c: {  	s0 =	simm.s32 $0xF;
	s15 =	sadd.s32 $0x17600, s6;
	[dreg:$0x1d] =	wrdreg s25  }
0x1d: {  	s6 =	sadd.s32 $0x21600, s6;
	s1 =	sadd.s32 $0x53600, s1;
	[dreg:$0x1e] =	wrdreg s26  }
0x1e: {  	s13 =	simm.s32 $0x10000;
	s14 =	simm.s32 $0x12000;
	s17 =	simm.s32 $0x18000  }
0x1f: {  	s20 =	simm.s32 $0x2;
	s21 =	simm.s32 $0x3;
	s22 =	simm.s32 $0x4  }
0x20: {  	s23 =	simm.s32 $0x5;
	s24 =	simm.s32 $0x6;
	[dreg:$0x6] =	wrdreg s15  }
0x21: {  	s25 =	simm.s32 $0xB;
	s26 =	simm.s32 $0x7;
	[dreg:$0x7] =	wrdreg s6  }
0x22: {  	s6 =	sadd.s32 s16, s3;
	s15 =	sadd.s32 $0x400, s11;
	s16 =	sadd.s32 s19, s1  }
0x23: {  	s11 =	simm.s32 $0xD;
	s1 =	simm.s32 $0xA;
	[dreg:$0x13] =	wrdreg s15  }
0x24: {  	[dreg:$0x14] =	wrdreg s16;
	s19 =	sshrl.u32 s6, $0x3;
	s15 =	simm.s32 $0x14000  }
0x25: {  	v0 =	vimm.f32 $0.0e+00;
	v1 =	vimm.f32 $1.000000000e+00;
	s16 =	simm.s32 $0x16000;
	[dreg:$0x17] =	wrdreg s19;
	s19 =	simm.s32 $0x1CC00  }
.LBB2_1:
0x26: {  	s7 =	simm.s32 $0x100;
	s6 =	simm.s32 $0x0  }
.LBB2_2:
0x27: {  	p0 =	sne.s32 s7, $0x3F00;
	[tilespmem:s6+$0xA030] =	vst v0;
	s8 =	smov.u32 s7;
	s7 =	sadd.s32 $0x100, s7  }
.Ltmp0:
0x28: {  	[tilespmem:s6+$0xA020] =	vst v0;
	(pc) =	sbr.rel @p0 .LBB2_2-.Ltmp0, $3  }
0x29: {  	[tilespmem:s6+$0xA000] =	vst v0  }
0x2a: {  	[tilespmem:s6+$0xA010] =	vst v0;
	_ =	sdelay $0x1  }
0x2b: {  	s6 =	sshra.s32 s8, $0x2  }
0x2c: {  	[tilespmem:s6+$0xA030] =	vst v0  }
0x2d: {  	[tilespmem:s6+$0xA020] =	vst v0  }
0x2e: {  	[tilespmem:s6+$0xA000] =	vst v0  }
0x2f: {  	[tilespmem:s6+$0xA010] =	vst v0;
	s8 =	rddreg [dreg:$0x4];
	s7 =	simm.s32 $0xA000  }
0x30: {  	[spmem:s8] =	stream.linear.scatter [tilespmem:s7], [sflag:$0x10], $0x1000, $0x38;
	[tilespmem:$0x1D400] =	vst v63  }
0x31: {  	_ =	swait.ge [sflag:s9], $0x1000  }
0x32: {  	[sflag:s9] =	ssyncset.done $0x0  }
0x33: {  	s10 =	rddreg [dreg:$0x9];
	[sflag:s9] =	ssyncadd.s32 $0xFFFFF000  }
0x34: {  	[spmem:s10] =	stream.linear.scatter [tilespmem:s7], [sflag:$0x10], $0x1000, $0x38;
	[tilespmem:$0x1D400] =	vst v63  }
0x35: {  	_ =	swait.ge [sflag:s9], $0x1000  }
0x36: {  	[sflag:s9] =	ssyncset.done $0x0  }
0x37: {  	s8 =	rddreg [dreg:$0xa];
	[sflag:s9] =	ssyncadd.s32 $0xFFFFF000  }
0x38: {  	[spmem:s8] =	stream.linear.scatter [tilespmem:s7], [sflag:$0x10], $0x1000, $0x38;
	[tilespmem:$0x1D400] =	vst v63  }
0x39: {  	_ =	swait.ge [sflag:s9], $0x1000  }
0x3a: {  	[sflag:s9] =	ssyncset.done $0x0  }
0x3b: {  	s10 =	rddreg [dreg:$0xb];
	[sflag:s9] =	ssyncadd.s32 $0xFFFFF000  }
0x3c: {  	[spmem:s10] =	stream.linear.scatter [tilespmem:s7], [sflag:$0x10], $0x1000, $0x38;
	[tilespmem:$0x1D400] =	vst v63  }
0x3d: {  	_ =	swait.ge [sflag:s9], $0x1000  }
0x3e: {  	[sflag:s9] =	ssyncset.done $0x0  }
0x3f: {  	s8 =	rddreg [dreg:$0xc];
	[sflag:s9] =	ssyncadd.s32 $0xFFFFF000  }
0x40: {  	[spmem:s8] =	stream.linear.scatter [tilespmem:s7], [sflag:$0x10], $0x1000, $0x38;
	[tilespmem:$0x1D400] =	vst v63  }
0x41: {  	_ =	swait.ge [sflag:s9], $0x1000  }
0x42: {  	[sflag:s9] =	ssyncset.done $0x0  }
0x43: {  	s10 =	rddreg [dreg:$0xd];
	[sflag:s9] =	ssyncadd.s32 $0xFFFFF000  }
0x44: {  	[spmem:s10] =	stream.linear.scatter [tilespmem:s7], [sflag:$0x10], $0x1000, $0x38;
	[tilespmem:$0x1D400] =	vst v63  }
0x45: {  	_ =	swait.ge [sflag:s9], $0x1000  }
0x46: {  	[sflag:s9] =	ssyncset.done $0x0  }
0x47: {  	s8 =	rddreg [dreg:$0xe];
	[sflag:s9] =	ssyncadd.s32 $0xFFFFF000  }
0x48: {  	[spmem:s8] =	stream.linear.scatter [tilespmem:s7], [sflag:$0x10], $0x1000, $0x38;
	[tilespmem:$0x1D400] =	vst v63  }
0x49: {  	_ =	swait.ge [sflag:s9], $0x1000  }
0x4a: {  	[sflag:s9] =	ssyncset.done $0x0  }
0x4b: {  	s10 =	rddreg [dreg:$0xf];
	[sflag:s9] =	ssyncadd.s32 $0xFFFFF000  }
0x4c: {  	[spmem:s10] =	stream.linear.scatter [tilespmem:s7], [sflag:$0x10], $0x1000, $0x38;
	[tilespmem:$0x1D400] =	vst v63  }
0x4d: {  	_ =	swait.ge [sflag:s9], $0x1000  }
0x4e: {  	[sflag:s9] =	ssyncset.done $0x0  }
0x4f: {  	s8 =	rddreg [dreg:$0x10];
	[sflag:s9] =	ssyncadd.s32 $0xFFFFF000  }
0x50: {  	[spmem:s8] =	stream.linear.scatter [tilespmem:s7], [sflag:$0x10], $0x1000, $0x38;
	[tilespmem:$0x1D400] =	vst v63  }
0x51: {  	_ =	swait.ge [sflag:s9], $0x1000  }
0x52: {  	[sflag:s9] =	ssyncset.done $0x0  }
0x53: {  	s10 =	rddreg [dreg:$0x11];
	[sflag:s9] =	ssyncadd.s32 $0xFFFFF000  }
0x54: {  	[spmem:s10] =	stream.linear.scatter [tilespmem:s7], [sflag:$0x10], $0x1000, $0x38;
	[tilespmem:$0x1D400] =	vst v63  }
0x55: {  	_ =	swait.ge [sflag:s9], $0x1000  }
0x56: {  	[sflag:s9] =	ssyncset.done $0x0  }
0x57: {  	s6 =	simm.s32 $0x40;
	s7 =	simm.s32 $0x0;
	[sflag:s9] =	ssyncadd.s32 $0xFFFFF000  }
.LBB2_4:
0x58: {  	p0 =	seq.s32 s6, $0xFC0;
	[tilespmem:s7+$0x1C800] =	vst v0;
	s7 =	smov.u32 s6;
	s6 =	sadd.s32 $0x40, s6  }
.Ltmp1:
0x59: {  	(pc) =	sbr.rel @!p0 .LBB2_4-.Ltmp1, $2  }
0x5a: {  	_ =	sdelay $0x2  }
0x5b: {  	s7 =	sshra.s32 s7, $0x2  }
0x5c: {  	[tilespmem:s7+$0x1C800] =	vst v0;
	s6 =	simm.s32 $0x40;
	s7 =	simm.s32 $0x0  }
.LBB2_6:
0x5d: {  	p0 =	seq.s32 s6, $0x1FC0;
	[tilespmem:s7+$0x1CC00] =	vst v1;
	s7 =	smov.u32 s6;
	s6 =	sadd.s32 $0x40, s6  }
.Ltmp2:
0x5e: {  	(pc) =	sbr.rel @!p0 .LBB2_6-.Ltmp2, $2  }
0x5f: {  	_ =	sdelay $0x2  }
0x60: {  	s7 =	sshra.s32 s7, $0x2  }
0x61: {  	[tilespmem:s7+$0x1CC00] =	vst v1;
	s6 =	rddreg [dreg:$0x5];
	s7 =	simm.s32 $0x1C800  }
0x62: {  	[spmem:s6] =	stream.linear.scatter [tilespmem:s7], [sflag:$0x10], $0x400, $0x38;
	[tilespmem:$0x1D400] =	vst v63  }
0x63: {  	_ =	swait.ge [sflag:s9], $0x400  }
0x64: {  	[sflag:s9] =	ssyncset.done $0x0  }
0x65: {  	s8 =	rddreg [dreg:$0x13];
	[sflag:s9] =	ssyncadd.s32 $0xFFFFFC00  }
0x66: {  	[spmem:s8] =	stream.linear.scatter [tilespmem:s7], [sflag:$0x10], $0x400, $0x38;
	[tilespmem:$0x1D400] =	vst v63  }
0x67: {  	_ =	swait.ge [sflag:s9], $0x400  }
0x68: {  	[sflag:s9] =	ssyncset.done $0x0  }
0x69: {  	s10 =	rddreg [dreg:$0x15];
	[sflag:s9] =	ssyncadd.s32 $0xFFFFFC00  }
0x6a: {  	[spmem:s10] =	stream.linear.scatter [tilespmem:s7], [sflag:$0x10], $0x400, $0x38;
	[tilespmem:$0x1D400] =	vst v63  }
0x6b: {  	_ =	swait.ge [sflag:s9], $0x400  }
0x6c: {  	[sflag:s9] =	ssyncset.done $0x0  }
0x6d: {  	s8 =	rddreg [dreg:$0x18];
	[sflag:s9] =	ssyncadd.s32 $0xFFFFFC00  }
0x6e: {  	[spmem:s8] =	stream.linear.scatter [tilespmem:s7], [sflag:$0x10], $0x400, $0x38;
	[tilespmem:$0x1D400] =	vst v63  }
0x6f: {  	_ =	swait.ge [sflag:s9], $0x400  }
0x70: {  	[sflag:s9] =	ssyncset.done $0x0  }
0x71: {  	s10 =	rddreg [dreg:$0x19];
	[sflag:s9] =	ssyncadd.s32 $0xFFFFFC00  }
0x72: {  	[spmem:s10] =	stream.linear.scatter [tilespmem:s7], [sflag:$0x10], $0x400, $0x38;
	[tilespmem:$0x1D400] =	vst v63  }
0x73: {  	_ =	swait.ge [sflag:s9], $0x400  }
0x74: {  	[sflag:s9] =	ssyncset.done $0x0  }
0x75: {  	s8 =	rddreg [dreg:$0x1a];
	[sflag:s9] =	ssyncadd.s32 $0xFFFFFC00  }
0x76: {  	[spmem:s8] =	stream.linear.scatter [tilespmem:s7], [sflag:$0x10], $0x400, $0x38;
	[tilespmem:$0x1D400] =	vst v63  }
0x77: {  	_ =	swait.ge [sflag:s9], $0x400  }
0x78: {  	[sflag:s9] =	ssyncset.done $0x0  }
0x79: {  	s10 =	rddreg [dreg:$0x1b];
	[sflag:s9] =	ssyncadd.s32 $0xFFFFFC00  }
0x7a: {  	[spmem:s10] =	stream.linear.scatter [tilespmem:s7], [sflag:$0x10], $0x400, $0x38;
	[tilespmem:$0x1D400] =	vst v63  }
0x7b: {  	_ =	swait.ge [sflag:s9], $0x400  }
0x7c: {  	[sflag:s9] =	ssyncset.done $0x0  }
0x7d: {  	s8 =	rddreg [dreg:$0x1c];
	[sflag:s9] =	ssyncadd.s32 $0xFFFFFC00  }
0x7e: {  	[spmem:s8] =	stream.linear.scatter [tilespmem:s7], [sflag:$0x10], $0x400, $0x38;
	[tilespmem:$0x1D400] =	vst v63  }
0x7f: {  	_ =	swait.ge [sflag:s9], $0x400  }
0x80: {  	[sflag:s9] =	ssyncset.done $0x0  }
0x81: {  	s10 =	rddreg [dreg:$0x1d];
	[sflag:s9] =	ssyncadd.s32 $0xFFFFFC00  }
0x82: {  	[spmem:s10] =	stream.linear.scatter [tilespmem:s7], [sflag:$0x10], $0x400, $0x38;
	[tilespmem:$0x1D400] =	vst v63  }
0x83: {  	_ =	swait.ge [sflag:s9], $0x400  }
0x84: {  	[sflag:s9] =	ssyncset.done $0x0  }
0x85: {  	s8 =	rddreg [dreg:$0x1e];
	[sflag:s9] =	ssyncadd.s32 $0xFFFFFC00  }
0x86: {  	[spmem:s8] =	stream.linear.scatter [tilespmem:s7], [sflag:$0x10], $0x400, $0x38;
	[tilespmem:$0x1D400] =	vst v63  }
0x87: {  	_ =	swait.ge [sflag:s9], $0x400  }
0x88: {  	s6 =	simm.s32 $0x0;
	[sflag:s9] =	ssyncset.done $0x0  }
0x89: {  	s8 =	simm.s32 $0xB000;
	s10 =	rddreg [dreg:$0x6];
	[sflag:s9] =	ssyncadd.s32 $0xFFFFFC00  }
0x8a: {  	[tilespmem:s8], [sflag:$0x10] =	stream.linear.gather [hbm4b:s10+s6], $0x2800, $0x38;
	[tilespmem:$0x1D400] =	vst v63  }
0x8b: {  	_ =	swait.ge [sflag:s9], $0x2800  }
0x8c: {  	[sflag:s9] =	ssyncset.done $0x0  }
0x8d: {  	s10 =	simm.s32 $0xD800;
	s7 =	rddreg [dreg:$0x7];
	[sflag:s9] =	ssyncadd.s32 $0xFFFFD800  }
0x8e: {  	[tilespmem:s10], [sflag:$0x10] =	stream.linear.gather [hbm4b:s7+s6], $0x2800, $0x38;
	[tilespmem:$0x1D400] =	vst v63  }
0x8f: {  	_ =	swait.ge [sflag:s9], $0x2800  }
0x90: {  	[sflag:s9] =	ssyncset.done $0x0  }
0x91: {  	[sflag:s9] =	ssyncadd.s32 $0xFFFFD800  }
0x92: {  	[bflag:$0x0] =	sbarrier.arrive $0xFFFF  }
0x93: {  	[tilespmem:s13], [sflag:$0x1] =	stream.indirect.gather [hbm4b:s5+s12], $0x40, s8, s12, $0xb8;
	[tilespmem:$0x1D400] =	vst v63  }
0x94: {  	s7 =	simm.s32 $0xB080  }
0x95: {  	[tilespmem:s14], [sflag:$0x2] =	stream.indirect.gather [hbm4b:s5+s12], $0x40, s7, s12, $0xb8;
	[tilespmem:$0x1D400] =	vst v63  }
0x96: {  	s8 =	simm.s32 $0xB100  }
0x97: {  	[tilespmem:s15], [sflag:$0x3] =	stream.indirect.gather [hbm4b:s5+s12], $0x40, s8, s12, $0xb8;
	[tilespmem:$0x1D400] =	vst v63  }
0x98: {  	s10 =	simm.s32 $0xB180  }
0x99: {  	[tilespmem:s16], [sflag:$0x4] =	stream.indirect.gather [hbm4b:s5+s12], $0x40, s10, s12, $0xb8;
	[tilespmem:$0x1D400] =	vst v63  }
0x9a: {  	s7 =	simm.s32 $0xB200  }
0x9b: {  	[tilespmem:s17], [sflag:$0x5] =	stream.indirect.gather [hbm4b:s5+s12], $0x40, s7, s12, $0xb8;
	[tilespmem:$0x1D400] =	vst v63  }
0x9c: {  	_ =	swait.ge [sflag:s18], $0x2000  }
0x9d: {  	[sflag:s18] =	ssyncset.done $0x0  }
0x9e: {  	s8 =	simm.s32 $0xD800;
	[sflag:s18] =	ssyncadd.s32 $0xFFFFE000  }
0x9f: {  	[spmem:s2] =	stream.indirect.scatter.add.f32 [tilespmem:s13], [sflag:$0x6], $0x40, s8, s12, $0xb8;
	[tilespmem:$0x1D400] =	vst v63  }
0xa0: {  	_ = 	snop  }
0xa1: {  	[spmem:s3] =	stream.indirect.scatter.add.f32 [tilespmem:s19], [sflag:$0xB], $0x10, s8, s12, $0xb8;
	[tilespmem:$0x1D400] =	vst v63  }
0xa2: {  	_ =	swait.ge [sflag:s20], $0x2000  }
0xa3: {  	[sflag:s20] =	ssyncset.done $0x0  }
0xa4: {  	s10 =	simm.s32 $0xD880;
	[sflag:s20] =	ssyncadd.s32 $0xFFFFE000  }
0xa5: {  	[spmem:s2] =	stream.indirect.scatter.add.f32 [tilespmem:s14], [sflag:$0x7], $0x40, s10, s12, $0xb8;
	[tilespmem:$0x1D400] =	vst v63  }
0xa6: {  	_ = 	snop  }
0xa7: {  	[spmem:s3] =	stream.indirect.scatter.add.f32 [tilespmem:s19], [sflag:$0xC], $0x10, s10, s12, $0xb8;
	[tilespmem:$0x1D400] =	vst v63  }
0xa8: {  	_ =	swait.ge [sflag:s21], $0x2000  }
0xa9: {  	[sflag:s21] =	ssyncset.done $0x0  }
0xaa: {  	s8 =	simm.s32 $0xD900;
	[sflag:s21] =	ssyncadd.s32 $0xFFFFE000  }
0xab: {  	[spmem:s2] =	stream.indirect.scatter.add.f32 [tilespmem:s15], [sflag:$0x8], $0x40, s8, s12, $0xb8;
	[tilespmem:$0x1D400] =	vst v63  }
0xac: {  	_ = 	snop  }
0xad: {  	[spmem:s3] =	stream.indirect.scatter.add.f32 [tilespmem:s19], [sflag:$0xD], $0x10, s8, s12, $0xb8;
	[tilespmem:$0x1D400] =	vst v63  }
0xae: {  	_ =	swait.ge [sflag:s22], $0x2000  }
0xaf: {  	[sflag:s22] =	ssyncset.done $0x0  }
0xb0: {  	s10 =	simm.s32 $0xD980;
	[sflag:s22] =	ssyncadd.s32 $0xFFFFE000  }
0xb1: {  	[spmem:s2] =	stream.indirect.scatter.add.f32 [tilespmem:s16], [sflag:$0x9], $0x40, s10, s12, $0xb8;
	[tilespmem:$0x1D400] =	vst v63  }
0xb2: {  	_ = 	snop  }
0xb3: {  	[spmem:s3] =	stream.indirect.scatter.add.f32 [tilespmem:s19], [sflag:$0xE], $0x10, s10, s12, $0xb8;
	[tilespmem:$0x1D400] =	vst v63  }
0xb4: {  	_ =	swait.ge [sflag:s23], $0x2000  }
0xb5: {  	[sflag:s23] =	ssyncset.done $0x0  }
0xb6: {  	s8 =	simm.s32 $0xDA00;
	[sflag:s23] =	ssyncadd.s32 $0xFFFFE000  }
0xb7: {  	[spmem:s2] =	stream.indirect.scatter.add.f32 [tilespmem:s17], [sflag:$0xA], $0x40, s8, s12, $0xb8;
	[tilespmem:$0x1D400] =	vst v63  }
0xb8: {  	_ = 	snop  }
0xb9: {  	[spmem:s3] =	stream.indirect.scatter.add.f32 [tilespmem:s19], [sflag:$0xF], $0x10, s8, s12, $0xb8;
	[tilespmem:$0x1D400] =	vst v63  }
0xba: {  	s6 =	simm.s32 $0x1;
	_ =	swait.ge [sflag:s24], $0x2000  }
0xbb: {  	s6 =	smin.u32 s6, $0xF;
	[sflag:s24] =	ssyncset.done $0x0  }
0xbc: {  	s6 =	smul.u32 $0xA00, s6;
	[sflag:s24] =	ssyncadd.s32 $0xFFFFE000  }
0xbd: {  	_ =	swait.ge [sflag:s25], $0x800  }
0xbe: {  	s7 =	sshrl.u32 s6, $0x2;
	[sflag:s25] =	ssyncset.done $0x0  }
0xbf: {  	s6 =	sadd.s32 $0xB000, s7;
	[sflag:s25] =	ssyncadd.s32 $0xFFFFF800  }
0xc0: {  	[tilespmem:s13], [sflag:$0x1] =	stream.indirect.gather [hbm4b:s5+s12], $0x40, s6, s12, $0xb8;
	[tilespmem:$0x1D400] =	vst v63  }
0xc1: {  	_ =	swait.ge [sflag:s26], $0x2000  }
0xc2: {  	[sflag:s26] =	ssyncset.done $0x0  }
0xc3: {  	[sflag:s26] =	ssyncadd.s32 $0xFFFFE000  }
0xc4: {  	_ =	swait.ge [sflag:s28], $0x800  }
0xc5: {  	[sflag:s28] =	ssyncset.done $0x0  }
0xc6: {  	s10 =	sadd.s32 $0xB080, s7;
	[sflag:s28] =	ssyncadd.s32 $0xFFFFF800  }
0xc7: {  	[tilespmem:s14], [sflag:$0x2] =	stream.indirect.gather [hbm4b:s5+s12], $0x40, s10, s12, $0xb8;
	[tilespmem:$0x1D400] =	vst v63  }
0xc8: {  	_ =	swait.ge [sflag:s29], $0x2000  }
0xc9: {  	[sflag:s29] =	ssyncset.done $0x0  }
0xca: {  	[sflag:s29] =	ssyncadd.s32 $0xFFFFE000  }
0xcb: {  	_ =	swait.ge [sflag:s11], $0x800  }
0xcc: {  	[sflag:s11] =	ssyncset.done $0x0  }
0xcd: {  	s8 =	sadd.s32 $0xB100, s7;
	[sflag:s11] =	ssyncadd.s32 $0xFFFFF800  }
0xce: {  	[tilespmem:s15], [sflag:$0x3] =	stream.indirect.gather [hbm4b:s5+s12], $0x40, s8, s12, $0xb8;
	[tilespmem:$0x1D400] =	vst v63  }
0xcf: {  	_ =	swait.ge [sflag:s30], $0x2000  }
0xd0: {  	[sflag:s30] =	ssyncset.done $0x0  }
0xd1: {  	[sflag:s30] =	ssyncadd.s32 $0xFFFFE000  }
0xd2: {  	_ =	swait.ge [sflag:s31], $0x800  }
0xd3: {  	[sflag:s31] =	ssyncset.done $0x0  }
0xd4: {  	s10 =	sadd.s32 $0xB180, s7;
	[sflag:s31] =	ssyncadd.s32 $0xFFFFF800  }
0xd5: {  	[tilespmem:s16], [sflag:$0x4] =	stream.indirect.gather [hbm4b:s5+s12], $0x40, s10, s12, $0xb8;
	[tilespmem:$0x1D400] =	vst v63  }
0xd6: {  	_ =	swait.ge [sflag:s1], $0x2000  }
0xd7: {  	[sflag:s1] =	ssyncset.done $0x0  }
0xd8: {  	[sflag:s1] =	ssyncadd.s32 $0xFFFFE000  }
0xd9: {  	_ =	swait.ge [sflag:s0], $0x800  }
0xda: {  	s6 =	simm.s32 $0xA00;
	[sflag:s0] =	ssyncset.done $0x0  }
0xdb: {  	s8 =	sadd.s32 $0xB200, s7;
	s7 =	simm.s32 $0x2;
	[sflag:s0] =	ssyncadd.s32 $0xFFFFF800  }
.LBB2_8:
0xdc: {  	[tilespmem:s17], [sflag:$0x5] =	stream.indirect.gather [hbm4b:s5+s12], $0x40, s8, s12, $0xb8;
	[tilespmem:$0x1D400] =	vst v63  }
0xdd: {  	s8 =	smov.u32 s6  }
0xde: {  	p0 =	sne.s32 s6, $0x9600;
	s6 =	sadd.s32 $0xA00, s6;
	_ =	swait.ge [sflag:s18], $0x2000  }
0xdf: {  	s8 =	sshra.s32 s8, $0x2;
	[sflag:s18] =	ssyncset.done $0x0  }
0xe0: {  	s10 =	sadd.s32 $0xD800, s8;
	[sflag:s18] =	ssyncadd.s32 $0xFFFFE000  }
0xe1: {  	[spmem:s2] =	stream.indirect.scatter.add.f32 [tilespmem:s13], [sflag:$0x6], $0x40, s10, s12, $0xb8;
	[tilespmem:$0x1D400] =	vst v63  }
0xe2: {  	_ = 	snop  }
0xe3: {  	[spmem:s3] =	stream.indirect.scatter.add.f32 [tilespmem:s19], [sflag:$0xB], $0x10, s10, s12, $0xb8;
	[tilespmem:$0x1D400] =	vst v63  }
0xe4: {  	_ =	swait.ge [sflag:s20], $0x2000  }
0xe5: {  	[sflag:s20] =	ssyncset.done $0x0  }
0xe6: {  	s10 =	sadd.s32 $0xD880, s8;
	[sflag:s20] =	ssyncadd.s32 $0xFFFFE000  }
0xe7: {  	[spmem:s2] =	stream.indirect.scatter.add.f32 [tilespmem:s14], [sflag:$0x7], $0x40, s10, s12, $0xb8;
	[tilespmem:$0x1D400] =	vst v63  }
0xe8: {  	_ = 	snop  }
0xe9: {  	[spmem:s3] =	stream.indirect.scatter.add.f32 [tilespmem:s19], [sflag:$0xC], $0x10, s10, s12, $0xb8;
	[tilespmem:$0x1D400] =	vst v63  }
0xea: {  	_ =	swait.ge [sflag:s21], $0x2000  }
0xeb: {  	[sflag:s21] =	ssyncset.done $0x0  }
0xec: {  	s10 =	sadd.s32 $0xD900, s8;
	[sflag:s21] =	ssyncadd.s32 $0xFFFFE000  }
0xed: {  	[spmem:s2] =	stream.indirect.scatter.add.f32 [tilespmem:s15], [sflag:$0x8], $0x40, s10, s12, $0xb8;
	[tilespmem:$0x1D400] =	vst v63  }
0xee: {  	_ = 	snop  }
0xef: {  	[spmem:s3] =	stream.indirect.scatter.add.f32 [tilespmem:s19], [sflag:$0xD], $0x10, s10, s12, $0xb8;
	[tilespmem:$0x1D400] =	vst v63  }
0xf0: {  	_ =	swait.ge [sflag:s22], $0x2000  }
0xf1: {  	[sflag:s22] =	ssyncset.done $0x0  }
0xf2: {  	s10 =	sadd.s32 $0xD980, s8;
	[sflag:s22] =	ssyncadd.s32 $0xFFFFE000  }
0xf3: {  	[spmem:s2] =	stream.indirect.scatter.add.f32 [tilespmem:s16], [sflag:$0x9], $0x40, s10, s12, $0xb8;
	[tilespmem:$0x1D400] =	vst v63  }
0xf4: {  	_ = 	snop  }
0xf5: {  	[spmem:s3] =	stream.indirect.scatter.add.f32 [tilespmem:s19], [sflag:$0xE], $0x10, s10, s12, $0xb8;
	[tilespmem:$0x1D400] =	vst v63  }
0xf6: {  	_ =	swait.ge [sflag:s23], $0x2000  }
0xf7: {  	[sflag:s23] =	ssyncset.done $0x0  }
0xf8: {  	s8 =	sadd.s32 $0xDA00, s8;
	[sflag:s23] =	ssyncadd.s32 $0xFFFFE000  }
0xf9: {  	[spmem:s2] =	stream.indirect.scatter.add.f32 [tilespmem:s17], [sflag:$0xA], $0x40, s8, s12, $0xb8;
	[tilespmem:$0x1D400] =	vst v63  }
0xfa: {  	_ = 	snop  }
0xfb: {  	[spmem:s3] =	stream.indirect.scatter.add.f32 [tilespmem:s19], [sflag:$0xF], $0x10, s8, s12, $0xb8;
	[tilespmem:$0x1D400] =	vst v63  }
0xfc: {  	_ =	swait.ge [sflag:s24], $0x2000  }
0xfd: {  	s8 =	smin.u32 s7, $0xF;
	[sflag:s24] =	ssyncset.done $0x0  }
0xfe: {  	s8 =	smul.u32 $0xA00, s8;
	[sflag:s24] =	ssyncadd.s32 $0xFFFFE000  }
0xff: {  	_ =	swait.ge [sflag:s25], $0x800  }
0x100: {  	s8 =	sshrl.u32 s8, $0x2;
	[sflag:s25] =	ssyncset.done $0x0  }
0x101: {  	s10 =	sadd.s32 $0xB000, s8;
	[sflag:s25] =	ssyncadd.s32 $0xFFFFF800  }
0x102: {  	[tilespmem:s13], [sflag:$0x1] =	stream.indirect.gather [hbm4b:s5+s12], $0x40, s10, s12, $0xb8;
	[tilespmem:$0x1D400] =	vst v63  }
0x103: {  	_ =	swait.ge [sflag:s26], $0x2000  }
0x104: {  	[sflag:s26] =	ssyncset.done $0x0  }
0x105: {  	[sflag:s26] =	ssyncadd.s32 $0xFFFFE000  }
0x106: {  	_ =	swait.ge [sflag:s28], $0x800  }
0x107: {  	[sflag:s28] =	ssyncset.done $0x0  }
0x108: {  	s10 =	sadd.s32 $0xB080, s8;
	[sflag:s28] =	ssyncadd.s32 $0xFFFFF800  }
0x109: {  	[tilespmem:s14], [sflag:$0x2] =	stream.indirect.gather [hbm4b:s5+s12], $0x40, s10, s12, $0xb8;
	[tilespmem:$0x1D400] =	vst v63  }
0x10a: {  	_ =	swait.ge [sflag:s29], $0x2000  }
0x10b: {  	[sflag:s29] =	ssyncset.done $0x0  }
0x10c: {  	[sflag:s29] =	ssyncadd.s32 $0xFFFFE000  }
0x10d: {  	_ =	swait.ge [sflag:s11], $0x800  }
0x10e: {  	[sflag:s11] =	ssyncset.done $0x0  }
0x10f: {  	s10 =	sadd.s32 $0xB100, s8;
	[sflag:s11] =	ssyncadd.s32 $0xFFFFF800  }
0x110: {  	[tilespmem:s15], [sflag:$0x3] =	stream.indirect.gather [hbm4b:s5+s12], $0x40, s10, s12, $0xb8;
	[tilespmem:$0x1D400] =	vst v63  }
0x111: {  	_ =	swait.ge [sflag:s30], $0x2000  }
0x112: {  	[sflag:s30] =	ssyncset.done $0x0  }
0x113: {  	[sflag:s30] =	ssyncadd.s32 $0xFFFFE000  }
0x114: {  	_ =	swait.ge [sflag:s31], $0x800  }
0x115: {  	[sflag:s31] =	ssyncset.done $0x0  }
0x116: {  	s10 =	sadd.s32 $0xB180, s8;
	[sflag:s31] =	ssyncadd.s32 $0xFFFFF800  }
0x117: {  	[tilespmem:s16], [sflag:$0x4] =	stream.indirect.gather [hbm4b:s5+s12], $0x40, s10, s12, $0xb8;
	[tilespmem:$0x1D400] =	vst v63  }
0x118: {  	_ =	swait.ge [sflag:s1], $0x2000  }
.Ltmp3:
0x119: {  	[sflag:s1] =	ssyncset.done $0x0;
	(pc) =	sbr.rel @p0 .LBB2_8-.Ltmp3, $4  }
0x11a: {  	[sflag:s1] =	ssyncadd.s32 $0xFFFFE000  }
0x11b: {  	_ =	swait.ge [sflag:s0], $0x800  }
0x11c: {  	[sflag:s0] =	ssyncset.done $0x0  }
0x11d: {  	s7 =	sadd.s32 $0x1, s7;
	s8 =	sadd.s32 $0xB200, s8;
	[sflag:s0] =	ssyncadd.s32 $0xFFFFF800  }
0x11e: {  	[tilespmem:s17], [sflag:$0x5] =	stream.indirect.gather [hbm4b:s5+s12], $0x40, s8, s12, $0xb8;
	[tilespmem:$0x1D400] =	vst v63  }
0x11f: {  	_ =	swait.ge [sflag:s18], $0x2000  }
0x120: {  	[sflag:s18] =	ssyncset.done $0x0  }
0x121: {  	[sflag:s18] =	ssyncadd.s32 $0xFFFFE000  }
0x122: {  	_ =	swait.ge [sflag:s20], $0x2000  }
0x123: {  	[sflag:s20] =	ssyncset.done $0x0  }
0x124: {  	[sflag:s20] =	ssyncadd.s32 $0xFFFFE000  }
0x125: {  	_ =	swait.ge [sflag:s21], $0x2000  }
0x126: {  	[sflag:s21] =	ssyncset.done $0x0  }
0x127: {  	[sflag:s21] =	ssyncadd.s32 $0xFFFFE000  }
0x128: {  	_ =	swait.ge [sflag:s22], $0x2000  }
0x129: {  	[sflag:s22] =	ssyncset.done $0x0  }
0x12a: {  	[sflag:s22] =	ssyncadd.s32 $0xFFFFE000  }
0x12b: {  	_ =	swait.ge [sflag:s23], $0x2000  }
0x12c: {  	[sflag:s23] =	ssyncset.done $0x0  }
0x12d: {  	[sflag:s23] =	ssyncadd.s32 $0xFFFFE000  }
0x12e: {  	s6 =	stileid.u32;
	[bflag:$0x0] =	sbarrier.arrive $0xFFFF  }
0x12f: {  	s6 =	sshll.u32 s6, $0x6;
	s7 =	rddreg [dreg:$0x12]  }
0x130: {  	s6 =	sor.u32 $0x1C10, s6;
	s10 =	rddreg [dreg:$0x16]  }
0x131: {  	[hbm:s7], [sflag:s6] =	dma.local [spmem:s10], $0x1400  }
0x132: {  	_ =	swait.ge [sflag:s9], $0x1400  }
0x133: {  	[sflag:s9] =	ssyncset.done $0x0;
	s8 =	rddreg [dreg:$0x14]  }
0x134: {  	s10 =	rddreg [dreg:$0x17];
	[sflag:s9] =	ssyncadd.s32 $0xFFFFEC00  }
0x135: {  	[hbm:s8], [sflag:s6] =	dma.local [spmem:s10], $0x500  }
0x136: {  	_ =	swait.ge [sflag:s9], $0x500  }
0x137: {  	s4 =	sadd.s32 $0x1, s4;
	s10 =	rddreg [dreg:$0x8]  }
0x138: {  	p0 =	sne.s32 s4, s10  }
.Ltmp4:
0x139: {  	_ = 	snop;
	(pc) =	sbr.rel @p0 .LBB2_1-.Ltmp4, $3  }
0x13a: {  	_ =	sdelay $0x1  }
0x13b: {  	[sflag:s9] =	ssyncset.done $0x0  }
0x13c: {  	[sflag:s9] =	ssyncadd.s32 $0xFFFFFB00  }
0x13d: {  	_ =	sfence.sel $0x180000  }
0x13e: {  	[bflag:$0x0] =	sbarrier.arrive $0xFFFF  }
0x13f: {  	_ =	strace $0x90000047  }
0x140: {  	s0 =	stileid.u32;
	[bflag:$0x2] =	sbarrier.arrive $0xFFFF  }
0x141: {  	p0 =	sne.s32 s0, $0x0;
	s0 =	rddreg [dreg:$0x3]  }
0x142: {  	s0 =	sadd.s32 @!p0 $0x100000, s0  }
0x143: {  	[sflag:s0] =	ssyncadd.tile.s32 @!p0 $0x1;
	_ =	shalt  }
.Lfunc_end2:
_tile_overlayer_lowered:
.L_overlay_start_2:
0x144: {  	(tag) =	ssettag $0x2  }
0x145: {  	s0 =	rddreg [dreg:$0x0];
	s2 =	stileid.u32  }
0x146: {  	s1 =	rddreg [dreg:$0x1];
	p0 =	sne.s32 s2, $0x0  }
0x147: {  	s3 =	rddreg [dreg:$0x2];
	[bflag:$0x3] =	sbarrier.arrive $0xFFFF;
	s2 =	simm.s32 @!p0 $0x1C10  }
0x148: {  	[timem:s3], [sflag:s2] =	dma.local @!p0 [hbm:s0], s1  }
0x149: {  	s0 =	simm.s32 @!p0 $0x10  }
0x14a: {  	_ =	swait.ge @!p0 [sflag:s0], s1  }
0x14b: {  	s1 =	ssub.s32 @!p0 $0x0, s1;
	[sflag:s0] =	ssyncset.done @!p0 $0x0  }
0x14c: {  	[sflag:s0] =	ssyncadd.s32 @!p0 s1  }
0x14d: {  	[bflag:$0x3] =	sbarrier.arrive $0xFFFF  }
0x14e: {  	_ =	shalt  }

</sc_bundles>
